<compile_context>
chip_gen: v7x
topology: tpu7x:2x2x1
jax: 0.10.2.dev20260603
libtpu: 0.0.44.dev20260713+nightly
codegen_flags: <defaults>
</compile_context>

<pallas_src>
import functools

import jax
import jax.numpy as jnp
from jax import lax
from jax.experimental import pallas as pl
from jax.experimental.pallas import tpu as pltpu
from jax.experimental.pallas import tpu_sc as plsc

_K = 128
_IB = 8
_IBF = 16
_PN = 16


@functools.lru_cache(maxsize=None)
def _make_sc_agg(N, E, D):
    try:
        info = plsc.get_sparse_core_info()
        NC, NS = info.num_cores, info.num_subcores
    except ValueError:
        NC, NS = 2, 16
    H = D // 2

    e_pt = E // NS
    NCH = -(-e_pt // _K)
    NCH += (-NCH) % _IBF
    e_dt = E // (2 * NS)
    NCH2 = -(-e_dt // _K)
    NCH2 += (-NCH2) % _IB
    ZR = -(-N // NS)
    ZR += (-ZR) % _K
    NPAD = ZR * NS
    NPP = NPAD // _PN
    ZRP = NPP // NS

    mesh = plsc.VectorSubcoreMesh(core_axis_name="c", subcore_axis_name="s",
                                  num_cores=NC, num_subcores=NS)

    @functools.partial(
        pl.kernel,
        out_type=[
            jax.ShapeDtypeStruct((2, NPAD, H), jnp.float32),
            jax.ShapeDtypeStruct((2, NPP, 128), jnp.float32),
        ],
        mesh=mesh,
        scratch_types=[
            pltpu.VMEM((_IBF, _K), jnp.int32),
            pltpu.VMEM((_IBF, _K), jnp.int32),
            pltpu.VMEM((_K, H), jnp.float32),
            pltpu.VMEM((_K, H), jnp.float32),
            pltpu.VMEM_SHARED((NPAD, H), jnp.float32),
            pltpu.VMEM_SHARED((NPP, 128), jnp.float32),
            pltpu.SemaphoreType.DMA,
            pltpu.SemaphoreType.DMA,
            pltpu.SemaphoreType.DMA,
            pltpu.SemaphoreType.DMA,
        ],
    )
    def sc_agg(x2, pat, srcs, dsts, patd, rowd, zrow, agg_out, deg_out,
               ia_v, ib_v, bufa, bufb, agg_sh, deg_sh, ga, gb, sa, sb):
        buf = bufa
        c = lax.axis_index("c")
        s = lax.axis_index("s")
        NZ = ZR // _K

        pltpu.sync_copy(zrow, buf)

        def zero_blk(i, carry):
            pltpu.sync_copy(buf, agg_sh.at[pl.ds(s * ZR + i * _K, _K)])
            return carry

        lax.fori_loop(0, NZ, zero_blk, 0)
        pltpu.sync_copy(buf.at[pl.ds(0, ZRP)], deg_sh.at[pl.ds(s * ZRP, ZRP)])

        plsc.subcore_barrier()

        bufs = (bufa, bufb)
        gsem = (ga, gb)
        ssem = (sa, sb)

        def run_group(tab, acc, n):
            def gath(p, b):
                return pltpu.make_async_copy(tab.at[ia_v.at[p]], bufs[b],
                                             gsem[b])

            def scat(p, b):
                return pltpu.make_async_copy(bufs[b], acc.at[ib_v.at[p]],
                                             ssem[b])

            gath(0, 0).start()
            for p in range(n):
                b = p & 1
                nb = 1 - b
                gath(p, b).wait()
                scat(p, b).start(add=True)
                if p + 1 < n:
                    if p >= 1:
                        scat(p - 1, nb).wait()
                    gath(p + 1, nb).start()
            scat(n - 2, (n - 2) & 1).wait()
            scat(n - 1, (n - 1) & 1).wait()

        def fgroup(g, carry):
            pltpu.sync_copy(srcs.at[c, s, pl.ds(g * _IBF, _IBF)], ia_v)
            pltpu.sync_copy(dsts.at[s, pl.ds(g * _IBF, _IBF)], ib_v)
            run_group(x2, agg_sh, _IBF)
            return carry

        lax.fori_loop(0, NCH // _IBF, fgroup, 0)

        def dgroup(g, carry):
            pltpu.sync_copy(patd.at[c, s, pl.ds(g * _IB, _IB)],
                            ia_v.at[pl.ds(0, _IB)])
            pltpu.sync_copy(rowd.at[c, s, pl.ds(g * _IB, _IB)],
                            ib_v.at[pl.ds(0, _IB)])
            run_group(pat, deg_sh, _IB)
            return carry

        lax.fori_loop(0, NCH2 // _IB, dgroup, 0)

        plsc.subcore_barrier()

        def out_blk(i, carry):
            off = s * ZR + i * _K
            pltpu.sync_copy(agg_sh.at[pl.ds(off, _K)], buf)
            pltpu.sync_copy(buf, agg_out.at[c, pl.ds(off, _K)])
            return carry

        lax.fori_loop(0, NZ, out_blk, 0)
        pltpu.sync_copy(deg_sh.at[pl.ds(s * ZRP, ZRP)], buf.at[pl.ds(0, ZRP)])
        pltpu.sync_copy(buf.at[pl.ds(0, ZRP)], deg_out.at[c, pl.ds(s * ZRP, ZRP)])

    return sc_agg, NCH, NCH2, ZR, NPAD


def _tc_tail_body(alo_ref, ahi_ref, d0_ref, d1_ref, x_ref, wl_ref, bl_ref,
                  wr_ref, g_ref, b_ref, o_ref):
    deg = d0_ref[0, :, 0:1] + d1_ref[0, :, 0:1]
    inv = 1.0 / jnp.maximum(deg, 1.0)
    h = x_ref.shape[1] // 2
    alo = alo_ref[0] * inv
    ahi = ahi_ref[0] * inv
    out = (jnp.dot(alo, wl_ref[0:h, :], preferred_element_type=jnp.float32)
           + jnp.dot(ahi, wl_ref[h:, :], preferred_element_type=jnp.float32)
           + jnp.dot(x_ref[...], wr_ref[...], preferred_element_type=jnp.float32)
           + bl_ref[...])
    nrm = jnp.sqrt(jnp.sum(out * out, axis=1, keepdims=True))
    out = jnp.maximum(out / jnp.maximum(nrm, 1e-12), 0.0)
    hres = out + x_ref[...]
    mu = jnp.mean(hres, axis=1, keepdims=True)
    hc = hres - mu
    var = jnp.mean(hc * hc, axis=1, keepdims=True)
    o_ref[...] = hc * lax.rsqrt(var + 1e-5) * g_ref[...] + b_ref[...]


def _tc_tail(agg2, deg2, x, W_l, b_l, W_r, gamma, beta):
    N, D = x.shape
    H = D // 2
    BN = 1000
    grid = (N // BN,)
    return pl.pallas_call(
        _tc_tail_body,
        grid=grid,
        in_specs=[
            pl.BlockSpec((1, BN, H), lambda i: (0, i, 0)),
            pl.BlockSpec((1, BN, H), lambda i: (1, i, 0)),
            pl.BlockSpec((1, BN, 8), lambda i: (0, i, 0)),
            pl.BlockSpec((1, BN, 8), lambda i: (1, i, 0)),
            pl.BlockSpec((BN, D), lambda i: (i, 0)),
            pl.BlockSpec((D, D), lambda i: (0, 0)),
            pl.BlockSpec((1, D), lambda i: (0, 0)),
            pl.BlockSpec((D, D), lambda i: (0, 0)),
            pl.BlockSpec((1, D), lambda i: (0, 0)),
            pl.BlockSpec((1, D), lambda i: (0, 0)),
        ],
        out_specs=pl.BlockSpec((BN, D), lambda i: (i, 0)),
        out_shape=jax.ShapeDtypeStruct((N, D), jnp.float32),
    )(agg2, agg2, deg2, deg2, x, W_l, b_l.reshape(1, D), W_r,
      gamma.reshape(1, D), beta.reshape(1, D))


def kernel(x, edge_index, W_l, b_l, W_r, ln_gamma, ln_beta):
    N, D = x.shape
    E = edge_index.shape[1]
    H = D // 2
    NS = 16

    sc_agg, NCH, NCH2, ZR, NPAD = _make_sc_agg(N, E, D)
    e_pt = E // NS
    e_dt = E // (2 * NS)
    EP = NCH * _K
    EP2 = NCH2 * _K

    x2 = jnp.concatenate([x[:, :H], x[:, H:]], axis=0)
    pat = jnp.repeat(jnp.eye(_PN, dtype=jnp.float32), 128 // _PN, axis=1)

    src = edge_index[0].reshape(NS, e_pt)
    dst = edge_index[1].reshape(NS, e_pt)
    src_p = jnp.pad(src, ((0, 0), (0, EP - e_pt)))
    dst_p = jnp.pad(dst, ((0, 0), (0, EP - e_pt)), constant_values=N)
    srcs = jnp.stack([src_p, src_p + N]).reshape(2, NS, NCH, _K)
    dsts = dst_p.reshape(NS, NCH, _K)

    dd = edge_index[1].reshape(2, NS, e_dt)
    dd_p = jnp.pad(dd, ((0, 0), (0, 0), (0, EP2 - e_dt)), constant_values=N)
    patd = (dd_p % _PN).reshape(2, NS, NCH2, _K)
    rowd = (dd_p // _PN).reshape(2, NS, NCH2, _K)

    zrow = jnp.zeros((_K, H), jnp.float32)

    agg2, deg8 = sc_agg(x2, pat, srcs, dsts, patd, rowd, zrow)
    deg2 = deg8.reshape(2, NPAD, 128 // _PN)
    return _tc_tail(agg2, deg2, x, W_l, b_l, W_r, ln_gamma, ln_beta)

# --- scband reference (transcript-rebuilt; emitter-appended) ---
"""Pipeline reference for scband-graph-sagelayer-86543591014917 (READ-ONLY COPY).

The authoritative reference and input builder live on the scoring server;
editing this copy changes nothing except your own understanding.
"""

import jax, jax.numpy as jnp
import numpy as np

N = 10000
E = 160000
D = 256

def setup_inputs(seed: int = 0) -> dict:
    key = jax.random.key(seed)
    k1, k2, k3, k4, k5 = jax.random.split(key, 5)
    x = jax.random.normal(k1, (N, D), dtype=jnp.float32)
    edge_index = jax.random.randint(k2, (2, E), 0, N, dtype=jnp.int32)
    scale = 1.0 / np.sqrt(D)
    # SAGEConv params: lin_l applied to aggregated neighbors (with bias), lin_r applied to root
    W_l = jax.random.uniform(k3, (D, D), dtype=jnp.float32, minval=-scale, maxval=scale)
    b_l = jnp.zeros((D,), dtype=jnp.float32)
    W_r = jax.random.uniform(k4, (D, D), dtype=jnp.float32, minval=-scale, maxval=scale)
    # LayerNorm params
    ln_gamma = jnp.ones((D,), dtype=jnp.float32)
    ln_beta = jnp.zeros((D,), dtype=jnp.float32)
    return {"x": x, "edge_index": edge_index, "W_l": W_l, "b_l": b_l, "W_r": W_r, "ln_gamma": ln_gamma, "ln_beta": ln_beta}

def reference(x, edge_index, W_l, b_l, W_r, ln_gamma, ln_beta):
    src = edge_index[0]
    dst = edge_index[1]
    # message: gather source node features, mean-aggregate at destination
    msgs = jnp.take(x, src, axis=0)
    agg = jax.ops.segment_sum(msgs, dst, num_segments=N)
    deg = jax.ops.segment_sum(jnp.ones((E,), dtype=jnp.float32), dst, num_segments=N)
    mean_agg = agg / jnp.clip(deg, 1.0)[:, None]
    # SAGEConv: lin_l(mean_agg) + lin_r(x), then l2 normalize (normalize=True)
    out = mean_agg @ W_l + b_l + x @ W_r
    norm = jnp.linalg.norm(out, axis=-1, keepdims=True)
    out = out / jnp.clip(norm, 1e-12)
    # activation (relu); dropout is identity in eval mode
    out = jax.nn.relu(out)
    # residual + LayerNorm
    h = out + x
    mu = jnp.mean(h, axis=-1, keepdims=True)
    var = jnp.var(h, axis=-1, keepdims=True)
    out = (h - mu) / jnp.sqrt(var + 1e-5) * ln_gamma + ln_beta
    return out

if __name__ == "__main__":
    import jax
    _d = setup_inputs()
    print(jax.jit(kernel)(*tuple(_d.values())))

</pallas_src>

<mosaic_0001>
#map = affine_map<(d0, d1) -> (0, 0)>
#map1 = affine_map<(d0, d1) -> (0, 0, 0, 0)>
#map2 = affine_map<(d0, d1) -> (0, 0, 0)>
module attributes {stable_mosaic.version = 14 : i64} {
  func.func @sc_agg(%arg0: i32, %arg1: i32, %arg2: memref<20000x128xf32, #tpu.memory_space<hbm>>, %arg3: memref<16x128xf32, #tpu.memory_space<hbm>>, %arg4: memref<2x16x80x128xi32, #tpu.memory_space<hbm>>, %arg5: memref<16x80x128xi32, #tpu.memory_space<hbm>>, %arg6: memref<2x16x40x128xi32, #tpu.memory_space<hbm>>, %arg7: memref<2x16x40x128xi32, #tpu.memory_space<hbm>>, %arg8: memref<128x128xf32, #tpu.memory_space<hbm>>, %arg9: memref<2x10240x128xf32, #tpu.memory_space<hbm>>, %arg10: memref<2x640x128xf32, #tpu.memory_space<hbm>>, %arg11: memref<16x128xi32, #tpu.memory_space<vmem>>, %arg12: memref<16x128xi32, #tpu.memory_space<vmem>>, %arg13: memref<128x128xf32, #tpu.memory_space<vmem>>, %arg14: memref<128x128xf32, #tpu.memory_space<vmem>>, %arg15: memref<10240x128xf32, #tpu.memory_space<vmem_shared>>, %arg16: memref<640x128xf32, #tpu.memory_space<vmem_shared>>, %arg17: memref<!tpu.dma_semaphore, #tpu.memory_space<semaphore_mem>>, %arg18: memref<!tpu.dma_semaphore, #tpu.memory_space<semaphore_mem>>, %arg19: memref<!tpu.dma_semaphore, #tpu.memory_space<semaphore_mem>>, %arg20: memref<!tpu.dma_semaphore, #tpu.memory_space<semaphore_mem>>) attributes {dimension_semantics = [#tpu.dimension_semantics<core_parallel>, #tpu.dimension_semantics<subcore_parallel>], iteration_bounds = array<i64: 2, 16>, scalar_prefetch = 0 : i64, scratch_operands = 10 : i64, tpu.core_type = #tpu.core_type<sc_vector_subcore>, window_params = [{transform_indices = #map}, {transform_indices = #map}, {transform_indices = #map1}, {transform_indices = #map2}, {transform_indices = #map1}, {transform_indices = #map1}, {transform_indices = #map}, {transform_indices = #map2}, {transform_indices = #map2}]} {
    "tpu.region"() ({
      %run_scoped3A = tpu.sem_alloc : memref<!tpu.dma_semaphore, #tpu.memory_space<semaphore_mem>>
      tpu.enqueue_dma source(%arg8 : memref<128x128xf32, #tpu.memory_space<hbm>>) target(%arg13 : memref<128x128xf32, #tpu.memory_space<vmem>>) target_semaphore(%run_scoped3A : memref<!tpu.dma_semaphore, #tpu.memory_space<semaphore_mem>>)
      tpu.wait_dma2 semaphore(%run_scoped3A : memref<!tpu.dma_semaphore, #tpu.memory_space<semaphore_mem>>) src(%arg8 : memref<128x128xf32, #tpu.memory_space<hbm>>) dst(%arg13 : memref<128x128xf32, #tpu.memory_space<vmem>>)
      tpu.yield
    }) : () -> ()
    %scan3A = arith.constant 0 : i32
    %scan3A_0 = arith.constant 0 : i32
    %scan3A_1 = arith.constant 5 : i32
    %scan3A_2 = arith.addi %scan3A_0, %scan3A_1 : i32
    %scan3A_3 = arith.constant 1 : i32
    scf.for %scan3A_29 = %scan3A_0 to %scan3A_2 step %scan3A_3  : i32 {
      %mul3A_30 = arith.constant 640 : i32
      %mul3A_31 = arith.muli %arg1, %mul3A_30 : i32
      %mul3A_32 = arith.constant 128 : i32
      %mul3A_33 = arith.muli %scan3A_29, %mul3A_32 : i32
      %add3A = arith.addi %mul3A_31, %mul3A_33 : i32
      "tpu.region"() ({
        %run_scoped3A = tpu.sem_alloc : memref<!tpu.dma_semaphore, #tpu.memory_space<semaphore_mem>>
        %dma_start3A = arith.constant 0 : i32
        %dma_start3A_34 = tpu.memref_slice %arg15[%add3A, %dma_start3A] : memref<10240x128xf32, #tpu.memory_space<vmem_shared>> -> memref<128x128xf32, #tpu.memory_space<vmem_shared>>
        %dma_start3A_35 = arith.constant 0 : i32
        %dma_start3A_36 = tpu.memref_slice %arg15[%add3A, %dma_start3A_35] : memref<10240x128xf32, #tpu.memory_space<vmem_shared>> -> memref<128x128xf32, #tpu.memory_space<vmem_shared>>
        tpu.enqueue_dma source(%arg13 : memref<128x128xf32, #tpu.memory_space<vmem>>) target(%dma_start3A_36 : memref<128x128xf32, #tpu.memory_space<vmem_shared>>) target_semaphore(%run_scoped3A : memref<!tpu.dma_semaphore, #tpu.memory_space<semaphore_mem>>)
        %dma_wait3A = arith.constant 0 : i32
        %dma_wait3A_37 = tpu.memref_slice %arg15[%add3A, %dma_wait3A] : memref<10240x128xf32, #tpu.memory_space<vmem_shared>> -> memref<128x128xf32, #tpu.memory_space<vmem_shared>>
        %dma_wait3A_38 = arith.constant 0 : i32
        %dma_wait3A_39 = tpu.memref_slice %arg15[%add3A, %dma_wait3A_38] : memref<10240x128xf32, #tpu.memory_space<vmem_shared>> -> memref<128x128xf32, #tpu.memory_space<vmem_shared>>
        tpu.wait_dma2 semaphore(%run_scoped3A : memref<!tpu.dma_semaphore, #tpu.memory_space<semaphore_mem>>) src(%arg13 : memref<128x128xf32, #tpu.memory_space<vmem>>) dst(%dma_wait3A_39 : memref<128x128xf32, #tpu.memory_space<vmem_shared>>)
        tpu.yield
      }) : () -> ()
    }
    %scan3A_4 = arith.constant 5 : i32
    %mul3A = arith.constant 40 : i32
    %mul3A_5 = arith.muli %arg1, %mul3A : i32
    "tpu.region"() ({
      %run_scoped3A = tpu.sem_alloc : memref<!tpu.dma_semaphore, #tpu.memory_space<semaphore_mem>>
      %dma_start3A = arith.constant 0 : i32
      %dma_start3A_29 = arith.constant 0 : i32
      %dma_start3A_30 = tpu.memref_slice %arg13[%dma_start3A, %dma_start3A_29] : memref<128x128xf32, #tpu.memory_space<vmem>> -> memref<40x128xf32, #tpu.memory_space<vmem>>
      %dma_start3A_31 = arith.constant 0 : i32
      %dma_start3A_32 = tpu.memref_slice %arg16[%mul3A_5, %dma_start3A_31] : memref<640x128xf32, #tpu.memory_space<vmem_shared>> -> memref<40x128xf32, #tpu.memory_space<vmem_shared>>
      %dma_start3A_33 = arith.constant 0 : i32
      %dma_start3A_34 = tpu.memref_slice %arg16[%mul3A_5, %dma_start3A_33] : memref<640x128xf32, #tpu.memory_space<vmem_shared>> -> memref<40x128xf32, #tpu.memory_space<vmem_shared>>
      %dma_start3A_35 = arith.constant 0 : i32
      %dma_start3A_36 = arith.constant 0 : i32
      %dma_start3A_37 = tpu.memref_slice %arg13[%dma_start3A_35, %dma_start3A_36] : memref<128x128xf32, #tpu.memory_space<vmem>> -> memref<40x128xf32, #tpu.memory_space<vmem>>
      tpu.enqueue_dma source(%dma_start3A_37 : memref<40x128xf32, #tpu.memory_space<vmem>>) target(%dma_start3A_34 : memref<40x128xf32, #tpu.memory_space<vmem_shared>>) target_semaphore(%run_scoped3A : memref<!tpu.dma_semaphore, #tpu.memory_space<semaphore_mem>>)
      %dma_wait3A = arith.constant 0 : i32
      %dma_wait3A_38 = arith.constant 0 : i32
      %dma_wait3A_39 = tpu.memref_slice %arg13[%dma_wait3A, %dma_wait3A_38] : memref<128x128xf32, #tpu.memory_space<vmem>> -> memref<40x128xf32, #tpu.memory_space<vmem>>
      %dma_wait3A_40 = arith.constant 0 : i32
      %dma_wait3A_41 = tpu.memref_slice %arg16[%mul3A_5, %dma_wait3A_40] : memref<640x128xf32, #tpu.memory_space<vmem_shared>> -> memref<40x128xf32, #tpu.memory_space<vmem_shared>>
      %dma_wait3A_42 = arith.constant 0 : i32
      %dma_wait3A_43 = tpu.memref_slice %arg16[%mul3A_5, %dma_wait3A_42] : memref<640x128xf32, #tpu.memory_space<vmem_shared>> -> memref<40x128xf32, #tpu.memory_space<vmem_shared>>
      %dma_wait3A_44 = arith.constant 0 : i32
      %dma_wait3A_45 = arith.constant 0 : i32
      %dma_wait3A_46 = tpu.memref_slice %arg13[%dma_wait3A_44, %dma_wait3A_45] : memref<128x128xf32, #tpu.memory_space<vmem>> -> memref<40x128xf32, #tpu.memory_space<vmem>>
      tpu.wait_dma2 semaphore(%run_scoped3A : memref<!tpu.dma_semaphore, #tpu.memory_space<semaphore_mem>>) src(%dma_wait3A_46 : memref<40x128xf32, #tpu.memory_space<vmem>>) dst(%dma_wait3A_43 : memref<40x128xf32, #tpu.memory_space<vmem_shared>>)
      tpu.yield
    }) : () -> ()
    %barrier3A = arith.constant 0 : index
    tpu.barrier barrier_id(%barrier3A)
    %scan3A_6 = arith.constant 0 : i32
    %scan3A_7 = arith.constant 0 : i32
    %scan3A_8 = arith.constant 5 : i32
    %scan3A_9 = arith.addi %scan3A_7, %scan3A_8 : i32
    %scan3A_10 = arith.constant 1 : i32
    scf.for %scan3A_29 = %scan3A_7 to %scan3A_9 step %scan3A_10  : i32 {
      %mul3A_30 = arith.constant 16 : i32
      %mul3A_31 = arith.muli %scan3A_29, %mul3A_30 : i32
      "tpu.region"() ({
        %run_scoped3A = tpu.sem_alloc : memref<!tpu.dma_semaphore, #tpu.memory_space<semaphore_mem>>
        %dma_start3A_480 = arith.constant 0 : i32
        %dma_start3A_481 = tpu.memref_slice %arg4[%arg0, %arg1, %mul3A_31, %dma_start3A_480] : memref<2x16x80x128xi32, #tpu.memory_space<hbm>> -> memref<1x1x16x128xi32, #tpu.memory_space<hbm>>
        %dma_start3A_482 = tpu.memref_squeeze %dma_start3A_481 : memref<1x1x16x128xi32, #tpu.memory_space<hbm>> -> memref<16x128xi32, #tpu.memory_space<hbm>>
        %dma_start3A_483 = arith.constant 0 : i32
        %dma_start3A_484 = tpu.memref_slice %arg4[%arg0, %arg1, %mul3A_31, %dma_start3A_483] : memref<2x16x80x128xi32, #tpu.memory_space<hbm>> -> memref<1x1x16x128xi32, #tpu.memory_space<hbm>>
        %dma_start3A_485 = tpu.memref_squeeze %dma_start3A_484 : memref<1x1x16x128xi32, #tpu.memory_space<hbm>> -> memref<16x128xi32, #tpu.memory_space<hbm>>
        tpu.enqueue_dma source(%dma_start3A_485 : memref<16x128xi32, #tpu.memory_space<hbm>>) target(%arg11 : memref<16x128xi32, #tpu.memory_space<vmem>>) target_semaphore(%run_scoped3A : memref<!tpu.dma_semaphore, #tpu.memory_space<semaphore_mem>>)
        %dma_wait3A_486 = arith.constant 0 : i32
        %dma_wait3A_487 = tpu.memref_slice %arg4[%arg0, %arg1, %mul3A_31, %dma_wait3A_486] : memref<2x16x80x128xi32, #tpu.memory_space<hbm>> -> memref<1x1x16x128xi32, #tpu.memory_space<hbm>>
        %dma_wait3A_488 = tpu.memref_squeeze %dma_wait3A_487 : memref<1x1x16x128xi32, #tpu.memory_space<hbm>> -> memref<16x128xi32, #tpu.memory_space<hbm>>
        %dma_wait3A_489 = arith.constant 0 : i32
        %dma_wait3A_490 = tpu.memref_slice %arg4[%arg0, %arg1, %mul3A_31, %dma_wait3A_489] : memref<2x16x80x128xi32, #tpu.memory_space<hbm>> -> memref<1x1x16x128xi32, #tpu.memory_space<hbm>>
        %dma_wait3A_491 = tpu.memref_squeeze %dma_wait3A_490 : memref<1x1x16x128xi32, #tpu.memory_space<hbm>> -> memref<16x128xi32, #tpu.memory_space<hbm>>
        tpu.wait_dma2 semaphore(%run_scoped3A : memref<!tpu.dma_semaphore, #tpu.memory_space<semaphore_mem>>) src(%dma_wait3A_491 : memref<16x128xi32, #tpu.memory_space<hbm>>) dst(%arg11 : memref<16x128xi32, #tpu.memory_space<vmem>>)
        tpu.yield
      }) : () -> ()
      %mul3A_32 = arith.constant 16 : i32
      %mul3A_33 = arith.muli %scan3A_29, %mul3A_32 : i32
      "tpu.region"() ({
        %run_scoped3A = tpu.sem_alloc : memref<!tpu.dma_semaphore, #tpu.memory_space<semaphore_mem>>
        %dma_start3A_480 = arith.constant 0 : i32
        %dma_start3A_481 = tpu.memref_slice %arg5[%arg1, %mul3A_33, %dma_start3A_480] : memref<16x80x128xi32, #tpu.memory_space<hbm>> -> memref<1x16x128xi32, #tpu.memory_space<hbm>>
        %dma_start3A_482 = tpu.memref_squeeze %dma_start3A_481 : memref<1x16x128xi32, #tpu.memory_space<hbm>> -> memref<16x128xi32, #tpu.memory_space<hbm>>
        %dma_start3A_483 = arith.constant 0 : i32
        %dma_start3A_484 = tpu.memref_slice %arg5[%arg1, %mul3A_33, %dma_start3A_483] : memref<16x80x128xi32, #tpu.memory_space<hbm>> -> memref<1x16x128xi32, #tpu.memory_space<hbm>>
        %dma_start3A_485 = tpu.memref_squeeze %dma_start3A_484 : memref<1x16x128xi32, #tpu.memory_space<hbm>> -> memref<16x128xi32, #tpu.memory_space<hbm>>
        tpu.enqueue_dma source(%dma_start3A_485 : memref<16x128xi32, #tpu.memory_space<hbm>>) target(%arg12 : memref<16x128xi32, #tpu.memory_space<vmem>>) target_semaphore(%run_scoped3A : memref<!tpu.dma_semaphore, #tpu.memory_space<semaphore_mem>>)
        %dma_wait3A_486 = arith.constant 0 : i32
        %dma_wait3A_487 = tpu.memref_slice %arg5[%arg1, %mul3A_33, %dma_wait3A_486] : memref<16x80x128xi32, #tpu.memory_space<hbm>> -> memref<1x16x128xi32, #tpu.memory_space<hbm>>
        %dma_wait3A_488 = tpu.memref_squeeze %dma_wait3A_487 : memref<1x16x128xi32, #tpu.memory_space<hbm>> -> memref<16x128xi32, #tpu.memory_space<hbm>>
        %dma_wait3A_489 = arith.constant 0 : i32
        %dma_wait3A_490 = tpu.memref_slice %arg5[%arg1, %mul3A_33, %dma_wait3A_489] : memref<16x80x128xi32, #tpu.memory_space<hbm>> -> memref<1x16x128xi32, #tpu.memory_space<hbm>>
        %dma_wait3A_491 = tpu.memref_squeeze %dma_wait3A_490 : memref<1x16x128xi32, #tpu.memory_space<hbm>> -> memref<16x128xi32, #tpu.memory_space<hbm>>
        tpu.wait_dma2 semaphore(%run_scoped3A : memref<!tpu.dma_semaphore, #tpu.memory_space<semaphore_mem>>) src(%dma_wait3A_491 : memref<16x128xi32, #tpu.memory_space<hbm>>) dst(%arg12 : memref<16x128xi32, #tpu.memory_space<vmem>>)
        tpu.yield
      }) : () -> ()
      %dma_start3A = arith.constant 0 : i32
      %dma_start3A_34 = arith.constant 0 : i32
      %dma_start3A_35 = tpu.memref_slice %arg11[%dma_start3A, %dma_start3A_34] : memref<16x128xi32, #tpu.memory_space<vmem>> -> memref<1x128xi32, #tpu.memory_space<vmem>>
      %dma_start3A_36 = tpu.memref_squeeze %dma_start3A_35 : memref<1x128xi32, #tpu.memory_space<vmem>> -> memref<128xi32, #tpu.memory_space<vmem>>
      %dma_start3A_37 = arith.constant 0 : i32
      %dma_start3A_38 = arith.constant 0 : i32
      %dma_start3A_39 = tpu.memref_slice %arg2[%dma_start3A_37, %dma_start3A_38] : memref<20000x128xf32, #tpu.memory_space<hbm>> -> memref<20000x128xf32, #tpu.memory_space<hbm>>
      tpu.enqueue_indirect_dma source(%dma_start3A_39 : memref<20000x128xf32, #tpu.memory_space<hbm>>) target(%arg13 : memref<128x128xf32, #tpu.memory_space<vmem>>) offsets(%dma_start3A_36 : memref<128xi32, #tpu.memory_space<vmem>>) semaphore(%arg17 : memref<!tpu.dma_semaphore, #tpu.memory_space<semaphore_mem>>)
      %dma_wait3A = arith.constant 0 : i32
      %dma_wait3A_40 = arith.constant 0 : i32
      %dma_wait3A_41 = tpu.memref_slice %arg11[%dma_wait3A, %dma_wait3A_40] : memref<16x128xi32, #tpu.memory_space<vmem>> -> memref<1x128xi32, #tpu.memory_space<vmem>>
      %dma_wait3A_42 = tpu.memref_squeeze %dma_wait3A_41 : memref<1x128xi32, #tpu.memory_space<vmem>> -> memref<128xi32, #tpu.memory_space<vmem>>
      %dma_wait3A_43 = arith.constant 0 : i32
      %dma_wait3A_44 = arith.constant 0 : i32
      %dma_wait3A_45 = tpu.memref_slice %arg2[%dma_wait3A_43, %dma_wait3A_44] : memref<20000x128xf32, #tpu.memory_space<hbm>> -> memref<20000x128xf32, #tpu.memory_space<hbm>>
      tpu.wait_indirect_dma semaphore(%arg17 : memref<!tpu.dma_semaphore, #tpu.memory_space<semaphore_mem>>) src(%dma_wait3A_45 : memref<20000x128xf32, #tpu.memory_space<hbm>>) dst(%arg13 : memref<128x128xf32, #tpu.memory_space<vmem>>)
      %dma_start3A_46 = arith.constant 0 : i32
      %dma_start3A_47 = arith.constant 0 : i32
      %dma_start3A_48 = tpu.memref_slice %arg12[%dma_start3A_46, %dma_start3A_47] : memref<16x128xi32, #tpu.memory_space<vmem>> -> memref<1x128xi32, #tpu.memory_space<vmem>>
      %dma_start3A_49 = tpu.memref_squeeze %dma_start3A_48 : memref<1x128xi32, #tpu.memory_space<vmem>> -> memref<128xi32, #tpu.memory_space<vmem>>
      %dma_start3A_50 = arith.constant 0 : i32
      %dma_start3A_51 = arith.constant 0 : i32
      %dma_start3A_52 = tpu.memref_slice %arg15[%dma_start3A_50, %dma_start3A_51] : memref<10240x128xf32, #tpu.memory_space<vmem_shared>> -> memref<10240x128xf32, #tpu.memory_space<vmem_shared>>
      tpu.enqueue_indirect_dma source(%arg13 : memref<128x128xf32, #tpu.memory_space<vmem>>) target(%dma_start3A_52 : memref<10240x128xf32, #tpu.memory_space<vmem_shared>>) offsets(%dma_start3A_49 : memref<128xi32, #tpu.memory_space<vmem>>) semaphore(%arg19 : memref<!tpu.dma_semaphore, #tpu.memory_space<semaphore_mem>>) {add = true}
      %dma_start3A_53 = arith.constant 1 : i32
      %dma_start3A_54 = arith.constant 0 : i32
      %dma_start3A_55 = tpu.memref_slice %arg11[%dma_start3A_53, %dma_start3A_54] : memref<16x128xi32, #tpu.memory_space<vmem>> -> memref<1x128xi32, #tpu.memory_space<vmem>>
      %dma_start3A_56 = tpu.memref_squeeze %dma_start3A_55 : memref<1x128xi32, #tpu.memory_space<vmem>> -> memref<128xi32, #tpu.memory_space<vmem>>
      %dma_start3A_57 = arith.constant 0 : i32
      %dma_start3A_58 = arith.constant 0 : i32
      %dma_start3A_59 = tpu.memref_slice %arg2[%dma_start3A_57, %dma_start3A_58] : memref<20000x128xf32, #tpu.memory_space<hbm>> -> memref<20000x128xf32, #tpu.memory_space<hbm>>
      tpu.enqueue_indirect_dma source(%dma_start3A_59 : memref<20000x128xf32, #tpu.memory_space<hbm>>) target(%arg14 : memref<128x128xf32, #tpu.memory_space<vmem>>) offsets(%dma_start3A_56 : memref<128xi32, #tpu.memory_space<vmem>>) semaphore(%arg18 : memref<!tpu.dma_semaphore, #tpu.memory_space<semaphore_mem>>)
      %dma_wait3A_60 = arith.constant 1 : i32
      %dma_wait3A_61 = arith.constant 0 : i32
      %dma_wait3A_62 = tpu.memref_slice %arg11[%dma_wait3A_60, %dma_wait3A_61] : memref<16x128xi32, #tpu.memory_space<vmem>> -> memref<1x128xi32, #tpu.memory_space<vmem>>
      %dma_wait3A_63 = tpu.memref_squeeze %dma_wait3A_62 : memref<1x128xi32, #tpu.memory_space<vmem>> -> memref<128xi32, #tpu.memory_space<vmem>>
      %dma_wait3A_64 = arith.constant 0 : i32
      %dma_wait3A_65 = arith.constant 0 : i32
      %dma_wait3A_66 = tpu.memref_slice %arg2[%dma_wait3A_64, %dma_wait3A_65] : memref<20000x128xf32, #tpu.memory_space<hbm>> -> memref<20000x128xf32, #tpu.memory_space<hbm>>
      tpu.wait_indirect_dma semaphore(%arg18 : memref<!tpu.dma_semaphore, #tpu.memory_space<semaphore_mem>>) src(%dma_wait3A_66 : memref<20000x128xf32, #tpu.memory_space<hbm>>) dst(%arg14 : memref<128x128xf32, #tpu.memory_space<vmem>>)
      %dma_start3A_67 = arith.constant 1 : i32
      %dma_start3A_68 = arith.constant 0 : i32
      %dma_start3A_69 = tpu.memref_slice %arg12[%dma_start3A_67, %dma_start3A_68] : memref<16x128xi32, #tpu.memory_space<vmem>> -> memref<1x128xi32, #tpu.memory_space<vmem>>
      %dma_start3A_70 = tpu.memref_squeeze %dma_start3A_69 : memref<1x128xi32, #tpu.memory_space<vmem>> -> memref<128xi32, #tpu.memory_space<vmem>>
      %dma_start3A_71 = arith.constant 0 : i32
      %dma_start3A_72 = arith.constant 0 : i32
      %dma_start3A_73 = tpu.memref_slice %arg15[%dma_start3A_71, %dma_start3A_72] : memref<10240x128xf32, #tpu.memory_space<vmem_shared>> -> memref<10240x128xf32, #tpu.memory_space<vmem_shared>>
      tpu.enqueue_indirect_dma source(%arg14 : memref<128x128xf32, #tpu.memory_space<vmem>>) target(%dma_start3A_73 : memref<10240x128xf32, #tpu.memory_space<vmem_shared>>) offsets(%dma_start3A_70 : memref<128xi32, #tpu.memory_space<vmem>>) semaphore(%arg20 : memref<!tpu.dma_semaphore, #tpu.memory_space<semaphore_mem>>) {add = true}
      %dma_wait3A_74 = arith.constant 0 : i32
      %dma_wait3A_75 = arith.constant 0 : i32
      %dma_wait3A_76 = tpu.memref_slice %arg12[%dma_wait3A_74, %dma_wait3A_75] : memref<16x128xi32, #tpu.memory_space<vmem>> -> memref<1x128xi32, #tpu.memory_space<vmem>>
      %dma_wait3A_77 = tpu.memref_squeeze %dma_wait3A_76 : memref<1x128xi32, #tpu.memory_space<vmem>> -> memref<128xi32, #tpu.memory_space<vmem>>
      %dma_wait3A_78 = arith.constant 0 : i32
      %dma_wait3A_79 = arith.constant 0 : i32
      %dma_wait3A_80 = tpu.memref_slice %arg15[%dma_wait3A_78, %dma_wait3A_79] : memref<10240x128xf32, #tpu.memory_space<vmem_shared>> -> memref<10240x128xf32, #tpu.memory_space<vmem_shared>>
      tpu.wait_indirect_dma semaphore(%arg19 : memref<!tpu.dma_semaphore, #tpu.memory_space<semaphore_mem>>) src(%arg13 : memref<128x128xf32, #tpu.memory_space<vmem>>) dst(%dma_wait3A_80 : memref<10240x128xf32, #tpu.memory_space<vmem_shared>>)
      %dma_start3A_81 = arith.constant 2 : i32
      %dma_start3A_82 = arith.constant 0 : i32
      %dma_start3A_83 = tpu.memref_slice %arg11[%dma_start3A_81, %dma_start3A_82] : memref<16x128xi32, #tpu.memory_space<vmem>> -> memref<1x128xi32, #tpu.memory_space<vmem>>
      %dma_start3A_84 = tpu.memref_squeeze %dma_start3A_83 : memref<1x128xi32, #tpu.memory_space<vmem>> -> memref<128xi32, #tpu.memory_space<vmem>>
      %dma_start3A_85 = arith.constant 0 : i32
      %dma_start3A_86 = arith.constant 0 : i32
      %dma_start3A_87 = tpu.memref_slice %arg2[%dma_start3A_85, %dma_start3A_86] : memref<20000x128xf32, #tpu.memory_space<hbm>> -> memref<20000x128xf32, #tpu.memory_space<hbm>>
      tpu.enqueue_indirect_dma source(%dma_start3A_87 : memref<20000x128xf32, #tpu.memory_space<hbm>>) target(%arg13 : memref<128x128xf32, #tpu.memory_space<vmem>>) offsets(%dma_start3A_84 : memref<128xi32, #tpu.memory_space<vmem>>) semaphore(%arg17 : memref<!tpu.dma_semaphore, #tpu.memory_space<semaphore_mem>>)
      %dma_wait3A_88 = arith.constant 2 : i32
      %dma_wait3A_89 = arith.constant 0 : i32
      %dma_wait3A_90 = tpu.memref_slice %arg11[%dma_wait3A_88, %dma_wait3A_89] : memref<16x128xi32, #tpu.memory_space<vmem>> -> memref<1x128xi32, #tpu.memory_space<vmem>>
      %dma_wait3A_91 = tpu.memref_squeeze %dma_wait3A_90 : memref<1x128xi32, #tpu.memory_space<vmem>> -> memref<128xi32, #tpu.memory_space<vmem>>
      %dma_wait3A_92 = arith.constant 0 : i32
      %dma_wait3A_93 = arith.constant 0 : i32
      %dma_wait3A_94 = tpu.memref_slice %arg2[%dma_wait3A_92, %dma_wait3A_93] : memref<20000x128xf32, #tpu.memory_space<hbm>> -> memref<20000x128xf32, #tpu.memory_space<hbm>>
      tpu.wait_indirect_dma semaphore(%arg17 : memref<!tpu.dma_semaphore, #tpu.memory_space<semaphore_mem>>) src(%dma_wait3A_94 : memref<20000x128xf32, #tpu.memory_space<hbm>>) dst(%arg13 : memref<128x128xf32, #tpu.memory_space<vmem>>)
      %dma_start3A_95 = arith.constant 2 : i32
      %dma_start3A_96 = arith.constant 0 : i32
      %dma_start3A_97 = tpu.memref_slice %arg12[%dma_start3A_95, %dma_start3A_96] : memref<16x128xi32, #tpu.memory_space<vmem>> -> memref<1x128xi32, #tpu.memory_space<vmem>>
      %dma_start3A_98 = tpu.memref_squeeze %dma_start3A_97 : memref<1x128xi32, #tpu.memory_space<vmem>> -> memref<128xi32, #tpu.memory_space<vmem>>
      %dma_start3A_99 = arith.constant 0 : i32
      %dma_start3A_100 = arith.constant 0 : i32
      %dma_start3A_101 = tpu.memref_slice %arg15[%dma_start3A_99, %dma_start3A_100] : memref<10240x128xf32, #tpu.memory_space<vmem_shared>> -> memref<10240x128xf32, #tpu.memory_space<vmem_shared>>
      tpu.enqueue_indirect_dma source(%arg13 : memref<128x128xf32, #tpu.memory_space<vmem>>) target(%dma_start3A_101 : memref<10240x128xf32, #tpu.memory_space<vmem_shared>>) offsets(%dma_start3A_98 : memref<128xi32, #tpu.memory_space<vmem>>) semaphore(%arg19 : memref<!tpu.dma_semaphore, #tpu.memory_space<semaphore_mem>>) {add = true}
      %dma_wait3A_102 = arith.constant 1 : i32
      %dma_wait3A_103 = arith.constant 0 : i32
      %dma_wait3A_104 = tpu.memref_slice %arg12[%dma_wait3A_102, %dma_wait3A_103] : memref<16x128xi32, #tpu.memory_space<vmem>> -> memref<1x128xi32, #tpu.memory_space<vmem>>
      %dma_wait3A_105 = tpu.memref_squeeze %dma_wait3A_104 : memref<1x128xi32, #tpu.memory_space<vmem>> -> memref<128xi32, #tpu.memory_space<vmem>>
      %dma_wait3A_106 = arith.constant 0 : i32
      %dma_wait3A_107 = arith.constant 0 : i32
      %dma_wait3A_108 = tpu.memref_slice %arg15[%dma_wait3A_106, %dma_wait3A_107] : memref<10240x128xf32, #tpu.memory_space<vmem_shared>> -> memref<10240x128xf32, #tpu.memory_space<vmem_shared>>
      tpu.wait_indirect_dma semaphore(%arg20 : memref<!tpu.dma_semaphore, #tpu.memory_space<semaphore_mem>>) src(%arg14 : memref<128x128xf32, #tpu.memory_space<vmem>>) dst(%dma_wait3A_108 : memref<10240x128xf32, #tpu.memory_space<vmem_shared>>)
      %dma_start3A_109 = arith.constant 3 : i32
      %dma_start3A_110 = arith.constant 0 : i32
      %dma_start3A_111 = tpu.memref_slice %arg11[%dma_start3A_109, %dma_start3A_110] : memref<16x128xi32, #tpu.memory_space<vmem>> -> memref<1x128xi32, #tpu.memory_space<vmem>>
      %dma_start3A_112 = tpu.memref_squeeze %dma_start3A_111 : memref<1x128xi32, #tpu.memory_space<vmem>> -> memref<128xi32, #tpu.memory_space<vmem>>
      %dma_start3A_113 = arith.constant 0 : i32
      %dma_start3A_114 = arith.constant 0 : i32
      %dma_start3A_115 = tpu.memref_slice %arg2[%dma_start3A_113, %dma_start3A_114] : memref<20000x128xf32, #tpu.memory_space<hbm>> -> memref<20000x128xf32, #tpu.memory_space<hbm>>
      tpu.enqueue_indirect_dma source(%dma_start3A_115 : memref<20000x128xf32, #tpu.memory_space<hbm>>) target(%arg14 : memref<128x128xf32, #tpu.memory_space<vmem>>) offsets(%dma_start3A_112 : memref<128xi32, #tpu.memory_space<vmem>>) semaphore(%arg18 : memref<!tpu.dma_semaphore, #tpu.memory_space<semaphore_mem>>)
      %dma_wait3A_116 = arith.constant 3 : i32
      %dma_wait3A_117 = arith.constant 0 : i32
      %dma_wait3A_118 = tpu.memref_slice %arg11[%dma_wait3A_116, %dma_wait3A_117] : memref<16x128xi32, #tpu.memory_space<vmem>> -> memref<1x128xi32, #tpu.memory_space<vmem>>
      %dma_wait3A_119 = tpu.memref_squeeze %dma_wait3A_118 : memref<1x128xi32, #tpu.memory_space<vmem>> -> memref<128xi32, #tpu.memory_space<vmem>>
      %dma_wait3A_120 = arith.constant 0 : i32
      %dma_wait3A_121 = arith.constant 0 : i32
      %dma_wait3A_122 = tpu.memref_slice %arg2[%dma_wait3A_120, %dma_wait3A_121] : memref<20000x128xf32, #tpu.memory_space<hbm>> -> memref<20000x128xf32, #tpu.memory_space<hbm>>
      tpu.wait_indirect_dma semaphore(%arg18 : memref<!tpu.dma_semaphore, #tpu.memory_space<semaphore_mem>>) src(%dma_wait3A_122 : memref<20000x128xf32, #tpu.memory_space<hbm>>) dst(%arg14 : memref<128x128xf32, #tpu.memory_space<vmem>>)
      %dma_start3A_123 = arith.constant 3 : i32
      %dma_start3A_124 = arith.constant 0 : i32
      %dma_start3A_125 = tpu.memref_slice %arg12[%dma_start3A_123, %dma_start3A_124] : memref<16x128xi32, #tpu.memory_space<vmem>> -> memref<1x128xi32, #tpu.memory_space<vmem>>
      %dma_start3A_126 = tpu.memref_squeeze %dma_start3A_125 : memref<1x128xi32, #tpu.memory_space<vmem>> -> memref<128xi32, #tpu.memory_space<vmem>>
      %dma_start3A_127 = arith.constant 0 : i32
      %dma_start3A_128 = arith.constant 0 : i32
      %dma_start3A_129 = tpu.memref_slice %arg15[%dma_start3A_127, %dma_start3A_128] : memref<10240x128xf32, #tpu.memory_space<vmem_shared>> -> memref<10240x128xf32, #tpu.memory_space<vmem_shared>>
      tpu.enqueue_indirect_dma source(%arg14 : memref<128x128xf32, #tpu.memory_space<vmem>>) target(%dma_start3A_129 : memref<10240x128xf32, #tpu.memory_space<vmem_shared>>) offsets(%dma_start3A_126 : memref<128xi32, #tpu.memory_space<vmem>>) semaphore(%arg20 : memref<!tpu.dma_semaphore, #tpu.memory_space<semaphore_mem>>) {add = true}
      %dma_wait3A_130 = arith.constant 2 : i32
      %dma_wait3A_131 = arith.constant 0 : i32
      %dma_wait3A_132 = tpu.memref_slice %arg12[%dma_wait3A_130, %dma_wait3A_131] : memref<16x128xi32, #tpu.memory_space<vmem>> -> memref<1x128xi32, #tpu.memory_space<vmem>>
      %dma_wait3A_133 = tpu.memref_squeeze %dma_wait3A_132 : memref<1x128xi32, #tpu.memory_space<vmem>> -> memref<128xi32, #tpu.memory_space<vmem>>
      %dma_wait3A_134 = arith.constant 0 : i32
      %dma_wait3A_135 = arith.constant 0 : i32
      %dma_wait3A_136 = tpu.memref_slice %arg15[%dma_wait3A_134, %dma_wait3A_135] : memref<10240x128xf32, #tpu.memory_space<vmem_shared>> -> memref<10240x128xf32, #tpu.memory_space<vmem_shared>>
      tpu.wait_indirect_dma semaphore(%arg19 : memref<!tpu.dma_semaphore, #tpu.memory_space<semaphore_mem>>) src(%arg13 : memref<128x128xf32, #tpu.memory_space<vmem>>) dst(%dma_wait3A_136 : memref<10240x128xf32, #tpu.memory_space<vmem_shared>>)
      %dma_start3A_137 = arith.constant 4 : i32
      %dma_start3A_138 = arith.constant 0 : i32
      %dma_start3A_139 = tpu.memref_slice %arg11[%dma_start3A_137, %dma_start3A_138] : memref<16x128xi32, #tpu.memory_space<vmem>> -> memref<1x128xi32, #tpu.memory_space<vmem>>
      %dma_start3A_140 = tpu.memref_squeeze %dma_start3A_139 : memref<1x128xi32, #tpu.memory_space<vmem>> -> memref<128xi32, #tpu.memory_space<vmem>>
      %dma_start3A_141 = arith.constant 0 : i32
      %dma_start3A_142 = arith.constant 0 : i32
      %dma_start3A_143 = tpu.memref_slice %arg2[%dma_start3A_141, %dma_start3A_142] : memref<20000x128xf32, #tpu.memory_space<hbm>> -> memref<20000x128xf32, #tpu.memory_space<hbm>>
      tpu.enqueue_indirect_dma source(%dma_start3A_143 : memref<20000x128xf32, #tpu.memory_space<hbm>>) target(%arg13 : memref<128x128xf32, #tpu.memory_space<vmem>>) offsets(%dma_start3A_140 : memref<128xi32, #tpu.memory_space<vmem>>) semaphore(%arg17 : memref<!tpu.dma_semaphore, #tpu.memory_space<semaphore_mem>>)
      %dma_wait3A_144 = arith.constant 4 : i32
      %dma_wait3A_145 = arith.constant 0 : i32
      %dma_wait3A_146 = tpu.memref_slice %arg11[%dma_wait3A_144, %dma_wait3A_145] : memref<16x128xi32, #tpu.memory_space<vmem>> -> memref<1x128xi32, #tpu.memory_space<vmem>>
      %dma_wait3A_147 = tpu.memref_squeeze %dma_wait3A_146 : memref<1x128xi32, #tpu.memory_space<vmem>> -> memref<128xi32, #tpu.memory_space<vmem>>
      %dma_wait3A_148 = arith.constant 0 : i32
      %dma_wait3A_149 = arith.constant 0 : i32
      %dma_wait3A_150 = tpu.memref_slice %arg2[%dma_wait3A_148, %dma_wait3A_149] : memref<20000x128xf32, #tpu.memory_space<hbm>> -> memref<20000x128xf32, #tpu.memory_space<hbm>>
      tpu.wait_indirect_dma semaphore(%arg17 : memref<!tpu.dma_semaphore, #tpu.memory_space<semaphore_mem>>) src(%dma_wait3A_150 : memref<20000x128xf32, #tpu.memory_space<hbm>>) dst(%arg13 : memref<128x128xf32, #tpu.memory_space<vmem>>)
      %dma_start3A_151 = arith.constant 4 : i32
      %dma_start3A_152 = arith.constant 0 : i32
      %dma_start3A_153 = tpu.memref_slice %arg12[%dma_start3A_151, %dma_start3A_152] : memref<16x128xi32, #tpu.memory_space<vmem>> -> memref<1x128xi32, #tpu.memory_space<vmem>>
      %dma_start3A_154 = tpu.memref_squeeze %dma_start3A_153 : memref<1x128xi32, #tpu.memory_space<vmem>> -> memref<128xi32, #tpu.memory_space<vmem>>
      %dma_start3A_155 = arith.constant 0 : i32
      %dma_start3A_156 = arith.constant 0 : i32
      %dma_start3A_157 = tpu.memref_slice %arg15[%dma_start3A_155, %dma_start3A_156] : memref<10240x128xf32, #tpu.memory_space<vmem_shared>> -> memref<10240x128xf32, #tpu.memory_space<vmem_shared>>
      tpu.enqueue_indirect_dma source(%arg13 : memref<128x128xf32, #tpu.memory_space<vmem>>) target(%dma_start3A_157 : memref<10240x128xf32, #tpu.memory_space<vmem_shared>>) offsets(%dma_start3A_154 : memref<128xi32, #tpu.memory_space<vmem>>) semaphore(%arg19 : memref<!tpu.dma_semaphore, #tpu.memory_space<semaphore_mem>>) {add = true}
      %dma_wait3A_158 = arith.constant 3 : i32
      %dma_wait3A_159 = arith.constant 0 : i32
      %dma_wait3A_160 = tpu.memref_slice %arg12[%dma_wait3A_158, %dma_wait3A_159] : memref<16x128xi32, #tpu.memory_space<vmem>> -> memref<1x128xi32, #tpu.memory_space<vmem>>
      %dma_wait3A_161 = tpu.memref_squeeze %dma_wait3A_160 : memref<1x128xi32, #tpu.memory_space<vmem>> -> memref<128xi32, #tpu.memory_space<vmem>>
      %dma_wait3A_162 = arith.constant 0 : i32
      %dma_wait3A_163 = arith.constant 0 : i32
      %dma_wait3A_164 = tpu.memref_slice %arg15[%dma_wait3A_162, %dma_wait3A_163] : memref<10240x128xf32, #tpu.memory_space<vmem_shared>> -> memref<10240x128xf32, #tpu.memory_space<vmem_shared>>
      tpu.wait_indirect_dma semaphore(%arg20 : memref<!tpu.dma_semaphore, #tpu.memory_space<semaphore_mem>>) src(%arg14 : memref<128x128xf32, #tpu.memory_space<vmem>>) dst(%dma_wait3A_164 : memref<10240x128xf32, #tpu.memory_space<vmem_shared>>)
      %dma_start3A_165 = arith.constant 5 : i32
      %dma_start3A_166 = arith.constant 0 : i32
      %dma_start3A_167 = tpu.memref_slice %arg11[%dma_start3A_165, %dma_start3A_166] : memref<16x128xi32, #tpu.memory_space<vmem>> -> memref<1x128xi32, #tpu.memory_space<vmem>>
      %dma_start3A_168 = tpu.memref_squeeze %dma_start3A_167 : memref<1x128xi32, #tpu.memory_space<vmem>> -> memref<128xi32, #tpu.memory_space<vmem>>
      %dma_start3A_169 = arith.constant 0 : i32
      %dma_start3A_170 = arith.constant 0 : i32
      %dma_start3A_171 = tpu.memref_slice %arg2[%dma_start3A_169, %dma_start3A_170] : memref<20000x128xf32, #tpu.memory_space<hbm>> -> memref<20000x128xf32, #tpu.memory_space<hbm>>
      tpu.enqueue_indirect_dma source(%dma_start3A_171 : memref<20000x128xf32, #tpu.memory_space<hbm>>) target(%arg14 : memref<128x128xf32, #tpu.memory_space<vmem>>) offsets(%dma_start3A_168 : memref<128xi32, #tpu.memory_space<vmem>>) semaphore(%arg18 : memref<!tpu.dma_semaphore, #tpu.memory_space<semaphore_mem>>)
      %dma_wait3A_172 = arith.constant 5 : i32
      %dma_wait3A_173 = arith.constant 0 : i32
      %dma_wait3A_174 = tpu.memref_slice %arg11[%dma_wait3A_172, %dma_wait3A_173] : memref<16x128xi32, #tpu.memory_space<vmem>> -> memref<1x128xi32, #tpu.memory_space<vmem>>
      %dma_wait3A_175 = tpu.memref_squeeze %dma_wait3A_174 : memref<1x128xi32, #tpu.memory_space<vmem>> -> memref<128xi32, #tpu.memory_space<vmem>>
      %dma_wait3A_176 = arith.constant 0 : i32
      %dma_wait3A_177 = arith.constant 0 : i32
      %dma_wait3A_178 = tpu.memref_slice %arg2[%dma_wait3A_176, %dma_wait3A_177] : memref<20000x128xf32, #tpu.memory_space<hbm>> -> memref<20000x128xf32, #tpu.memory_space<hbm>>
      tpu.wait_indirect_dma semaphore(%arg18 : memref<!tpu.dma_semaphore, #tpu.memory_space<semaphore_mem>>) src(%dma_wait3A_178 : memref<20000x128xf32, #tpu.memory_space<hbm>>) dst(%arg14 : memref<128x128xf32, #tpu.memory_space<vmem>>)
      %dma_start3A_179 = arith.constant 5 : i32
      %dma_start3A_180 = arith.constant 0 : i32
      %dma_start3A_181 = tpu.memref_slice %arg12[%dma_start3A_179, %dma_start3A_180] : memref<16x128xi32, #tpu.memory_space<vmem>> -> memref<1x128xi32, #tpu.memory_space<vmem>>
      %dma_start3A_182 = tpu.memref_squeeze %dma_start3A_181 : memref<1x128xi32, #tpu.memory_space<vmem>> -> memref<128xi32, #tpu.memory_space<vmem>>
      %dma_start3A_183 = arith.constant 0 : i32
      %dma_start3A_184 = arith.constant 0 : i32
      %dma_start3A_185 = tpu.memref_slice %arg15[%dma_start3A_183, %dma_start3A_184] : memref<10240x128xf32, #tpu.memory_space<vmem_shared>> -> memref<10240x128xf32, #tpu.memory_space<vmem_shared>>
      tpu.enqueue_indirect_dma source(%arg14 : memref<128x128xf32, #tpu.memory_space<vmem>>) target(%dma_start3A_185 : memref<10240x128xf32, #tpu.memory_space<vmem_shared>>) offsets(%dma_start3A_182 : memref<128xi32, #tpu.memory_space<vmem>>) semaphore(%arg20 : memref<!tpu.dma_semaphore, #tpu.memory_space<semaphore_mem>>) {add = true}
      %dma_wait3A_186 = arith.constant 4 : i32
      %dma_wait3A_187 = arith.constant 0 : i32
      %dma_wait3A_188 = tpu.memref_slice %arg12[%dma_wait3A_186, %dma_wait3A_187] : memref<16x128xi32, #tpu.memory_space<vmem>> -> memref<1x128xi32, #tpu.memory_space<vmem>>
      %dma_wait3A_189 = tpu.memref_squeeze %dma_wait3A_188 : memref<1x128xi32, #tpu.memory_space<vmem>> -> memref<128xi32, #tpu.memory_space<vmem>>
      %dma_wait3A_190 = arith.constant 0 : i32
      %dma_wait3A_191 = arith.constant 0 : i32
      %dma_wait3A_192 = tpu.memref_slice %arg15[%dma_wait3A_190, %dma_wait3A_191] : memref<10240x128xf32, #tpu.memory_space<vmem_shared>> -> memref<10240x128xf32, #tpu.memory_space<vmem_shared>>
      tpu.wait_indirect_dma semaphore(%arg19 : memref<!tpu.dma_semaphore, #tpu.memory_space<semaphore_mem>>) src(%arg13 : memref<128x128xf32, #tpu.memory_space<vmem>>) dst(%dma_wait3A_192 : memref<10240x128xf32, #tpu.memory_space<vmem_shared>>)
      %dma_start3A_193 = arith.constant 6 : i32
      %dma_start3A_194 = arith.constant 0 : i32
      %dma_start3A_195 = tpu.memref_slice %arg11[%dma_start3A_193, %dma_start3A_194] : memref<16x128xi32, #tpu.memory_space<vmem>> -> memref<1x128xi32, #tpu.memory_space<vmem>>
      %dma_start3A_196 = tpu.memref_squeeze %dma_start3A_195 : memref<1x128xi32, #tpu.memory_space<vmem>> -> memref<128xi32, #tpu.memory_space<vmem>>
      %dma_start3A_197 = arith.constant 0 : i32
      %dma_start3A_198 = arith.constant 0 : i32
      %dma_start3A_199 = tpu.memref_slice %arg2[%dma_start3A_197, %dma_start3A_198] : memref<20000x128xf32, #tpu.memory_space<hbm>> -> memref<20000x128xf32, #tpu.memory_space<hbm>>
      tpu.enqueue_indirect_dma source(%dma_start3A_199 : memref<20000x128xf32, #tpu.memory_space<hbm>>) target(%arg13 : memref<128x128xf32, #tpu.memory_space<vmem>>) offsets(%dma_start3A_196 : memref<128xi32, #tpu.memory_space<vmem>>) semaphore(%arg17 : memref<!tpu.dma_semaphore, #tpu.memory_space<semaphore_mem>>)
      %dma_wait3A_200 = arith.constant 6 : i32
      %dma_wait3A_201 = arith.constant 0 : i32
      %dma_wait3A_202 = tpu.memref_slice %arg11[%dma_wait3A_200, %dma_wait3A_201] : memref<16x128xi32, #tpu.memory_space<vmem>> -> memref<1x128xi32, #tpu.memory_space<vmem>>
      %dma_wait3A_203 = tpu.memref_squeeze %dma_wait3A_202 : memref<1x128xi32, #tpu.memory_space<vmem>> -> memref<128xi32, #tpu.memory_space<vmem>>
      %dma_wait3A_204 = arith.constant 0 : i32
      %dma_wait3A_205 = arith.constant 0 : i32
      %dma_wait3A_206 = tpu.memref_slice %arg2[%dma_wait3A_204, %dma_wait3A_205] : memref<20000x128xf32, #tpu.memory_space<hbm>> -> memref<20000x128xf32, #tpu.memory_space<hbm>>
      tpu.wait_indirect_dma semaphore(%arg17 : memref<!tpu.dma_semaphore, #tpu.memory_space<semaphore_mem>>) src(%dma_wait3A_206 : memref<20000x128xf32, #tpu.memory_space<hbm>>) dst(%arg13 : memref<128x128xf32, #tpu.memory_space<vmem>>)
      %dma_start3A_207 = arith.constant 6 : i32
      %dma_start3A_208 = arith.constant 0 : i32
      %dma_start3A_209 = tpu.memref_slice %arg12[%dma_start3A_207, %dma_start3A_208] : memref<16x128xi32, #tpu.memory_space<vmem>> -> memref<1x128xi32, #tpu.memory_space<vmem>>
      %dma_start3A_210 = tpu.memref_squeeze %dma_start3A_209 : memref<1x128xi32, #tpu.memory_space<vmem>> -> memref<128xi32, #tpu.memory_space<vmem>>
      %dma_start3A_211 = arith.constant 0 : i32
      %dma_start3A_212 = arith.constant 0 : i32
      %dma_start3A_213 = tpu.memref_slice %arg15[%dma_start3A_211, %dma_start3A_212] : memref<10240x128xf32, #tpu.memory_space<vmem_shared>> -> memref<10240x128xf32, #tpu.memory_space<vmem_shared>>
      tpu.enqueue_indirect_dma source(%arg13 : memref<128x128xf32, #tpu.memory_space<vmem>>) target(%dma_start3A_213 : memref<10240x128xf32, #tpu.memory_space<vmem_shared>>) offsets(%dma_start3A_210 : memref<128xi32, #tpu.memory_space<vmem>>) semaphore(%arg19 : memref<!tpu.dma_semaphore, #tpu.memory_space<semaphore_mem>>) {add = true}
      %dma_wait3A_214 = arith.constant 5 : i32
      %dma_wait3A_215 = arith.constant 0 : i32
      %dma_wait3A_216 = tpu.memref_slice %arg12[%dma_wait3A_214, %dma_wait3A_215] : memref<16x128xi32, #tpu.memory_space<vmem>> -> memref<1x128xi32, #tpu.memory_space<vmem>>
      %dma_wait3A_217 = tpu.memref_squeeze %dma_wait3A_216 : memref<1x128xi32, #tpu.memory_space<vmem>> -> memref<128xi32, #tpu.memory_space<vmem>>
      %dma_wait3A_218 = arith.constant 0 : i32
      %dma_wait3A_219 = arith.constant 0 : i32
      %dma_wait3A_220 = tpu.memref_slice %arg15[%dma_wait3A_218, %dma_wait3A_219] : memref<10240x128xf32, #tpu.memory_space<vmem_shared>> -> memref<10240x128xf32, #tpu.memory_space<vmem_shared>>
      tpu.wait_indirect_dma semaphore(%arg20 : memref<!tpu.dma_semaphore, #tpu.memory_space<semaphore_mem>>) src(%arg14 : memref<128x128xf32, #tpu.memory_space<vmem>>) dst(%dma_wait3A_220 : memref<10240x128xf32, #tpu.memory_space<vmem_shared>>)
      %dma_start3A_221 = arith.constant 7 : i32
      %dma_start3A_222 = arith.constant 0 : i32
      %dma_start3A_223 = tpu.memref_slice %arg11[%dma_start3A_221, %dma_start3A_222] : memref<16x128xi32, #tpu.memory_space<vmem>> -> memref<1x128xi32, #tpu.memory_space<vmem>>
      %dma_start3A_224 = tpu.memref_squeeze %dma_start3A_223 : memref<1x128xi32, #tpu.memory_space<vmem>> -> memref<128xi32, #tpu.memory_space<vmem>>
      %dma_start3A_225 = arith.constant 0 : i32
      %dma_start3A_226 = arith.constant 0 : i32
      %dma_start3A_227 = tpu.memref_slice %arg2[%dma_start3A_225, %dma_start3A_226] : memref<20000x128xf32, #tpu.memory_space<hbm>> -> memref<20000x128xf32, #tpu.memory_space<hbm>>
      tpu.enqueue_indirect_dma source(%dma_start3A_227 : memref<20000x128xf32, #tpu.memory_space<hbm>>) target(%arg14 : memref<128x128xf32, #tpu.memory_space<vmem>>) offsets(%dma_start3A_224 : memref<128xi32, #tpu.memory_space<vmem>>) semaphore(%arg18 : memref<!tpu.dma_semaphore, #tpu.memory_space<semaphore_mem>>)
      %dma_wait3A_228 = arith.constant 7 : i32
      %dma_wait3A_229 = arith.constant 0 : i32
      %dma_wait3A_230 = tpu.memref_slice %arg11[%dma_wait3A_228, %dma_wait3A_229] : memref<16x128xi32, #tpu.memory_space<vmem>> -> memref<1x128xi32, #tpu.memory_space<vmem>>
      %dma_wait3A_231 = tpu.memref_squeeze %dma_wait3A_230 : memref<1x128xi32, #tpu.memory_space<vmem>> -> memref<128xi32, #tpu.memory_space<vmem>>
      %dma_wait3A_232 = arith.constant 0 : i32
      %dma_wait3A_233 = arith.constant 0 : i32
      %dma_wait3A_234 = tpu.memref_slice %arg2[%dma_wait3A_232, %dma_wait3A_233] : memref<20000x128xf32, #tpu.memory_space<hbm>> -> memref<20000x128xf32, #tpu.memory_space<hbm>>
      tpu.wait_indirect_dma semaphore(%arg18 : memref<!tpu.dma_semaphore, #tpu.memory_space<semaphore_mem>>) src(%dma_wait3A_234 : memref<20000x128xf32, #tpu.memory_space<hbm>>) dst(%arg14 : memref<128x128xf32, #tpu.memory_space<vmem>>)
      %dma_start3A_235 = arith.constant 7 : i32
      %dma_start3A_236 = arith.constant 0 : i32
      %dma_start3A_237 = tpu.memref_slice %arg12[%dma_start3A_235, %dma_start3A_236] : memref<16x128xi32, #tpu.memory_space<vmem>> -> memref<1x128xi32, #tpu.memory_space<vmem>>
      %dma_start3A_238 = tpu.memref_squeeze %dma_start3A_237 : memref<1x128xi32, #tpu.memory_space<vmem>> -> memref<128xi32, #tpu.memory_space<vmem>>
      %dma_start3A_239 = arith.constant 0 : i32
      %dma_start3A_240 = arith.constant 0 : i32
      %dma_start3A_241 = tpu.memref_slice %arg15[%dma_start3A_239, %dma_start3A_240] : memref<10240x128xf32, #tpu.memory_space<vmem_shared>> -> memref<10240x128xf32, #tpu.memory_space<vmem_shared>>
      tpu.enqueue_indirect_dma source(%arg14 : memref<128x128xf32, #tpu.memory_space<vmem>>) target(%dma_start3A_241 : memref<10240x128xf32, #tpu.memory_space<vmem_shared>>) offsets(%dma_start3A_238 : memref<128xi32, #tpu.memory_space<vmem>>) semaphore(%arg20 : memref<!tpu.dma_semaphore, #tpu.memory_space<semaphore_mem>>) {add = true}
      %dma_wait3A_242 = arith.constant 6 : i32
      %dma_wait3A_243 = arith.constant 0 : i32
      %dma_wait3A_244 = tpu.memref_slice %arg12[%dma_wait3A_242, %dma_wait3A_243] : memref<16x128xi32, #tpu.memory_space<vmem>> -> memref<1x128xi32, #tpu.memory_space<vmem>>
      %dma_wait3A_245 = tpu.memref_squeeze %dma_wait3A_244 : memref<1x128xi32, #tpu.memory_space<vmem>> -> memref<128xi32, #tpu.memory_space<vmem>>
      %dma_wait3A_246 = arith.constant 0 : i32
      %dma_wait3A_247 = arith.constant 0 : i32
      %dma_wait3A_248 = tpu.memref_slice %arg15[%dma_wait3A_246, %dma_wait3A_247] : memref<10240x128xf32, #tpu.memory_space<vmem_shared>> -> memref<10240x128xf32, #tpu.memory_space<vmem_shared>>
      tpu.wait_indirect_dma semaphore(%arg19 : memref<!tpu.dma_semaphore, #tpu.memory_space<semaphore_mem>>) src(%arg13 : memref<128x128xf32, #tpu.memory_space<vmem>>) dst(%dma_wait3A_248 : memref<10240x128xf32, #tpu.memory_space<vmem_shared>>)
      %dma_start3A_249 = arith.constant 8 : i32
      %dma_start3A_250 = arith.constant 0 : i32
      %dma_start3A_251 = tpu.memref_slice %arg11[%dma_start3A_249, %dma_start3A_250] : memref<16x128xi32, #tpu.memory_space<vmem>> -> memref<1x128xi32, #tpu.memory_space<vmem>>
      %dma_start3A_252 = tpu.memref_squeeze %dma_start3A_251 : memref<1x128xi32, #tpu.memory_space<vmem>> -> memref<128xi32, #tpu.memory_space<vmem>>
      %dma_start3A_253 = arith.constant 0 : i32
      %dma_start3A_254 = arith.constant 0 : i32
      %dma_start3A_255 = tpu.memref_slice %arg2[%dma_start3A_253, %dma_start3A_254] : memref<20000x128xf32, #tpu.memory_space<hbm>> -> memref<20000x128xf32, #tpu.memory_space<hbm>>
      tpu.enqueue_indirect_dma source(%dma_start3A_255 : memref<20000x128xf32, #tpu.memory_space<hbm>>) target(%arg13 : memref<128x128xf32, #tpu.memory_space<vmem>>) offsets(%dma_start3A_252 : memref<128xi32, #tpu.memory_space<vmem>>) semaphore(%arg17 : memref<!tpu.dma_semaphore, #tpu.memory_space<semaphore_mem>>)
      %dma_wait3A_256 = arith.constant 8 : i32
      %dma_wait3A_257 = arith.constant 0 : i32
      %dma_wait3A_258 = tpu.memref_slice %arg11[%dma_wait3A_256, %dma_wait3A_257] : memref<16x128xi32, #tpu.memory_space<vmem>> -> memref<1x128xi32, #tpu.memory_space<vmem>>
      %dma_wait3A_259 = tpu.memref_squeeze %dma_wait3A_258 : memref<1x128xi32, #tpu.memory_space<vmem>> -> memref<128xi32, #tpu.memory_space<vmem>>
      %dma_wait3A_260 = arith.constant 0 : i32
      %dma_wait3A_261 = arith.constant 0 : i32
      %dma_wait3A_262 = tpu.memref_slice %arg2[%dma_wait3A_260, %dma_wait3A_261] : memref<20000x128xf32, #tpu.memory_space<hbm>> -> memref<20000x128xf32, #tpu.memory_space<hbm>>
      tpu.wait_indirect_dma semaphore(%arg17 : memref<!tpu.dma_semaphore, #tpu.memory_space<semaphore_mem>>) src(%dma_wait3A_262 : memref<20000x128xf32, #tpu.memory_space<hbm>>) dst(%arg13 : memref<128x128xf32, #tpu.memory_space<vmem>>)
      %dma_start3A_263 = arith.constant 8 : i32
      %dma_start3A_264 = arith.constant 0 : i32
      %dma_start3A_265 = tpu.memref_slice %arg12[%dma_start3A_263, %dma_start3A_264] : memref<16x128xi32, #tpu.memory_space<vmem>> -> memref<1x128xi32, #tpu.memory_space<vmem>>
      %dma_start3A_266 = tpu.memref_squeeze %dma_start3A_265 : memref<1x128xi32, #tpu.memory_space<vmem>> -> memref<128xi32, #tpu.memory_space<vmem>>
      %dma_start3A_267 = arith.constant 0 : i32
      %dma_start3A_268 = arith.constant 0 : i32
      %dma_start3A_269 = tpu.memref_slice %arg15[%dma_start3A_267, %dma_start3A_268] : memref<10240x128xf32, #tpu.memory_space<vmem_shared>> -> memref<10240x128xf32, #tpu.memory_space<vmem_shared>>
      tpu.enqueue_indirect_dma source(%arg13 : memref<128x128xf32, #tpu.memory_space<vmem>>) target(%dma_start3A_269 : memref<10240x128xf32, #tpu.memory_space<vmem_shared>>) offsets(%dma_start3A_266 : memref<128xi32, #tpu.memory_space<vmem>>) semaphore(%arg19 : memref<!tpu.dma_semaphore, #tpu.memory_space<semaphore_mem>>) {add = true}
      %dma_wait3A_270 = arith.constant 7 : i32
      %dma_wait3A_271 = arith.constant 0 : i32
      %dma_wait3A_272 = tpu.memref_slice %arg12[%dma_wait3A_270, %dma_wait3A_271] : memref<16x128xi32, #tpu.memory_space<vmem>> -> memref<1x128xi32, #tpu.memory_space<vmem>>
      %dma_wait3A_273 = tpu.memref_squeeze %dma_wait3A_272 : memref<1x128xi32, #tpu.memory_space<vmem>> -> memref<128xi32, #tpu.memory_space<vmem>>
      %dma_wait3A_274 = arith.constant 0 : i32
      %dma_wait3A_275 = arith.constant 0 : i32
      %dma_wait3A_276 = tpu.memref_slice %arg15[%dma_wait3A_274, %dma_wait3A_275] : memref<10240x128xf32, #tpu.memory_space<vmem_shared>> -> memref<10240x128xf32, #tpu.memory_space<vmem_shared>>
      tpu.wait_indirect_dma semaphore(%arg20 : memref<!tpu.dma_semaphore, #tpu.memory_space<semaphore_mem>>) src(%arg14 : memref<128x128xf32, #tpu.memory_space<vmem>>) dst(%dma_wait3A_276 : memref<10240x128xf32, #tpu.memory_space<vmem_shared>>)
      %dma_start3A_277 = arith.constant 9 : i32
      %dma_start3A_278 = arith.constant 0 : i32
      %dma_start3A_279 = tpu.memref_slice %arg11[%dma_start3A_277, %dma_start3A_278] : memref<16x128xi32, #tpu.memory_space<vmem>> -> memref<1x128xi32, #tpu.memory_space<vmem>>
      %dma_start3A_280 = tpu.memref_squeeze %dma_start3A_279 : memref<1x128xi32, #tpu.memory_space<vmem>> -> memref<128xi32, #tpu.memory_space<vmem>>
      %dma_start3A_281 = arith.constant 0 : i32
      %dma_start3A_282 = arith.constant 0 : i32
      %dma_start3A_283 = tpu.memref_slice %arg2[%dma_start3A_281, %dma_start3A_282] : memref<20000x128xf32, #tpu.memory_space<hbm>> -> memref<20000x128xf32, #tpu.memory_space<hbm>>
      tpu.enqueue_indirect_dma source(%dma_start3A_283 : memref<20000x128xf32, #tpu.memory_space<hbm>>) target(%arg14 : memref<128x128xf32, #tpu.memory_space<vmem>>) offsets(%dma_start3A_280 : memref<128xi32, #tpu.memory_space<vmem>>) semaphore(%arg18 : memref<!tpu.dma_semaphore, #tpu.memory_space<semaphore_mem>>)
      %dma_wait3A_284 = arith.constant 9 : i32
      %dma_wait3A_285 = arith.constant 0 : i32
      %dma_wait3A_286 = tpu.memref_slice %arg11[%dma_wait3A_284, %dma_wait3A_285] : memref<16x128xi32, #tpu.memory_space<vmem>> -> memref<1x128xi32, #tpu.memory_space<vmem>>
      %dma_wait3A_287 = tpu.memref_squeeze %dma_wait3A_286 : memref<1x128xi32, #tpu.memory_space<vmem>> -> memref<128xi32, #tpu.memory_space<vmem>>
      %dma_wait3A_288 = arith.constant 0 : i32
      %dma_wait3A_289 = arith.constant 0 : i32
      %dma_wait3A_290 = tpu.memref_slice %arg2[%dma_wait3A_288, %dma_wait3A_289] : memref<20000x128xf32, #tpu.memory_space<hbm>> -> memref<20000x128xf32, #tpu.memory_space<hbm>>
      tpu.wait_indirect_dma semaphore(%arg18 : memref<!tpu.dma_semaphore, #tpu.memory_space<semaphore_mem>>) src(%dma_wait3A_290 : memref<20000x128xf32, #tpu.memory_space<hbm>>) dst(%arg14 : memref<128x128xf32, #tpu.memory_space<vmem>>)
      %dma_start3A_291 = arith.constant 9 : i32
      %dma_start3A_292 = arith.constant 0 : i32
      %dma_start3A_293 = tpu.memref_slice %arg12[%dma_start3A_291, %dma_start3A_292] : memref<16x128xi32, #tpu.memory_space<vmem>> -> memref<1x128xi32, #tpu.memory_space<vmem>>
      %dma_start3A_294 = tpu.memref_squeeze %dma_start3A_293 : memref<1x128xi32, #tpu.memory_space<vmem>> -> memref<128xi32, #tpu.memory_space<vmem>>
      %dma_start3A_295 = arith.constant 0 : i32
      %dma_start3A_296 = arith.constant 0 : i32
      %dma_start3A_297 = tpu.memref_slice %arg15[%dma_start3A_295, %dma_start3A_296] : memref<10240x128xf32, #tpu.memory_space<vmem_shared>> -> memref<10240x128xf32, #tpu.memory_space<vmem_shared>>
      tpu.enqueue_indirect_dma source(%arg14 : memref<128x128xf32, #tpu.memory_space<vmem>>) target(%dma_start3A_297 : memref<10240x128xf32, #tpu.memory_space<vmem_shared>>) offsets(%dma_start3A_294 : memref<128xi32, #tpu.memory_space<vmem>>) semaphore(%arg20 : memref<!tpu.dma_semaphore, #tpu.memory_space<semaphore_mem>>) {add = true}
      %dma_wait3A_298 = arith.constant 8 : i32
      %dma_wait3A_299 = arith.constant 0 : i32
      %dma_wait3A_300 = tpu.memref_slice %arg12[%dma_wait3A_298, %dma_wait3A_299] : memref<16x128xi32, #tpu.memory_space<vmem>> -> memref<1x128xi32, #tpu.memory_space<vmem>>
      %dma_wait3A_301 = tpu.memref_squeeze %dma_wait3A_300 : memref<1x128xi32, #tpu.memory_space<vmem>> -> memref<128xi32, #tpu.memory_space<vmem>>
      %dma_wait3A_302 = arith.constant 0 : i32
      %dma_wait3A_303 = arith.constant 0 : i32
      %dma_wait3A_304 = tpu.memref_slice %arg15[%dma_wait3A_302, %dma_wait3A_303] : memref<10240x128xf32, #tpu.memory_space<vmem_shared>> -> memref<10240x128xf32, #tpu.memory_space<vmem_shared>>
      tpu.wait_indirect_dma semaphore(%arg19 : memref<!tpu.dma_semaphore, #tpu.memory_space<semaphore_mem>>) src(%arg13 : memref<128x128xf32, #tpu.memory_space<vmem>>) dst(%dma_wait3A_304 : memref<10240x128xf32, #tpu.memory_space<vmem_shared>>)
      %dma_start3A_305 = arith.constant 10 : i32
      %dma_start3A_306 = arith.constant 0 : i32
      %dma_start3A_307 = tpu.memref_slice %arg11[%dma_start3A_305, %dma_start3A_306] : memref<16x128xi32, #tpu.memory_space<vmem>> -> memref<1x128xi32, #tpu.memory_space<vmem>>
      %dma_start3A_308 = tpu.memref_squeeze %dma_start3A_307 : memref<1x128xi32, #tpu.memory_space<vmem>> -> memref<128xi32, #tpu.memory_space<vmem>>
      %dma_start3A_309 = arith.constant 0 : i32
      %dma_start3A_310 = arith.constant 0 : i32
      %dma_start3A_311 = tpu.memref_slice %arg2[%dma_start3A_309, %dma_start3A_310] : memref<20000x128xf32, #tpu.memory_space<hbm>> -> memref<20000x128xf32, #tpu.memory_space<hbm>>
      tpu.enqueue_indirect_dma source(%dma_start3A_311 : memref<20000x128xf32, #tpu.memory_space<hbm>>) target(%arg13 : memref<128x128xf32, #tpu.memory_space<vmem>>) offsets(%dma_start3A_308 : memref<128xi32, #tpu.memory_space<vmem>>) semaphore(%arg17 : memref<!tpu.dma_semaphore, #tpu.memory_space<semaphore_mem>>)
      %dma_wait3A_312 = arith.constant 10 : i32
      %dma_wait3A_313 = arith.constant 0 : i32
      %dma_wait3A_314 = tpu.memref_slice %arg11[%dma_wait3A_312, %dma_wait3A_313] : memref<16x128xi32, #tpu.memory_space<vmem>> -> memref<1x128xi32, #tpu.memory_space<vmem>>
      %dma_wait3A_315 = tpu.memref_squeeze %dma_wait3A_314 : memref<1x128xi32, #tpu.memory_space<vmem>> -> memref<128xi32, #tpu.memory_space<vmem>>
      %dma_wait3A_316 = arith.constant 0 : i32
      %dma_wait3A_317 = arith.constant 0 : i32
      %dma_wait3A_318 = tpu.memref_slice %arg2[%dma_wait3A_316, %dma_wait3A_317] : memref<20000x128xf32, #tpu.memory_space<hbm>> -> memref<20000x128xf32, #tpu.memory_space<hbm>>
      tpu.wait_indirect_dma semaphore(%arg17 : memref<!tpu.dma_semaphore, #tpu.memory_space<semaphore_mem>>) src(%dma_wait3A_318 : memref<20000x128xf32, #tpu.memory_space<hbm>>) dst(%arg13 : memref<128x128xf32, #tpu.memory_space<vmem>>)
      %dma_start3A_319 = arith.constant 10 : i32
      %dma_start3A_320 = arith.constant 0 : i32
      %dma_start3A_321 = tpu.memref_slice %arg12[%dma_start3A_319, %dma_start3A_320] : memref<16x128xi32, #tpu.memory_space<vmem>> -> memref<1x128xi32, #tpu.memory_space<vmem>>
      %dma_start3A_322 = tpu.memref_squeeze %dma_start3A_321 : memref<1x128xi32, #tpu.memory_space<vmem>> -> memref<128xi32, #tpu.memory_space<vmem>>
      %dma_start3A_323 = arith.constant 0 : i32
      %dma_start3A_324 = arith.constant 0 : i32
      %dma_start3A_325 = tpu.memref_slice %arg15[%dma_start3A_323, %dma_start3A_324] : memref<10240x128xf32, #tpu.memory_space<vmem_shared>> -> memref<10240x128xf32, #tpu.memory_space<vmem_shared>>
      tpu.enqueue_indirect_dma source(%arg13 : memref<128x128xf32, #tpu.memory_space<vmem>>) target(%dma_start3A_325 : memref<10240x128xf32, #tpu.memory_space<vmem_shared>>) offsets(%dma_start3A_322 : memref<128xi32, #tpu.memory_space<vmem>>) semaphore(%arg19 : memref<!tpu.dma_semaphore, #tpu.memory_space<semaphore_mem>>) {add = true}
      %dma_wait3A_326 = arith.constant 9 : i32
      %dma_wait3A_327 = arith.constant 0 : i32
      %dma_wait3A_328 = tpu.memref_slice %arg12[%dma_wait3A_326, %dma_wait3A_327] : memref<16x128xi32, #tpu.memory_space<vmem>> -> memref<1x128xi32, #tpu.memory_space<vmem>>
      %dma_wait3A_329 = tpu.memref_squeeze %dma_wait3A_328 : memref<1x128xi32, #tpu.memory_space<vmem>> -> memref<128xi32, #tpu.memory_space<vmem>>
      %dma_wait3A_330 = arith.constant 0 : i32
      %dma_wait3A_331 = arith.constant 0 : i32
      %dma_wait3A_332 = tpu.memref_slice %arg15[%dma_wait3A_330, %dma_wait3A_331] : memref<10240x128xf32, #tpu.memory_space<vmem_shared>> -> memref<10240x128xf32, #tpu.memory_space<vmem_shared>>
      tpu.wait_indirect_dma semaphore(%arg20 : memref<!tpu.dma_semaphore, #tpu.memory_space<semaphore_mem>>) src(%arg14 : memref<128x128xf32, #tpu.memory_space<vmem>>) dst(%dma_wait3A_332 : memref<10240x128xf32, #tpu.memory_space<vmem_shared>>)
      %dma_start3A_333 = arith.constant 11 : i32
      %dma_start3A_334 = arith.constant 0 : i32
      %dma_start3A_335 = tpu.memref_slice %arg11[%dma_start3A_333, %dma_start3A_334] : memref<16x128xi32, #tpu.memory_space<vmem>> -> memref<1x128xi32, #tpu.memory_space<vmem>>
      %dma_start3A_336 = tpu.memref_squeeze %dma_start3A_335 : memref<1x128xi32, #tpu.memory_space<vmem>> -> memref<128xi32, #tpu.memory_space<vmem>>
      %dma_start3A_337 = arith.constant 0 : i32
      %dma_start3A_338 = arith.constant 0 : i32
      %dma_start3A_339 = tpu.memref_slice %arg2[%dma_start3A_337, %dma_start3A_338] : memref<20000x128xf32, #tpu.memory_space<hbm>> -> memref<20000x128xf32, #tpu.memory_space<hbm>>
      tpu.enqueue_indirect_dma source(%dma_start3A_339 : memref<20000x128xf32, #tpu.memory_space<hbm>>) target(%arg14 : memref<128x128xf32, #tpu.memory_space<vmem>>) offsets(%dma_start3A_336 : memref<128xi32, #tpu.memory_space<vmem>>) semaphore(%arg18 : memref<!tpu.dma_semaphore, #tpu.memory_space<semaphore_mem>>)
      %dma_wait3A_340 = arith.constant 11 : i32
      %dma_wait3A_341 = arith.constant 0 : i32
      %dma_wait3A_342 = tpu.memref_slice %arg11[%dma_wait3A_340, %dma_wait3A_341] : memref<16x128xi32, #tpu.memory_space<vmem>> -> memref<1x128xi32, #tpu.memory_space<vmem>>
      %dma_wait3A_343 = tpu.memref_squeeze %dma_wait3A_342 : memref<1x128xi32, #tpu.memory_space<vmem>> -> memref<128xi32, #tpu.memory_space<vmem>>
      %dma_wait3A_344 = arith.constant 0 : i32
      %dma_wait3A_345 = arith.constant 0 : i32
      %dma_wait3A_346 = tpu.memref_slice %arg2[%dma_wait3A_344, %dma_wait3A_345] : memref<20000x128xf32, #tpu.memory_space<hbm>> -> memref<20000x128xf32, #tpu.memory_space<hbm>>
      tpu.wait_indirect_dma semaphore(%arg18 : memref<!tpu.dma_semaphore, #tpu.memory_space<semaphore_mem>>) src(%dma_wait3A_346 : memref<20000x128xf32, #tpu.memory_space<hbm>>) dst(%arg14 : memref<128x128xf32, #tpu.memory_space<vmem>>)
      %dma_start3A_347 = arith.constant 11 : i32
      %dma_start3A_348 = arith.constant 0 : i32
      %dma_start3A_349 = tpu.memref_slice %arg12[%dma_start3A_347, %dma_start3A_348] : memref<16x128xi32, #tpu.memory_space<vmem>> -> memref<1x128xi32, #tpu.memory_space<vmem>>
      %dma_start3A_350 = tpu.memref_squeeze %dma_start3A_349 : memref<1x128xi32, #tpu.memory_space<vmem>> -> memref<128xi32, #tpu.memory_space<vmem>>
      %dma_start3A_351 = arith.constant 0 : i32
      %dma_start3A_352 = arith.constant 0 : i32
      %dma_start3A_353 = tpu.memref_slice %arg15[%dma_start3A_351, %dma_start3A_352] : memref<10240x128xf32, #tpu.memory_space<vmem_shared>> -> memref<10240x128xf32, #tpu.memory_space<vmem_shared>>
      tpu.enqueue_indirect_dma source(%arg14 : memref<128x128xf32, #tpu.memory_space<vmem>>) target(%dma_start3A_353 : memref<10240x128xf32, #tpu.memory_space<vmem_shared>>) offsets(%dma_start3A_350 : memref<128xi32, #tpu.memory_space<vmem>>) semaphore(%arg20 : memref<!tpu.dma_semaphore, #tpu.memory_space<semaphore_mem>>) {add = true}
      %dma_wait3A_354 = arith.constant 10 : i32
      %dma_wait3A_355 = arith.constant 0 : i32
      %dma_wait3A_356 = tpu.memref_slice %arg12[%dma_wait3A_354, %dma_wait3A_355] : memref<16x128xi32, #tpu.memory_space<vmem>> -> memref<1x128xi32, #tpu.memory_space<vmem>>
      %dma_wait3A_357 = tpu.memref_squeeze %dma_wait3A_356 : memref<1x128xi32, #tpu.memory_space<vmem>> -> memref<128xi32, #tpu.memory_space<vmem>>
      %dma_wait3A_358 = arith.constant 0 : i32
      %dma_wait3A_359 = arith.constant 0 : i32
      %dma_wait3A_360 = tpu.memref_slice %arg15[%dma_wait3A_358, %dma_wait3A_359] : memref<10240x128xf32, #tpu.memory_space<vmem_shared>> -> memref<10240x128xf32, #tpu.memory_space<vmem_shared>>
      tpu.wait_indirect_dma semaphore(%arg19 : memref<!tpu.dma_semaphore, #tpu.memory_space<semaphore_mem>>) src(%arg13 : memref<128x128xf32, #tpu.memory_space<vmem>>) dst(%dma_wait3A_360 : memref<10240x128xf32, #tpu.memory_space<vmem_shared>>)
      %dma_start3A_361 = arith.constant 12 : i32
      %dma_start3A_362 = arith.constant 0 : i32
      %dma_start3A_363 = tpu.memref_slice %arg11[%dma_start3A_361, %dma_start3A_362] : memref<16x128xi32, #tpu.memory_space<vmem>> -> memref<1x128xi32, #tpu.memory_space<vmem>>
      %dma_start3A_364 = tpu.memref_squeeze %dma_start3A_363 : memref<1x128xi32, #tpu.memory_space<vmem>> -> memref<128xi32, #tpu.memory_space<vmem>>
      %dma_start3A_365 = arith.constant 0 : i32
      %dma_start3A_366 = arith.constant 0 : i32
      %dma_start3A_367 = tpu.memref_slice %arg2[%dma_start3A_365, %dma_start3A_366] : memref<20000x128xf32, #tpu.memory_space<hbm>> -> memref<20000x128xf32, #tpu.memory_space<hbm>>
      tpu.enqueue_indirect_dma source(%dma_start3A_367 : memref<20000x128xf32, #tpu.memory_space<hbm>>) target(%arg13 : memref<128x128xf32, #tpu.memory_space<vmem>>) offsets(%dma_start3A_364 : memref<128xi32, #tpu.memory_space<vmem>>) semaphore(%arg17 : memref<!tpu.dma_semaphore, #tpu.memory_space<semaphore_mem>>)
      %dma_wait3A_368 = arith.constant 12 : i32
      %dma_wait3A_369 = arith.constant 0 : i32
      %dma_wait3A_370 = tpu.memref_slice %arg11[%dma_wait3A_368, %dma_wait3A_369] : memref<16x128xi32, #tpu.memory_space<vmem>> -> memref<1x128xi32, #tpu.memory_space<vmem>>
      %dma_wait3A_371 = tpu.memref_squeeze %dma_wait3A_370 : memref<1x128xi32, #tpu.memory_space<vmem>> -> memref<128xi32, #tpu.memory_space<vmem>>
      %dma_wait3A_372 = arith.constant 0 : i32
      %dma_wait3A_373 = arith.constant 0 : i32
      %dma_wait3A_374 = tpu.memref_slice %arg2[%dma_wait3A_372, %dma_wait3A_373] : memref<20000x128xf32, #tpu.memory_space<hbm>> -> memref<20000x128xf32, #tpu.memory_space<hbm>>
      tpu.wait_indirect_dma semaphore(%arg17 : memref<!tpu.dma_semaphore, #tpu.memory_space<semaphore_mem>>) src(%dma_wait3A_374 : memref<20000x128xf32, #tpu.memory_space<hbm>>) dst(%arg13 : memref<128x128xf32, #tpu.memory_space<vmem>>)
      %dma_start3A_375 = arith.constant 12 : i32
      %dma_start3A_376 = arith.constant 0 : i32
      %dma_start3A_377 = tpu.memref_slice %arg12[%dma_start3A_375, %dma_start3A_376] : memref<16x128xi32, #tpu.memory_space<vmem>> -> memref<1x128xi32, #tpu.memory_space<vmem>>
      %dma_start3A_378 = tpu.memref_squeeze %dma_start3A_377 : memref<1x128xi32, #tpu.memory_space<vmem>> -> memref<128xi32, #tpu.memory_space<vmem>>
      %dma_start3A_379 = arith.constant 0 : i32
      %dma_start3A_380 = arith.constant 0 : i32
      %dma_start3A_381 = tpu.memref_slice %arg15[%dma_start3A_379, %dma_start3A_380] : memref<10240x128xf32, #tpu.memory_space<vmem_shared>> -> memref<10240x128xf32, #tpu.memory_space<vmem_shared>>
      tpu.enqueue_indirect_dma source(%arg13 : memref<128x128xf32, #tpu.memory_space<vmem>>) target(%dma_start3A_381 : memref<10240x128xf32, #tpu.memory_space<vmem_shared>>) offsets(%dma_start3A_378 : memref<128xi32, #tpu.memory_space<vmem>>) semaphore(%arg19 : memref<!tpu.dma_semaphore, #tpu.memory_space<semaphore_mem>>) {add = true}
      %dma_wait3A_382 = arith.constant 11 : i32
      %dma_wait3A_383 = arith.constant 0 : i32
      %dma_wait3A_384 = tpu.memref_slice %arg12[%dma_wait3A_382, %dma_wait3A_383] : memref<16x128xi32, #tpu.memory_space<vmem>> -> memref<1x128xi32, #tpu.memory_space<vmem>>
      %dma_wait3A_385 = tpu.memref_squeeze %dma_wait3A_384 : memref<1x128xi32, #tpu.memory_space<vmem>> -> memref<128xi32, #tpu.memory_space<vmem>>
      %dma_wait3A_386 = arith.constant 0 : i32
      %dma_wait3A_387 = arith.constant 0 : i32
      %dma_wait3A_388 = tpu.memref_slice %arg15[%dma_wait3A_386, %dma_wait3A_387] : memref<10240x128xf32, #tpu.memory_space<vmem_shared>> -> memref<10240x128xf32, #tpu.memory_space<vmem_shared>>
      tpu.wait_indirect_dma semaphore(%arg20 : memref<!tpu.dma_semaphore, #tpu.memory_space<semaphore_mem>>) src(%arg14 : memref<128x128xf32, #tpu.memory_space<vmem>>) dst(%dma_wait3A_388 : memref<10240x128xf32, #tpu.memory_space<vmem_shared>>)
      %dma_start3A_389 = arith.constant 13 : i32
      %dma_start3A_390 = arith.constant 0 : i32
      %dma_start3A_391 = tpu.memref_slice %arg11[%dma_start3A_389, %dma_start3A_390] : memref<16x128xi32, #tpu.memory_space<vmem>> -> memref<1x128xi32, #tpu.memory_space<vmem>>
      %dma_start3A_392 = tpu.memref_squeeze %dma_start3A_391 : memref<1x128xi32, #tpu.memory_space<vmem>> -> memref<128xi32, #tpu.memory_space<vmem>>
      %dma_start3A_393 = arith.constant 0 : i32
      %dma_start3A_394 = arith.constant 0 : i32
      %dma_start3A_395 = tpu.memref_slice %arg2[%dma_start3A_393, %dma_start3A_394] : memref<20000x128xf32, #tpu.memory_space<hbm>> -> memref<20000x128xf32, #tpu.memory_space<hbm>>
      tpu.enqueue_indirect_dma source(%dma_start3A_395 : memref<20000x128xf32, #tpu.memory_space<hbm>>) target(%arg14 : memref<128x128xf32, #tpu.memory_space<vmem>>) offsets(%dma_start3A_392 : memref<128xi32, #tpu.memory_space<vmem>>) semaphore(%arg18 : memref<!tpu.dma_semaphore, #tpu.memory_space<semaphore_mem>>)
      %dma_wait3A_396 = arith.constant 13 : i32
      %dma_wait3A_397 = arith.constant 0 : i32
      %dma_wait3A_398 = tpu.memref_slice %arg11[%dma_wait3A_396, %dma_wait3A_397] : memref<16x128xi32, #tpu.memory_space<vmem>> -> memref<1x128xi32, #tpu.memory_space<vmem>>
      %dma_wait3A_399 = tpu.memref_squeeze %dma_wait3A_398 : memref<1x128xi32, #tpu.memory_space<vmem>> -> memref<128xi32, #tpu.memory_space<vmem>>
      %dma_wait3A_400 = arith.constant 0 : i32
      %dma_wait3A_401 = arith.constant 0 : i32
      %dma_wait3A_402 = tpu.memref_slice %arg2[%dma_wait3A_400, %dma_wait3A_401] : memref<20000x128xf32, #tpu.memory_space<hbm>> -> memref<20000x128xf32, #tpu.memory_space<hbm>>
      tpu.wait_indirect_dma semaphore(%arg18 : memref<!tpu.dma_semaphore, #tpu.memory_space<semaphore_mem>>) src(%dma_wait3A_402 : memref<20000x128xf32, #tpu.memory_space<hbm>>) dst(%arg14 : memref<128x128xf32, #tpu.memory_space<vmem>>)
      %dma_start3A_403 = arith.constant 13 : i32
      %dma_start3A_404 = arith.constant 0 : i32
      %dma_start3A_405 = tpu.memref_slice %arg12[%dma_start3A_403, %dma_start3A_404] : memref<16x128xi32, #tpu.memory_space<vmem>> -> memref<1x128xi32, #tpu.memory_space<vmem>>
      %dma_start3A_406 = tpu.memref_squeeze %dma_start3A_405 : memref<1x128xi32, #tpu.memory_space<vmem>> -> memref<128xi32, #tpu.memory_space<vmem>>
      %dma_start3A_407 = arith.constant 0 : i32
      %dma_start3A_408 = arith.constant 0 : i32
      %dma_start3A_409 = tpu.memref_slice %arg15[%dma_start3A_407, %dma_start3A_408] : memref<10240x128xf32, #tpu.memory_space<vmem_shared>> -> memref<10240x128xf32, #tpu.memory_space<vmem_shared>>
      tpu.enqueue_indirect_dma source(%arg14 : memref<128x128xf32, #tpu.memory_space<vmem>>) target(%dma_start3A_409 : memref<10240x128xf32, #tpu.memory_space<vmem_shared>>) offsets(%dma_start3A_406 : memref<128xi32, #tpu.memory_space<vmem>>) semaphore(%arg20 : memref<!tpu.dma_semaphore, #tpu.memory_space<semaphore_mem>>) {add = true}
      %dma_wait3A_410 = arith.constant 12 : i32
      %dma_wait3A_411 = arith.constant 0 : i32
      %dma_wait3A_412 = tpu.memref_slice %arg12[%dma_wait3A_410, %dma_wait3A_411] : memref<16x128xi32, #tpu.memory_space<vmem>> -> memref<1x128xi32, #tpu.memory_space<vmem>>
      %dma_wait3A_413 = tpu.memref_squeeze %dma_wait3A_412 : memref<1x128xi32, #tpu.memory_space<vmem>> -> memref<128xi32, #tpu.memory_space<vmem>>
      %dma_wait3A_414 = arith.constant 0 : i32
      %dma_wait3A_415 = arith.constant 0 : i32
      %dma_wait3A_416 = tpu.memref_slice %arg15[%dma_wait3A_414, %dma_wait3A_415] : memref<10240x128xf32, #tpu.memory_space<vmem_shared>> -> memref<10240x128xf32, #tpu.memory_space<vmem_shared>>
      tpu.wait_indirect_dma semaphore(%arg19 : memref<!tpu.dma_semaphore, #tpu.memory_space<semaphore_mem>>) src(%arg13 : memref<128x128xf32, #tpu.memory_space<vmem>>) dst(%dma_wait3A_416 : memref<10240x128xf32, #tpu.memory_space<vmem_shared>>)
      %dma_start3A_417 = arith.constant 14 : i32
      %dma_start3A_418 = arith.constant 0 : i32
      %dma_start3A_419 = tpu.memref_slice %arg11[%dma_start3A_417, %dma_start3A_418] : memref<16x128xi32, #tpu.memory_space<vmem>> -> memref<1x128xi32, #tpu.memory_space<vmem>>
      %dma_start3A_420 = tpu.memref_squeeze %dma_start3A_419 : memref<1x128xi32, #tpu.memory_space<vmem>> -> memref<128xi32, #tpu.memory_space<vmem>>
      %dma_start3A_421 = arith.constant 0 : i32
      %dma_start3A_422 = arith.constant 0 : i32
      %dma_start3A_423 = tpu.memref_slice %arg2[%dma_start3A_421, %dma_start3A_422] : memref<20000x128xf32, #tpu.memory_space<hbm>> -> memref<20000x128xf32, #tpu.memory_space<hbm>>
      tpu.enqueue_indirect_dma source(%dma_start3A_423 : memref<20000x128xf32, #tpu.memory_space<hbm>>) target(%arg13 : memref<128x128xf32, #tpu.memory_space<vmem>>) offsets(%dma_start3A_420 : memref<128xi32, #tpu.memory_space<vmem>>) semaphore(%arg17 : memref<!tpu.dma_semaphore, #tpu.memory_space<semaphore_mem>>)
      %dma_wait3A_424 = arith.constant 14 : i32
      %dma_wait3A_425 = arith.constant 0 : i32
      %dma_wait3A_426 = tpu.memref_slice %arg11[%dma_wait3A_424, %dma_wait3A_425] : memref<16x128xi32, #tpu.memory_space<vmem>> -> memref<1x128xi32, #tpu.memory_space<vmem>>
      %dma_wait3A_427 = tpu.memref_squeeze %dma_wait3A_426 : memref<1x128xi32, #tpu.memory_space<vmem>> -> memref<128xi32, #tpu.memory_space<vmem>>
      %dma_wait3A_428 = arith.constant 0 : i32
      %dma_wait3A_429 = arith.constant 0 : i32
      %dma_wait3A_430 = tpu.memref_slice %arg2[%dma_wait3A_428, %dma_wait3A_429] : memref<20000x128xf32, #tpu.memory_space<hbm>> -> memref<20000x128xf32, #tpu.memory_space<hbm>>
      tpu.wait_indirect_dma semaphore(%arg17 : memref<!tpu.dma_semaphore, #tpu.memory_space<semaphore_mem>>) src(%dma_wait3A_430 : memref<20000x128xf32, #tpu.memory_space<hbm>>) dst(%arg13 : memref<128x128xf32, #tpu.memory_space<vmem>>)
      %dma_start3A_431 = arith.constant 14 : i32
      %dma_start3A_432 = arith.constant 0 : i32
      %dma_start3A_433 = tpu.memref_slice %arg12[%dma_start3A_431, %dma_start3A_432] : memref<16x128xi32, #tpu.memory_space<vmem>> -> memref<1x128xi32, #tpu.memory_space<vmem>>
      %dma_start3A_434 = tpu.memref_squeeze %dma_start3A_433 : memref<1x128xi32, #tpu.memory_space<vmem>> -> memref<128xi32, #tpu.memory_space<vmem>>
      %dma_start3A_435 = arith.constant 0 : i32
      %dma_start3A_436 = arith.constant 0 : i32
      %dma_start3A_437 = tpu.memref_slice %arg15[%dma_start3A_435, %dma_start3A_436] : memref<10240x128xf32, #tpu.memory_space<vmem_shared>> -> memref<10240x128xf32, #tpu.memory_space<vmem_shared>>
      tpu.enqueue_indirect_dma source(%arg13 : memref<128x128xf32, #tpu.memory_space<vmem>>) target(%dma_start3A_437 : memref<10240x128xf32, #tpu.memory_space<vmem_shared>>) offsets(%dma_start3A_434 : memref<128xi32, #tpu.memory_space<vmem>>) semaphore(%arg19 : memref<!tpu.dma_semaphore, #tpu.memory_space<semaphore_mem>>) {add = true}
      %dma_wait3A_438 = arith.constant 13 : i32
      %dma_wait3A_439 = arith.constant 0 : i32
      %dma_wait3A_440 = tpu.memref_slice %arg12[%dma_wait3A_438, %dma_wait3A_439] : memref<16x128xi32, #tpu.memory_space<vmem>> -> memref<1x128xi32, #tpu.memory_space<vmem>>
      %dma_wait3A_441 = tpu.memref_squeeze %dma_wait3A_440 : memref<1x128xi32, #tpu.memory_space<vmem>> -> memref<128xi32, #tpu.memory_space<vmem>>
      %dma_wait3A_442 = arith.constant 0 : i32
      %dma_wait3A_443 = arith.constant 0 : i32
      %dma_wait3A_444 = tpu.memref_slice %arg15[%dma_wait3A_442, %dma_wait3A_443] : memref<10240x128xf32, #tpu.memory_space<vmem_shared>> -> memref<10240x128xf32, #tpu.memory_space<vmem_shared>>
      tpu.wait_indirect_dma semaphore(%arg20 : memref<!tpu.dma_semaphore, #tpu.memory_space<semaphore_mem>>) src(%arg14 : memref<128x128xf32, #tpu.memory_space<vmem>>) dst(%dma_wait3A_444 : memref<10240x128xf32, #tpu.memory_space<vmem_shared>>)
      %dma_start3A_445 = arith.constant 15 : i32
      %dma_start3A_446 = arith.constant 0 : i32
      %dma_start3A_447 = tpu.memref_slice %arg11[%dma_start3A_445, %dma_start3A_446] : memref<16x128xi32, #tpu.memory_space<vmem>> -> memref<1x128xi32, #tpu.memory_space<vmem>>
      %dma_start3A_448 = tpu.memref_squeeze %dma_start3A_447 : memref<1x128xi32, #tpu.memory_space<vmem>> -> memref<128xi32, #tpu.memory_space<vmem>>
      %dma_start3A_449 = arith.constant 0 : i32
      %dma_start3A_450 = arith.constant 0 : i32
      %dma_start3A_451 = tpu.memref_slice %arg2[%dma_start3A_449, %dma_start3A_450] : memref<20000x128xf32, #tpu.memory_space<hbm>> -> memref<20000x128xf32, #tpu.memory_space<hbm>>
      tpu.enqueue_indirect_dma source(%dma_start3A_451 : memref<20000x128xf32, #tpu.memory_space<hbm>>) target(%arg14 : memref<128x128xf32, #tpu.memory_space<vmem>>) offsets(%dma_start3A_448 : memref<128xi32, #tpu.memory_space<vmem>>) semaphore(%arg18 : memref<!tpu.dma_semaphore, #tpu.memory_space<semaphore_mem>>)
      %dma_wait3A_452 = arith.constant 15 : i32
      %dma_wait3A_453 = arith.constant 0 : i32
      %dma_wait3A_454 = tpu.memref_slice %arg11[%dma_wait3A_452, %dma_wait3A_453] : memref<16x128xi32, #tpu.memory_space<vmem>> -> memref<1x128xi32, #tpu.memory_space<vmem>>
      %dma_wait3A_455 = tpu.memref_squeeze %dma_wait3A_454 : memref<1x128xi32, #tpu.memory_space<vmem>> -> memref<128xi32, #tpu.memory_space<vmem>>
      %dma_wait3A_456 = arith.constant 0 : i32
      %dma_wait3A_457 = arith.constant 0 : i32
      %dma_wait3A_458 = tpu.memref_slice %arg2[%dma_wait3A_456, %dma_wait3A_457] : memref<20000x128xf32, #tpu.memory_space<hbm>> -> memref<20000x128xf32, #tpu.memory_space<hbm>>
      tpu.wait_indirect_dma semaphore(%arg18 : memref<!tpu.dma_semaphore, #tpu.memory_space<semaphore_mem>>) src(%dma_wait3A_458 : memref<20000x128xf32, #tpu.memory_space<hbm>>) dst(%arg14 : memref<128x128xf32, #tpu.memory_space<vmem>>)
      %dma_start3A_459 = arith.constant 15 : i32
      %dma_start3A_460 = arith.constant 0 : i32
      %dma_start3A_461 = tpu.memref_slice %arg12[%dma_start3A_459, %dma_start3A_460] : memref<16x128xi32, #tpu.memory_space<vmem>> -> memref<1x128xi32, #tpu.memory_space<vmem>>
      %dma_start3A_462 = tpu.memref_squeeze %dma_start3A_461 : memref<1x128xi32, #tpu.memory_space<vmem>> -> memref<128xi32, #tpu.memory_space<vmem>>
      %dma_start3A_463 = arith.constant 0 : i32
      %dma_start3A_464 = arith.constant 0 : i32
      %dma_start3A_465 = tpu.memref_slice %arg15[%dma_start3A_463, %dma_start3A_464] : memref<10240x128xf32, #tpu.memory_space<vmem_shared>> -> memref<10240x128xf32, #tpu.memory_space<vmem_shared>>
      tpu.enqueue_indirect_dma source(%arg14 : memref<128x128xf32, #tpu.memory_space<vmem>>) target(%dma_start3A_465 : memref<10240x128xf32, #tpu.memory_space<vmem_shared>>) offsets(%dma_start3A_462 : memref<128xi32, #tpu.memory_space<vmem>>) semaphore(%arg20 : memref<!tpu.dma_semaphore, #tpu.memory_space<semaphore_mem>>) {add = true}
      %dma_wait3A_466 = arith.constant 14 : i32
      %dma_wait3A_467 = arith.constant 0 : i32
      %dma_wait3A_468 = tpu.memref_slice %arg12[%dma_wait3A_466, %dma_wait3A_467] : memref<16x128xi32, #tpu.memory_space<vmem>> -> memref<1x128xi32, #tpu.memory_space<vmem>>
      %dma_wait3A_469 = tpu.memref_squeeze %dma_wait3A_468 : memref<1x128xi32, #tpu.memory_space<vmem>> -> memref<128xi32, #tpu.memory_space<vmem>>
      %dma_wait3A_470 = arith.constant 0 : i32
      %dma_wait3A_471 = arith.constant 0 : i32
      %dma_wait3A_472 = tpu.memref_slice %arg15[%dma_wait3A_470, %dma_wait3A_471] : memref<10240x128xf32, #tpu.memory_space<vmem_shared>> -> memref<10240x128xf32, #tpu.memory_space<vmem_shared>>
      tpu.wait_indirect_dma semaphore(%arg19 : memref<!tpu.dma_semaphore, #tpu.memory_space<semaphore_mem>>) src(%arg13 : memref<128x128xf32, #tpu.memory_space<vmem>>) dst(%dma_wait3A_472 : memref<10240x128xf32, #tpu.memory_space<vmem_shared>>)
      %dma_wait3A_473 = arith.constant 15 : i32
      %dma_wait3A_474 = arith.constant 0 : i32
      %dma_wait3A_475 = tpu.memref_slice %arg12[%dma_wait3A_473, %dma_wait3A_474] : memref<16x128xi32, #tpu.memory_space<vmem>> -> memref<1x128xi32, #tpu.memory_space<vmem>>
      %dma_wait3A_476 = tpu.memref_squeeze %dma_wait3A_475 : memref<1x128xi32, #tpu.memory_space<vmem>> -> memref<128xi32, #tpu.memory_space<vmem>>
      %dma_wait3A_477 = arith.constant 0 : i32
      %dma_wait3A_478 = arith.constant 0 : i32
      %dma_wait3A_479 = tpu.memref_slice %arg15[%dma_wait3A_477, %dma_wait3A_478] : memref<10240x128xf32, #tpu.memory_space<vmem_shared>> -> memref<10240x128xf32, #tpu.memory_space<vmem_shared>>
      tpu.wait_indirect_dma semaphore(%arg20 : memref<!tpu.dma_semaphore, #tpu.memory_space<semaphore_mem>>) src(%arg14 : memref<128x128xf32, #tpu.memory_space<vmem>>) dst(%dma_wait3A_479 : memref<10240x128xf32, #tpu.memory_space<vmem_shared>>)
    }
    %scan3A_11 = arith.constant 5 : i32
    %scan3A_12 = arith.constant 0 : i32
    %scan3A_13 = arith.constant 0 : i32
    %scan3A_14 = arith.constant 5 : i32
    %scan3A_15 = arith.addi %scan3A_13, %scan3A_14 : i32
    %scan3A_16 = arith.constant 1 : i32
    scf.for %scan3A_29 = %scan3A_13 to %scan3A_15 step %scan3A_16  : i32 {
      %mul3A_30 = arith.constant 8 : i32
      %mul3A_31 = arith.muli %scan3A_29, %mul3A_30 : i32
      "tpu.region"() ({
        %run_scoped3A = tpu.sem_alloc : memref<!tpu.dma_semaphore, #tpu.memory_space<semaphore_mem>>
        %dma_start3A_256 = arith.constant 0 : i32
        %dma_start3A_257 = arith.constant 0 : i32
        %dma_start3A_258 = tpu.memref_slice %arg11[%dma_start3A_256, %dma_start3A_257] : memref<16x128xi32, #tpu.memory_space<vmem>> -> memref<8x128xi32, #tpu.memory_space<vmem>>
        %dma_start3A_259 = arith.constant 0 : i32
        %dma_start3A_260 = tpu.memref_slice %arg6[%arg0, %arg1, %mul3A_31, %dma_start3A_259] : memref<2x16x40x128xi32, #tpu.memory_space<hbm>> -> memref<1x1x8x128xi32, #tpu.memory_space<hbm>>
        %dma_start3A_261 = tpu.memref_squeeze %dma_start3A_260 : memref<1x1x8x128xi32, #tpu.memory_space<hbm>> -> memref<8x128xi32, #tpu.memory_space<hbm>>
        %dma_start3A_262 = arith.constant 0 : i32
        %dma_start3A_263 = arith.constant 0 : i32
        %dma_start3A_264 = tpu.memref_slice %arg11[%dma_start3A_262, %dma_start3A_263] : memref<16x128xi32, #tpu.memory_space<vmem>> -> memref<8x128xi32, #tpu.memory_space<vmem>>
        %dma_start3A_265 = arith.constant 0 : i32
        %dma_start3A_266 = tpu.memref_slice %arg6[%arg0, %arg1, %mul3A_31, %dma_start3A_265] : memref<2x16x40x128xi32, #tpu.memory_space<hbm>> -> memref<1x1x8x128xi32, #tpu.memory_space<hbm>>
        %dma_start3A_267 = tpu.memref_squeeze %dma_start3A_266 : memref<1x1x8x128xi32, #tpu.memory_space<hbm>> -> memref<8x128xi32, #tpu.memory_space<hbm>>
        tpu.enqueue_dma source(%dma_start3A_267 : memref<8x128xi32, #tpu.memory_space<hbm>>) target(%dma_start3A_264 : memref<8x128xi32, #tpu.memory_space<vmem>>) target_semaphore(%run_scoped3A : memref<!tpu.dma_semaphore, #tpu.memory_space<semaphore_mem>>)
        %dma_wait3A_268 = arith.constant 0 : i32
        %dma_wait3A_269 = arith.constant 0 : i32
        %dma_wait3A_270 = tpu.memref_slice %arg11[%dma_wait3A_268, %dma_wait3A_269] : memref<16x128xi32, #tpu.memory_space<vmem>> -> memref<8x128xi32, #tpu.memory_space<vmem>>
        %dma_wait3A_271 = arith.constant 0 : i32
        %dma_wait3A_272 = tpu.memref_slice %arg6[%arg0, %arg1, %mul3A_31, %dma_wait3A_271] : memref<2x16x40x128xi32, #tpu.memory_space<hbm>> -> memref<1x1x8x128xi32, #tpu.memory_space<hbm>>
        %dma_wait3A_273 = tpu.memref_squeeze %dma_wait3A_272 : memref<1x1x8x128xi32, #tpu.memory_space<hbm>> -> memref<8x128xi32, #tpu.memory_space<hbm>>
        %dma_wait3A_274 = arith.constant 0 : i32
        %dma_wait3A_275 = arith.constant 0 : i32
        %dma_wait3A_276 = tpu.memref_slice %arg11[%dma_wait3A_274, %dma_wait3A_275] : memref<16x128xi32, #tpu.memory_space<vmem>> -> memref<8x128xi32, #tpu.memory_space<vmem>>
        %dma_wait3A_277 = arith.constant 0 : i32
        %dma_wait3A_278 = tpu.memref_slice %arg6[%arg0, %arg1, %mul3A_31, %dma_wait3A_277] : memref<2x16x40x128xi32, #tpu.memory_space<hbm>> -> memref<1x1x8x128xi32, #tpu.memory_space<hbm>>
        %dma_wait3A_279 = tpu.memref_squeeze %dma_wait3A_278 : memref<1x1x8x128xi32, #tpu.memory_space<hbm>> -> memref<8x128xi32, #tpu.memory_space<hbm>>
        tpu.wait_dma2 semaphore(%run_scoped3A : memref<!tpu.dma_semaphore, #tpu.memory_space<semaphore_mem>>) src(%dma_wait3A_279 : memref<8x128xi32, #tpu.memory_space<hbm>>) dst(%dma_wait3A_276 : memref<8x128xi32, #tpu.memory_space<vmem>>)
        tpu.yield
      }) : () -> ()
      %mul3A_32 = arith.constant 8 : i32
      %mul3A_33 = arith.muli %scan3A_29, %mul3A_32 : i32
      "tpu.region"() ({
        %run_scoped3A = tpu.sem_alloc : memref<!tpu.dma_semaphore, #tpu.memory_space<semaphore_mem>>
        %dma_start3A_256 = arith.constant 0 : i32
        %dma_start3A_257 = arith.constant 0 : i32
        %dma_start3A_258 = tpu.memref_slice %arg12[%dma_start3A_256, %dma_start3A_257] : memref<16x128xi32, #tpu.memory_space<vmem>> -> memref<8x128xi32, #tpu.memory_space<vmem>>
        %dma_start3A_259 = arith.constant 0 : i32
        %dma_start3A_260 = tpu.memref_slice %arg7[%arg0, %arg1, %mul3A_33, %dma_start3A_259] : memref<2x16x40x128xi32, #tpu.memory_space<hbm>> -> memref<1x1x8x128xi32, #tpu.memory_space<hbm>>
        %dma_start3A_261 = tpu.memref_squeeze %dma_start3A_260 : memref<1x1x8x128xi32, #tpu.memory_space<hbm>> -> memref<8x128xi32, #tpu.memory_space<hbm>>
        %dma_start3A_262 = arith.constant 0 : i32
        %dma_start3A_263 = arith.constant 0 : i32
        %dma_start3A_264 = tpu.memref_slice %arg12[%dma_start3A_262, %dma_start3A_263] : memref<16x128xi32, #tpu.memory_space<vmem>> -> memref<8x128xi32, #tpu.memory_space<vmem>>
        %dma_start3A_265 = arith.constant 0 : i32
        %dma_start3A_266 = tpu.memref_slice %arg7[%arg0, %arg1, %mul3A_33, %dma_start3A_265] : memref<2x16x40x128xi32, #tpu.memory_space<hbm>> -> memref<1x1x8x128xi32, #tpu.memory_space<hbm>>
        %dma_start3A_267 = tpu.memref_squeeze %dma_start3A_266 : memref<1x1x8x128xi32, #tpu.memory_space<hbm>> -> memref<8x128xi32, #tpu.memory_space<hbm>>
        tpu.enqueue_dma source(%dma_start3A_267 : memref<8x128xi32, #tpu.memory_space<hbm>>) target(%dma_start3A_264 : memref<8x128xi32, #tpu.memory_space<vmem>>) target_semaphore(%run_scoped3A : memref<!tpu.dma_semaphore, #tpu.memory_space<semaphore_mem>>)
        %dma_wait3A_268 = arith.constant 0 : i32
        %dma_wait3A_269 = arith.constant 0 : i32
        %dma_wait3A_270 = tpu.memref_slice %arg12[%dma_wait3A_268, %dma_wait3A_269] : memref<16x128xi32, #tpu.memory_space<vmem>> -> memref<8x128xi32, #tpu.memory_space<vmem>>
        %dma_wait3A_271 = arith.constant 0 : i32
        %dma_wait3A_272 = tpu.memref_slice %arg7[%arg0, %arg1, %mul3A_33, %dma_wait3A_271] : memref<2x16x40x128xi32, #tpu.memory_space<hbm>> -> memref<1x1x8x128xi32, #tpu.memory_space<hbm>>
        %dma_wait3A_273 = tpu.memref_squeeze %dma_wait3A_272 : memref<1x1x8x128xi32, #tpu.memory_space<hbm>> -> memref<8x128xi32, #tpu.memory_space<hbm>>
        %dma_wait3A_274 = arith.constant 0 : i32
        %dma_wait3A_275 = arith.constant 0 : i32
        %dma_wait3A_276 = tpu.memref_slice %arg12[%dma_wait3A_274, %dma_wait3A_275] : memref<16x128xi32, #tpu.memory_space<vmem>> -> memref<8x128xi32, #tpu.memory_space<vmem>>
        %dma_wait3A_277 = arith.constant 0 : i32
        %dma_wait3A_278 = tpu.memref_slice %arg7[%arg0, %arg1, %mul3A_33, %dma_wait3A_277] : memref<2x16x40x128xi32, #tpu.memory_space<hbm>> -> memref<1x1x8x128xi32, #tpu.memory_space<hbm>>
        %dma_wait3A_279 = tpu.memref_squeeze %dma_wait3A_278 : memref<1x1x8x128xi32, #tpu.memory_space<hbm>> -> memref<8x128xi32, #tpu.memory_space<hbm>>
        tpu.wait_dma2 semaphore(%run_scoped3A : memref<!tpu.dma_semaphore, #tpu.memory_space<semaphore_mem>>) src(%dma_wait3A_279 : memref<8x128xi32, #tpu.memory_space<hbm>>) dst(%dma_wait3A_276 : memref<8x128xi32, #tpu.memory_space<vmem>>)
        tpu.yield
      }) : () -> ()
      %dma_start3A = arith.constant 0 : i32
      %dma_start3A_34 = arith.constant 0 : i32
      %dma_start3A_35 = tpu.memref_slice %arg11[%dma_start3A, %dma_start3A_34] : memref<16x128xi32, #tpu.memory_space<vmem>> -> memref<1x128xi32, #tpu.memory_space<vmem>>
      %dma_start3A_36 = tpu.memref_squeeze %dma_start3A_35 : memref<1x128xi32, #tpu.memory_space<vmem>> -> memref<128xi32, #tpu.memory_space<vmem>>
      %dma_start3A_37 = arith.constant 0 : i32
      %dma_start3A_38 = arith.constant 0 : i32
      %dma_start3A_39 = tpu.memref_slice %arg3[%dma_start3A_37, %dma_start3A_38] : memref<16x128xf32, #tpu.memory_space<hbm>> -> memref<16x128xf32, #tpu.memory_space<hbm>>
      tpu.enqueue_indirect_dma source(%dma_start3A_39 : memref<16x128xf32, #tpu.memory_space<hbm>>) target(%arg13 : memref<128x128xf32, #tpu.memory_space<vmem>>) offsets(%dma_start3A_36 : memref<128xi32, #tpu.memory_space<vmem>>) semaphore(%arg17 : memref<!tpu.dma_semaphore, #tpu.memory_space<semaphore_mem>>)
      %dma_wait3A = arith.constant 0 : i32
      %dma_wait3A_40 = arith.constant 0 : i32
      %dma_wait3A_41 = tpu.memref_slice %arg11[%dma_wait3A, %dma_wait3A_40] : memref<16x128xi32, #tpu.memory_space<vmem>> -> memref<1x128xi32, #tpu.memory_space<vmem>>
      %dma_wait3A_42 = tpu.memref_squeeze %dma_wait3A_41 : memref<1x128xi32, #tpu.memory_space<vmem>> -> memref<128xi32, #tpu.memory_space<vmem>>
      %dma_wait3A_43 = arith.constant 0 : i32
      %dma_wait3A_44 = arith.constant 0 : i32
      %dma_wait3A_45 = tpu.memref_slice %arg3[%dma_wait3A_43, %dma_wait3A_44] : memref<16x128xf32, #tpu.memory_space<hbm>> -> memref<16x128xf32, #tpu.memory_space<hbm>>
      tpu.wait_indirect_dma semaphore(%arg17 : memref<!tpu.dma_semaphore, #tpu.memory_space<semaphore_mem>>) src(%dma_wait3A_45 : memref<16x128xf32, #tpu.memory_space<hbm>>) dst(%arg13 : memref<128x128xf32, #tpu.memory_space<vmem>>)
      %dma_start3A_46 = arith.constant 0 : i32
      %dma_start3A_47 = arith.constant 0 : i32
      %dma_start3A_48 = tpu.memref_slice %arg12[%dma_start3A_46, %dma_start3A_47] : memref<16x128xi32, #tpu.memory_space<vmem>> -> memref<1x128xi32, #tpu.memory_space<vmem>>
      %dma_start3A_49 = tpu.memref_squeeze %dma_start3A_48 : memref<1x128xi32, #tpu.memory_space<vmem>> -> memref<128xi32, #tpu.memory_space<vmem>>
      %dma_start3A_50 = arith.constant 0 : i32
      %dma_start3A_51 = arith.constant 0 : i32
      %dma_start3A_52 = tpu.memref_slice %arg16[%dma_start3A_50, %dma_start3A_51] : memref<640x128xf32, #tpu.memory_space<vmem_shared>> -> memref<640x128xf32, #tpu.memory_space<vmem_shared>>
      tpu.enqueue_indirect_dma source(%arg13 : memref<128x128xf32, #tpu.memory_space<vmem>>) target(%dma_start3A_52 : memref<640x128xf32, #tpu.memory_space<vmem_shared>>) offsets(%dma_start3A_49 : memref<128xi32, #tpu.memory_space<vmem>>) semaphore(%arg19 : memref<!tpu.dma_semaphore, #tpu.memory_space<semaphore_mem>>) {add = true}
      %dma_start3A_53 = arith.constant 1 : i32
      %dma_start3A_54 = arith.constant 0 : i32
      %dma_start3A_55 = tpu.memref_slice %arg11[%dma_start3A_53, %dma_start3A_54] : memref<16x128xi32, #tpu.memory_space<vmem>> -> memref<1x128xi32, #tpu.memory_space<vmem>>
      %dma_start3A_56 = tpu.memref_squeeze %dma_start3A_55 : memref<1x128xi32, #tpu.memory_space<vmem>> -> memref<128xi32, #tpu.memory_space<vmem>>
      %dma_start3A_57 = arith.constant 0 : i32
      %dma_start3A_58 = arith.constant 0 : i32
      %dma_start3A_59 = tpu.memref_slice %arg3[%dma_start3A_57, %dma_start3A_58] : memref<16x128xf32, #tpu.memory_space<hbm>> -> memref<16x128xf32, #tpu.memory_space<hbm>>
      tpu.enqueue_indirect_dma source(%dma_start3A_59 : memref<16x128xf32, #tpu.memory_space<hbm>>) target(%arg14 : memref<128x128xf32, #tpu.memory_space<vmem>>) offsets(%dma_start3A_56 : memref<128xi32, #tpu.memory_space<vmem>>) semaphore(%arg18 : memref<!tpu.dma_semaphore, #tpu.memory_space<semaphore_mem>>)
      %dma_wait3A_60 = arith.constant 1 : i32
      %dma_wait3A_61 = arith.constant 0 : i32
      %dma_wait3A_62 = tpu.memref_slice %arg11[%dma_wait3A_60, %dma_wait3A_61] : memref<16x128xi32, #tpu.memory_space<vmem>> -> memref<1x128xi32, #tpu.memory_space<vmem>>
      %dma_wait3A_63 = tpu.memref_squeeze %dma_wait3A_62 : memref<1x128xi32, #tpu.memory_space<vmem>> -> memref<128xi32, #tpu.memory_space<vmem>>
      %dma_wait3A_64 = arith.constant 0 : i32
      %dma_wait3A_65 = arith.constant 0 : i32
      %dma_wait3A_66 = tpu.memref_slice %arg3[%dma_wait3A_64, %dma_wait3A_65] : memref<16x128xf32, #tpu.memory_space<hbm>> -> memref<16x128xf32, #tpu.memory_space<hbm>>
      tpu.wait_indirect_dma semaphore(%arg18 : memref<!tpu.dma_semaphore, #tpu.memory_space<semaphore_mem>>) src(%dma_wait3A_66 : memref<16x128xf32, #tpu.memory_space<hbm>>) dst(%arg14 : memref<128x128xf32, #tpu.memory_space<vmem>>)
      %dma_start3A_67 = arith.constant 1 : i32
      %dma_start3A_68 = arith.constant 0 : i32
      %dma_start3A_69 = tpu.memref_slice %arg12[%dma_start3A_67, %dma_start3A_68] : memref<16x128xi32, #tpu.memory_space<vmem>> -> memref<1x128xi32, #tpu.memory_space<vmem>>
      %dma_start3A_70 = tpu.memref_squeeze %dma_start3A_69 : memref<1x128xi32, #tpu.memory_space<vmem>> -> memref<128xi32, #tpu.memory_space<vmem>>
      %dma_start3A_71 = arith.constant 0 : i32
      %dma_start3A_72 = arith.constant 0 : i32
      %dma_start3A_73 = tpu.memref_slice %arg16[%dma_start3A_71, %dma_start3A_72] : memref<640x128xf32, #tpu.memory_space<vmem_shared>> -> memref<640x128xf32, #tpu.memory_space<vmem_shared>>
      tpu.enqueue_indirect_dma source(%arg14 : memref<128x128xf32, #tpu.memory_space<vmem>>) target(%dma_start3A_73 : memref<640x128xf32, #tpu.memory_space<vmem_shared>>) offsets(%dma_start3A_70 : memref<128xi32, #tpu.memory_space<vmem>>) semaphore(%arg20 : memref<!tpu.dma_semaphore, #tpu.memory_space<semaphore_mem>>) {add = true}
      %dma_wait3A_74 = arith.constant 0 : i32
      %dma_wait3A_75 = arith.constant 0 : i32
      %dma_wait3A_76 = tpu.memref_slice %arg12[%dma_wait3A_74, %dma_wait3A_75] : memref<16x128xi32, #tpu.memory_space<vmem>> -> memref<1x128xi32, #tpu.memory_space<vmem>>
      %dma_wait3A_77 = tpu.memref_squeeze %dma_wait3A_76 : memref<1x128xi32, #tpu.memory_space<vmem>> -> memref<128xi32, #tpu.memory_space<vmem>>
      %dma_wait3A_78 = arith.constant 0 : i32
      %dma_wait3A_79 = arith.constant 0 : i32
      %dma_wait3A_80 = tpu.memref_slice %arg16[%dma_wait3A_78, %dma_wait3A_79] : memref<640x128xf32, #tpu.memory_space<vmem_shared>> -> memref<640x128xf32, #tpu.memory_space<vmem_shared>>
      tpu.wait_indirect_dma semaphore(%arg19 : memref<!tpu.dma_semaphore, #tpu.memory_space<semaphore_mem>>) src(%arg13 : memref<128x128xf32, #tpu.memory_space<vmem>>) dst(%dma_wait3A_80 : memref<640x128xf32, #tpu.memory_space<vmem_shared>>)
      %dma_start3A_81 = arith.constant 2 : i32
      %dma_start3A_82 = arith.constant 0 : i32
      %dma_start3A_83 = tpu.memref_slice %arg11[%dma_start3A_81, %dma_start3A_82] : memref<16x128xi32, #tpu.memory_space<vmem>> -> memref<1x128xi32, #tpu.memory_space<vmem>>
      %dma_start3A_84 = tpu.memref_squeeze %dma_start3A_83 : memref<1x128xi32, #tpu.memory_space<vmem>> -> memref<128xi32, #tpu.memory_space<vmem>>
      %dma_start3A_85 = arith.constant 0 : i32
      %dma_start3A_86 = arith.constant 0 : i32
      %dma_start3A_87 = tpu.memref_slice %arg3[%dma_start3A_85, %dma_start3A_86] : memref<16x128xf32, #tpu.memory_space<hbm>> -> memref<16x128xf32, #tpu.memory_space<hbm>>
      tpu.enqueue_indirect_dma source(%dma_start3A_87 : memref<16x128xf32, #tpu.memory_space<hbm>>) target(%arg13 : memref<128x128xf32, #tpu.memory_space<vmem>>) offsets(%dma_start3A_84 : memref<128xi32, #tpu.memory_space<vmem>>) semaphore(%arg17 : memref<!tpu.dma_semaphore, #tpu.memory_space<semaphore_mem>>)
      %dma_wait3A_88 = arith.constant 2 : i32
      %dma_wait3A_89 = arith.constant 0 : i32
      %dma_wait3A_90 = tpu.memref_slice %arg11[%dma_wait3A_88, %dma_wait3A_89] : memref<16x128xi32, #tpu.memory_space<vmem>> -> memref<1x128xi32, #tpu.memory_space<vmem>>
      %dma_wait3A_91 = tpu.memref_squeeze %dma_wait3A_90 : memref<1x128xi32, #tpu.memory_space<vmem>> -> memref<128xi32, #tpu.memory_space<vmem>>
      %dma_wait3A_92 = arith.constant 0 : i32
      %dma_wait3A_93 = arith.constant 0 : i32
      %dma_wait3A_94 = tpu.memref_slice %arg3[%dma_wait3A_92, %dma_wait3A_93] : memref<16x128xf32, #tpu.memory_space<hbm>> -> memref<16x128xf32, #tpu.memory_space<hbm>>
      tpu.wait_indirect_dma semaphore(%arg17 : memref<!tpu.dma_semaphore, #tpu.memory_space<semaphore_mem>>) src(%dma_wait3A_94 : memref<16x128xf32, #tpu.memory_space<hbm>>) dst(%arg13 : memref<128x128xf32, #tpu.memory_space<vmem>>)
      %dma_start3A_95 = arith.constant 2 : i32
      %dma_start3A_96 = arith.constant 0 : i32
      %dma_start3A_97 = tpu.memref_slice %arg12[%dma_start3A_95, %dma_start3A_96] : memref<16x128xi32, #tpu.memory_space<vmem>> -> memref<1x128xi32, #tpu.memory_space<vmem>>
      %dma_start3A_98 = tpu.memref_squeeze %dma_start3A_97 : memref<1x128xi32, #tpu.memory_space<vmem>> -> memref<128xi32, #tpu.memory_space<vmem>>
      %dma_start3A_99 = arith.constant 0 : i32
      %dma_start3A_100 = arith.constant 0 : i32
      %dma_start3A_101 = tpu.memref_slice %arg16[%dma_start3A_99, %dma_start3A_100] : memref<640x128xf32, #tpu.memory_space<vmem_shared>> -> memref<640x128xf32, #tpu.memory_space<vmem_shared>>
      tpu.enqueue_indirect_dma source(%arg13 : memref<128x128xf32, #tpu.memory_space<vmem>>) target(%dma_start3A_101 : memref<640x128xf32, #tpu.memory_space<vmem_shared>>) offsets(%dma_start3A_98 : memref<128xi32, #tpu.memory_space<vmem>>) semaphore(%arg19 : memref<!tpu.dma_semaphore, #tpu.memory_space<semaphore_mem>>) {add = true}
      %dma_wait3A_102 = arith.constant 1 : i32
      %dma_wait3A_103 = arith.constant 0 : i32
      %dma_wait3A_104 = tpu.memref_slice %arg12[%dma_wait3A_102, %dma_wait3A_103] : memref<16x128xi32, #tpu.memory_space<vmem>> -> memref<1x128xi32, #tpu.memory_space<vmem>>
      %dma_wait3A_105 = tpu.memref_squeeze %dma_wait3A_104 : memref<1x128xi32, #tpu.memory_space<vmem>> -> memref<128xi32, #tpu.memory_space<vmem>>
      %dma_wait3A_106 = arith.constant 0 : i32
      %dma_wait3A_107 = arith.constant 0 : i32
      %dma_wait3A_108 = tpu.memref_slice %arg16[%dma_wait3A_106, %dma_wait3A_107] : memref<640x128xf32, #tpu.memory_space<vmem_shared>> -> memref<640x128xf32, #tpu.memory_space<vmem_shared>>
      tpu.wait_indirect_dma semaphore(%arg20 : memref<!tpu.dma_semaphore, #tpu.memory_space<semaphore_mem>>) src(%arg14 : memref<128x128xf32, #tpu.memory_space<vmem>>) dst(%dma_wait3A_108 : memref<640x128xf32, #tpu.memory_space<vmem_shared>>)
      %dma_start3A_109 = arith.constant 3 : i32
      %dma_start3A_110 = arith.constant 0 : i32
      %dma_start3A_111 = tpu.memref_slice %arg11[%dma_start3A_109, %dma_start3A_110] : memref<16x128xi32, #tpu.memory_space<vmem>> -> memref<1x128xi32, #tpu.memory_space<vmem>>
      %dma_start3A_112 = tpu.memref_squeeze %dma_start3A_111 : memref<1x128xi32, #tpu.memory_space<vmem>> -> memref<128xi32, #tpu.memory_space<vmem>>
      %dma_start3A_113 = arith.constant 0 : i32
      %dma_start3A_114 = arith.constant 0 : i32
      %dma_start3A_115 = tpu.memref_slice %arg3[%dma_start3A_113, %dma_start3A_114] : memref<16x128xf32, #tpu.memory_space<hbm>> -> memref<16x128xf32, #tpu.memory_space<hbm>>
      tpu.enqueue_indirect_dma source(%dma_start3A_115 : memref<16x128xf32, #tpu.memory_space<hbm>>) target(%arg14 : memref<128x128xf32, #tpu.memory_space<vmem>>) offsets(%dma_start3A_112 : memref<128xi32, #tpu.memory_space<vmem>>) semaphore(%arg18 : memref<!tpu.dma_semaphore, #tpu.memory_space<semaphore_mem>>)
      %dma_wait3A_116 = arith.constant 3 : i32
      %dma_wait3A_117 = arith.constant 0 : i32
      %dma_wait3A_118 = tpu.memref_slice %arg11[%dma_wait3A_116, %dma_wait3A_117] : memref<16x128xi32, #tpu.memory_space<vmem>> -> memref<1x128xi32, #tpu.memory_space<vmem>>
      %dma_wait3A_119 = tpu.memref_squeeze %dma_wait3A_118 : memref<1x128xi32, #tpu.memory_space<vmem>> -> memref<128xi32, #tpu.memory_space<vmem>>
      %dma_wait3A_120 = arith.constant 0 : i32
      %dma_wait3A_121 = arith.constant 0 : i32
      %dma_wait3A_122 = tpu.memref_slice %arg3[%dma_wait3A_120, %dma_wait3A_121] : memref<16x128xf32, #tpu.memory_space<hbm>> -> memref<16x128xf32, #tpu.memory_space<hbm>>
      tpu.wait_indirect_dma semaphore(%arg18 : memref<!tpu.dma_semaphore, #tpu.memory_space<semaphore_mem>>) src(%dma_wait3A_122 : memref<16x128xf32, #tpu.memory_space<hbm>>) dst(%arg14 : memref<128x128xf32, #tpu.memory_space<vmem>>)
      %dma_start3A_123 = arith.constant 3 : i32
      %dma_start3A_124 = arith.constant 0 : i32
      %dma_start3A_125 = tpu.memref_slice %arg12[%dma_start3A_123, %dma_start3A_124] : memref<16x128xi32, #tpu.memory_space<vmem>> -> memref<1x128xi32, #tpu.memory_space<vmem>>
      %dma_start3A_126 = tpu.memref_squeeze %dma_start3A_125 : memref<1x128xi32, #tpu.memory_space<vmem>> -> memref<128xi32, #tpu.memory_space<vmem>>
      %dma_start3A_127 = arith.constant 0 : i32
      %dma_start3A_128 = arith.constant 0 : i32
      %dma_start3A_129 = tpu.memref_slice %arg16[%dma_start3A_127, %dma_start3A_128] : memref<640x128xf32, #tpu.memory_space<vmem_shared>> -> memref<640x128xf32, #tpu.memory_space<vmem_shared>>
      tpu.enqueue_indirect_dma source(%arg14 : memref<128x128xf32, #tpu.memory_space<vmem>>) target(%dma_start3A_129 : memref<640x128xf32, #tpu.memory_space<vmem_shared>>) offsets(%dma_start3A_126 : memref<128xi32, #tpu.memory_space<vmem>>) semaphore(%arg20 : memref<!tpu.dma_semaphore, #tpu.memory_space<semaphore_mem>>) {add = true}
      %dma_wait3A_130 = arith.constant 2 : i32
      %dma_wait3A_131 = arith.constant 0 : i32
      %dma_wait3A_132 = tpu.memref_slice %arg12[%dma_wait3A_130, %dma_wait3A_131] : memref<16x128xi32, #tpu.memory_space<vmem>> -> memref<1x128xi32, #tpu.memory_space<vmem>>
      %dma_wait3A_133 = tpu.memref_squeeze %dma_wait3A_132 : memref<1x128xi32, #tpu.memory_space<vmem>> -> memref<128xi32, #tpu.memory_space<vmem>>
      %dma_wait3A_134 = arith.constant 0 : i32
      %dma_wait3A_135 = arith.constant 0 : i32
      %dma_wait3A_136 = tpu.memref_slice %arg16[%dma_wait3A_134, %dma_wait3A_135] : memref<640x128xf32, #tpu.memory_space<vmem_shared>> -> memref<640x128xf32, #tpu.memory_space<vmem_shared>>
      tpu.wait_indirect_dma semaphore(%arg19 : memref<!tpu.dma_semaphore, #tpu.memory_space<semaphore_mem>>) src(%arg13 : memref<128x128xf32, #tpu.memory_space<vmem>>) dst(%dma_wait3A_136 : memref<640x128xf32, #tpu.memory_space<vmem_shared>>)
      %dma_start3A_137 = arith.constant 4 : i32
      %dma_start3A_138 = arith.constant 0 : i32
      %dma_start3A_139 = tpu.memref_slice %arg11[%dma_start3A_137, %dma_start3A_138] : memref<16x128xi32, #tpu.memory_space<vmem>> -> memref<1x128xi32, #tpu.memory_space<vmem>>
      %dma_start3A_140 = tpu.memref_squeeze %dma_start3A_139 : memref<1x128xi32, #tpu.memory_space<vmem>> -> memref<128xi32, #tpu.memory_space<vmem>>
      %dma_start3A_141 = arith.constant 0 : i32
      %dma_start3A_142 = arith.constant 0 : i32
      %dma_start3A_143 = tpu.memref_slice %arg3[%dma_start3A_141, %dma_start3A_142] : memref<16x128xf32, #tpu.memory_space<hbm>> -> memref<16x128xf32, #tpu.memory_space<hbm>>
      tpu.enqueue_indirect_dma source(%dma_start3A_143 : memref<16x128xf32, #tpu.memory_space<hbm>>) target(%arg13 : memref<128x128xf32, #tpu.memory_space<vmem>>) offsets(%dma_start3A_140 : memref<128xi32, #tpu.memory_space<vmem>>) semaphore(%arg17 : memref<!tpu.dma_semaphore, #tpu.memory_space<semaphore_mem>>)
      %dma_wait3A_144 = arith.constant 4 : i32
      %dma_wait3A_145 = arith.constant 0 : i32
      %dma_wait3A_146 = tpu.memref_slice %arg11[%dma_wait3A_144, %dma_wait3A_145] : memref<16x128xi32, #tpu.memory_space<vmem>> -> memref<1x128xi32, #tpu.memory_space<vmem>>
      %dma_wait3A_147 = tpu.memref_squeeze %dma_wait3A_146 : memref<1x128xi32, #tpu.memory_space<vmem>> -> memref<128xi32, #tpu.memory_space<vmem>>
      %dma_wait3A_148 = arith.constant 0 : i32
      %dma_wait3A_149 = arith.constant 0 : i32
      %dma_wait3A_150 = tpu.memref_slice %arg3[%dma_wait3A_148, %dma_wait3A_149] : memref<16x128xf32, #tpu.memory_space<hbm>> -> memref<16x128xf32, #tpu.memory_space<hbm>>
      tpu.wait_indirect_dma semaphore(%arg17 : memref<!tpu.dma_semaphore, #tpu.memory_space<semaphore_mem>>) src(%dma_wait3A_150 : memref<16x128xf32, #tpu.memory_space<hbm>>) dst(%arg13 : memref<128x128xf32, #tpu.memory_space<vmem>>)
      %dma_start3A_151 = arith.constant 4 : i32
      %dma_start3A_152 = arith.constant 0 : i32
      %dma_start3A_153 = tpu.memref_slice %arg12[%dma_start3A_151, %dma_start3A_152] : memref<16x128xi32, #tpu.memory_space<vmem>> -> memref<1x128xi32, #tpu.memory_space<vmem>>
      %dma_start3A_154 = tpu.memref_squeeze %dma_start3A_153 : memref<1x128xi32, #tpu.memory_space<vmem>> -> memref<128xi32, #tpu.memory_space<vmem>>
      %dma_start3A_155 = arith.constant 0 : i32
      %dma_start3A_156 = arith.constant 0 : i32
      %dma_start3A_157 = tpu.memref_slice %arg16[%dma_start3A_155, %dma_start3A_156] : memref<640x128xf32, #tpu.memory_space<vmem_shared>> -> memref<640x128xf32, #tpu.memory_space<vmem_shared>>
      tpu.enqueue_indirect_dma source(%arg13 : memref<128x128xf32, #tpu.memory_space<vmem>>) target(%dma_start3A_157 : memref<640x128xf32, #tpu.memory_space<vmem_shared>>) offsets(%dma_start3A_154 : memref<128xi32, #tpu.memory_space<vmem>>) semaphore(%arg19 : memref<!tpu.dma_semaphore, #tpu.memory_space<semaphore_mem>>) {add = true}
      %dma_wait3A_158 = arith.constant 3 : i32
      %dma_wait3A_159 = arith.constant 0 : i32
      %dma_wait3A_160 = tpu.memref_slice %arg12[%dma_wait3A_158, %dma_wait3A_159] : memref<16x128xi32, #tpu.memory_space<vmem>> -> memref<1x128xi32, #tpu.memory_space<vmem>>
      %dma_wait3A_161 = tpu.memref_squeeze %dma_wait3A_160 : memref<1x128xi32, #tpu.memory_space<vmem>> -> memref<128xi32, #tpu.memory_space<vmem>>
      %dma_wait3A_162 = arith.constant 0 : i32
      %dma_wait3A_163 = arith.constant 0 : i32
      %dma_wait3A_164 = tpu.memref_slice %arg16[%dma_wait3A_162, %dma_wait3A_163] : memref<640x128xf32, #tpu.memory_space<vmem_shared>> -> memref<640x128xf32, #tpu.memory_space<vmem_shared>>
      tpu.wait_indirect_dma semaphore(%arg20 : memref<!tpu.dma_semaphore, #tpu.memory_space<semaphore_mem>>) src(%arg14 : memref<128x128xf32, #tpu.memory_space<vmem>>) dst(%dma_wait3A_164 : memref<640x128xf32, #tpu.memory_space<vmem_shared>>)
      %dma_start3A_165 = arith.constant 5 : i32
      %dma_start3A_166 = arith.constant 0 : i32
      %dma_start3A_167 = tpu.memref_slice %arg11[%dma_start3A_165, %dma_start3A_166] : memref<16x128xi32, #tpu.memory_space<vmem>> -> memref<1x128xi32, #tpu.memory_space<vmem>>
      %dma_start3A_168 = tpu.memref_squeeze %dma_start3A_167 : memref<1x128xi32, #tpu.memory_space<vmem>> -> memref<128xi32, #tpu.memory_space<vmem>>
      %dma_start3A_169 = arith.constant 0 : i32
      %dma_start3A_170 = arith.constant 0 : i32
      %dma_start3A_171 = tpu.memref_slice %arg3[%dma_start3A_169, %dma_start3A_170] : memref<16x128xf32, #tpu.memory_space<hbm>> -> memref<16x128xf32, #tpu.memory_space<hbm>>
      tpu.enqueue_indirect_dma source(%dma_start3A_171 : memref<16x128xf32, #tpu.memory_space<hbm>>) target(%arg14 : memref<128x128xf32, #tpu.memory_space<vmem>>) offsets(%dma_start3A_168 : memref<128xi32, #tpu.memory_space<vmem>>) semaphore(%arg18 : memref<!tpu.dma_semaphore, #tpu.memory_space<semaphore_mem>>)
      %dma_wait3A_172 = arith.constant 5 : i32
      %dma_wait3A_173 = arith.constant 0 : i32
      %dma_wait3A_174 = tpu.memref_slice %arg11[%dma_wait3A_172, %dma_wait3A_173] : memref<16x128xi32, #tpu.memory_space<vmem>> -> memref<1x128xi32, #tpu.memory_space<vmem>>
      %dma_wait3A_175 = tpu.memref_squeeze %dma_wait3A_174 : memref<1x128xi32, #tpu.memory_space<vmem>> -> memref<128xi32, #tpu.memory_space<vmem>>
      %dma_wait3A_176 = arith.constant 0 : i32
      %dma_wait3A_177 = arith.constant 0 : i32
      %dma_wait3A_178 = tpu.memref_slice %arg3[%dma_wait3A_176, %dma_wait3A_177] : memref<16x128xf32, #tpu.memory_space<hbm>> -> memref<16x128xf32, #tpu.memory_space<hbm>>
      tpu.wait_indirect_dma semaphore(%arg18 : memref<!tpu.dma_semaphore, #tpu.memory_space<semaphore_mem>>) src(%dma_wait3A_178 : memref<16x128xf32, #tpu.memory_space<hbm>>) dst(%arg14 : memref<128x128xf32, #tpu.memory_space<vmem>>)
      %dma_start3A_179 = arith.constant 5 : i32
      %dma_start3A_180 = arith.constant 0 : i32
      %dma_start3A_181 = tpu.memref_slice %arg12[%dma_start3A_179, %dma_start3A_180] : memref<16x128xi32, #tpu.memory_space<vmem>> -> memref<1x128xi32, #tpu.memory_space<vmem>>
      %dma_start3A_182 = tpu.memref_squeeze %dma_start3A_181 : memref<1x128xi32, #tpu.memory_space<vmem>> -> memref<128xi32, #tpu.memory_space<vmem>>
      %dma_start3A_183 = arith.constant 0 : i32
      %dma_start3A_184 = arith.constant 0 : i32
      %dma_start3A_185 = tpu.memref_slice %arg16[%dma_start3A_183, %dma_start3A_184] : memref<640x128xf32, #tpu.memory_space<vmem_shared>> -> memref<640x128xf32, #tpu.memory_space<vmem_shared>>
      tpu.enqueue_indirect_dma source(%arg14 : memref<128x128xf32, #tpu.memory_space<vmem>>) target(%dma_start3A_185 : memref<640x128xf32, #tpu.memory_space<vmem_shared>>) offsets(%dma_start3A_182 : memref<128xi32, #tpu.memory_space<vmem>>) semaphore(%arg20 : memref<!tpu.dma_semaphore, #tpu.memory_space<semaphore_mem>>) {add = true}
      %dma_wait3A_186 = arith.constant 4 : i32
      %dma_wait3A_187 = arith.constant 0 : i32
      %dma_wait3A_188 = tpu.memref_slice %arg12[%dma_wait3A_186, %dma_wait3A_187] : memref<16x128xi32, #tpu.memory_space<vmem>> -> memref<1x128xi32, #tpu.memory_space<vmem>>
      %dma_wait3A_189 = tpu.memref_squeeze %dma_wait3A_188 : memref<1x128xi32, #tpu.memory_space<vmem>> -> memref<128xi32, #tpu.memory_space<vmem>>
      %dma_wait3A_190 = arith.constant 0 : i32
      %dma_wait3A_191 = arith.constant 0 : i32
      %dma_wait3A_192 = tpu.memref_slice %arg16[%dma_wait3A_190, %dma_wait3A_191] : memref<640x128xf32, #tpu.memory_space<vmem_shared>> -> memref<640x128xf32, #tpu.memory_space<vmem_shared>>
      tpu.wait_indirect_dma semaphore(%arg19 : memref<!tpu.dma_semaphore, #tpu.memory_space<semaphore_mem>>) src(%arg13 : memref<128x128xf32, #tpu.memory_space<vmem>>) dst(%dma_wait3A_192 : memref<640x128xf32, #tpu.memory_space<vmem_shared>>)
      %dma_start3A_193 = arith.constant 6 : i32
      %dma_start3A_194 = arith.constant 0 : i32
      %dma_start3A_195 = tpu.memref_slice %arg11[%dma_start3A_193, %dma_start3A_194] : memref<16x128xi32, #tpu.memory_space<vmem>> -> memref<1x128xi32, #tpu.memory_space<vmem>>
      %dma_start3A_196 = tpu.memref_squeeze %dma_start3A_195 : memref<1x128xi32, #tpu.memory_space<vmem>> -> memref<128xi32, #tpu.memory_space<vmem>>
      %dma_start3A_197 = arith.constant 0 : i32
      %dma_start3A_198 = arith.constant 0 : i32
      %dma_start3A_199 = tpu.memref_slice %arg3[%dma_start3A_197, %dma_start3A_198] : memref<16x128xf32, #tpu.memory_space<hbm>> -> memref<16x128xf32, #tpu.memory_space<hbm>>
      tpu.enqueue_indirect_dma source(%dma_start3A_199 : memref<16x128xf32, #tpu.memory_space<hbm>>) target(%arg13 : memref<128x128xf32, #tpu.memory_space<vmem>>) offsets(%dma_start3A_196 : memref<128xi32, #tpu.memory_space<vmem>>) semaphore(%arg17 : memref<!tpu.dma_semaphore, #tpu.memory_space<semaphore_mem>>)
      %dma_wait3A_200 = arith.constant 6 : i32
      %dma_wait3A_201 = arith.constant 0 : i32
      %dma_wait3A_202 = tpu.memref_slice %arg11[%dma_wait3A_200, %dma_wait3A_201] : memref<16x128xi32, #tpu.memory_space<vmem>> -> memref<1x128xi32, #tpu.memory_space<vmem>>
      %dma_wait3A_203 = tpu.memref_squeeze %dma_wait3A_202 : memref<1x128xi32, #tpu.memory_space<vmem>> -> memref<128xi32, #tpu.memory_space<vmem>>
      %dma_wait3A_204 = arith.constant 0 : i32
      %dma_wait3A_205 = arith.constant 0 : i32
      %dma_wait3A_206 = tpu.memref_slice %arg3[%dma_wait3A_204, %dma_wait3A_205] : memref<16x128xf32, #tpu.memory_space<hbm>> -> memref<16x128xf32, #tpu.memory_space<hbm>>
      tpu.wait_indirect_dma semaphore(%arg17 : memref<!tpu.dma_semaphore, #tpu.memory_space<semaphore_mem>>) src(%dma_wait3A_206 : memref<16x128xf32, #tpu.memory_space<hbm>>) dst(%arg13 : memref<128x128xf32, #tpu.memory_space<vmem>>)
      %dma_start3A_207 = arith.constant 6 : i32
      %dma_start3A_208 = arith.constant 0 : i32
      %dma_start3A_209 = tpu.memref_slice %arg12[%dma_start3A_207, %dma_start3A_208] : memref<16x128xi32, #tpu.memory_space<vmem>> -> memref<1x128xi32, #tpu.memory_space<vmem>>
      %dma_start3A_210 = tpu.memref_squeeze %dma_start3A_209 : memref<1x128xi32, #tpu.memory_space<vmem>> -> memref<128xi32, #tpu.memory_space<vmem>>
      %dma_start3A_211 = arith.constant 0 : i32
      %dma_start3A_212 = arith.constant 0 : i32
      %dma_start3A_213 = tpu.memref_slice %arg16[%dma_start3A_211, %dma_start3A_212] : memref<640x128xf32, #tpu.memory_space<vmem_shared>> -> memref<640x128xf32, #tpu.memory_space<vmem_shared>>
      tpu.enqueue_indirect_dma source(%arg13 : memref<128x128xf32, #tpu.memory_space<vmem>>) target(%dma_start3A_213 : memref<640x128xf32, #tpu.memory_space<vmem_shared>>) offsets(%dma_start3A_210 : memref<128xi32, #tpu.memory_space<vmem>>) semaphore(%arg19 : memref<!tpu.dma_semaphore, #tpu.memory_space<semaphore_mem>>) {add = true}
      %dma_wait3A_214 = arith.constant 5 : i32
      %dma_wait3A_215 = arith.constant 0 : i32
      %dma_wait3A_216 = tpu.memref_slice %arg12[%dma_wait3A_214, %dma_wait3A_215] : memref<16x128xi32, #tpu.memory_space<vmem>> -> memref<1x128xi32, #tpu.memory_space<vmem>>
      %dma_wait3A_217 = tpu.memref_squeeze %dma_wait3A_216 : memref<1x128xi32, #tpu.memory_space<vmem>> -> memref<128xi32, #tpu.memory_space<vmem>>
      %dma_wait3A_218 = arith.constant 0 : i32
      %dma_wait3A_219 = arith.constant 0 : i32
      %dma_wait3A_220 = tpu.memref_slice %arg16[%dma_wait3A_218, %dma_wait3A_219] : memref<640x128xf32, #tpu.memory_space<vmem_shared>> -> memref<640x128xf32, #tpu.memory_space<vmem_shared>>
      tpu.wait_indirect_dma semaphore(%arg20 : memref<!tpu.dma_semaphore, #tpu.memory_space<semaphore_mem>>) src(%arg14 : memref<128x128xf32, #tpu.memory_space<vmem>>) dst(%dma_wait3A_220 : memref<640x128xf32, #tpu.memory_space<vmem_shared>>)
      %dma_start3A_221 = arith.constant 7 : i32
      %dma_start3A_222 = arith.constant 0 : i32
      %dma_start3A_223 = tpu.memref_slice %arg11[%dma_start3A_221, %dma_start3A_222] : memref<16x128xi32, #tpu.memory_space<vmem>> -> memref<1x128xi32, #tpu.memory_space<vmem>>
      %dma_start3A_224 = tpu.memref_squeeze %dma_start3A_223 : memref<1x128xi32, #tpu.memory_space<vmem>> -> memref<128xi32, #tpu.memory_space<vmem>>
      %dma_start3A_225 = arith.constant 0 : i32
      %dma_start3A_226 = arith.constant 0 : i32
      %dma_start3A_227 = tpu.memref_slice %arg3[%dma_start3A_225, %dma_start3A_226] : memref<16x128xf32, #tpu.memory_space<hbm>> -> memref<16x128xf32, #tpu.memory_space<hbm>>
      tpu.enqueue_indirect_dma source(%dma_start3A_227 : memref<16x128xf32, #tpu.memory_space<hbm>>) target(%arg14 : memref<128x128xf32, #tpu.memory_space<vmem>>) offsets(%dma_start3A_224 : memref<128xi32, #tpu.memory_space<vmem>>) semaphore(%arg18 : memref<!tpu.dma_semaphore, #tpu.memory_space<semaphore_mem>>)
      %dma_wait3A_228 = arith.constant 7 : i32
      %dma_wait3A_229 = arith.constant 0 : i32
      %dma_wait3A_230 = tpu.memref_slice %arg11[%dma_wait3A_228, %dma_wait3A_229] : memref<16x128xi32, #tpu.memory_space<vmem>> -> memref<1x128xi32, #tpu.memory_space<vmem>>
      %dma_wait3A_231 = tpu.memref_squeeze %dma_wait3A_230 : memref<1x128xi32, #tpu.memory_space<vmem>> -> memref<128xi32, #tpu.memory_space<vmem>>
      %dma_wait3A_232 = arith.constant 0 : i32
      %dma_wait3A_233 = arith.constant 0 : i32
      %dma_wait3A_234 = tpu.memref_slice %arg3[%dma_wait3A_232, %dma_wait3A_233] : memref<16x128xf32, #tpu.memory_space<hbm>> -> memref<16x128xf32, #tpu.memory_space<hbm>>
      tpu.wait_indirect_dma semaphore(%arg18 : memref<!tpu.dma_semaphore, #tpu.memory_space<semaphore_mem>>) src(%dma_wait3A_234 : memref<16x128xf32, #tpu.memory_space<hbm>>) dst(%arg14 : memref<128x128xf32, #tpu.memory_space<vmem>>)
      %dma_start3A_235 = arith.constant 7 : i32
      %dma_start3A_236 = arith.constant 0 : i32
      %dma_start3A_237 = tpu.memref_slice %arg12[%dma_start3A_235, %dma_start3A_236] : memref<16x128xi32, #tpu.memory_space<vmem>> -> memref<1x128xi32, #tpu.memory_space<vmem>>
      %dma_start3A_238 = tpu.memref_squeeze %dma_start3A_237 : memref<1x128xi32, #tpu.memory_space<vmem>> -> memref<128xi32, #tpu.memory_space<vmem>>
      %dma_start3A_239 = arith.constant 0 : i32
      %dma_start3A_240 = arith.constant 0 : i32
      %dma_start3A_241 = tpu.memref_slice %arg16[%dma_start3A_239, %dma_start3A_240] : memref<640x128xf32, #tpu.memory_space<vmem_shared>> -> memref<640x128xf32, #tpu.memory_space<vmem_shared>>
      tpu.enqueue_indirect_dma source(%arg14 : memref<128x128xf32, #tpu.memory_space<vmem>>) target(%dma_start3A_241 : memref<640x128xf32, #tpu.memory_space<vmem_shared>>) offsets(%dma_start3A_238 : memref<128xi32, #tpu.memory_space<vmem>>) semaphore(%arg20 : memref<!tpu.dma_semaphore, #tpu.memory_space<semaphore_mem>>) {add = true}
      %dma_wait3A_242 = arith.constant 6 : i32
      %dma_wait3A_243 = arith.constant 0 : i32
      %dma_wait3A_244 = tpu.memref_slice %arg12[%dma_wait3A_242, %dma_wait3A_243] : memref<16x128xi32, #tpu.memory_space<vmem>> -> memref<1x128xi32, #tpu.memory_space<vmem>>
      %dma_wait3A_245 = tpu.memref_squeeze %dma_wait3A_244 : memref<1x128xi32, #tpu.memory_space<vmem>> -> memref<128xi32, #tpu.memory_space<vmem>>
      %dma_wait3A_246 = arith.constant 0 : i32
      %dma_wait3A_247 = arith.constant 0 : i32
      %dma_wait3A_248 = tpu.memref_slice %arg16[%dma_wait3A_246, %dma_wait3A_247] : memref<640x128xf32, #tpu.memory_space<vmem_shared>> -> memref<640x128xf32, #tpu.memory_space<vmem_shared>>
      tpu.wait_indirect_dma semaphore(%arg19 : memref<!tpu.dma_semaphore, #tpu.memory_space<semaphore_mem>>) src(%arg13 : memref<128x128xf32, #tpu.memory_space<vmem>>) dst(%dma_wait3A_248 : memref<640x128xf32, #tpu.memory_space<vmem_shared>>)
      %dma_wait3A_249 = arith.constant 7 : i32
      %dma_wait3A_250 = arith.constant 0 : i32
      %dma_wait3A_251 = tpu.memref_slice %arg12[%dma_wait3A_249, %dma_wait3A_250] : memref<16x128xi32, #tpu.memory_space<vmem>> -> memref<1x128xi32, #tpu.memory_space<vmem>>
      %dma_wait3A_252 = tpu.memref_squeeze %dma_wait3A_251 : memref<1x128xi32, #tpu.memory_space<vmem>> -> memref<128xi32, #tpu.memory_space<vmem>>
      %dma_wait3A_253 = arith.constant 0 : i32
      %dma_wait3A_254 = arith.constant 0 : i32
      %dma_wait3A_255 = tpu.memref_slice %arg16[%dma_wait3A_253, %dma_wait3A_254] : memref<640x128xf32, #tpu.memory_space<vmem_shared>> -> memref<640x128xf32, #tpu.memory_space<vmem_shared>>
      tpu.wait_indirect_dma semaphore(%arg20 : memref<!tpu.dma_semaphore, #tpu.memory_space<semaphore_mem>>) src(%arg14 : memref<128x128xf32, #tpu.memory_space<vmem>>) dst(%dma_wait3A_255 : memref<640x128xf32, #tpu.memory_space<vmem_shared>>)
    }
    %scan3A_17 = arith.constant 5 : i32
    %barrier3A_18 = arith.constant 0 : index
    tpu.barrier barrier_id(%barrier3A_18)
    %scan3A_19 = arith.constant 0 : i32
    %scan3A_20 = arith.constant 0 : i32
    %scan3A_21 = arith.constant 5 : i32
    %scan3A_22 = arith.addi %scan3A_20, %scan3A_21 : i32
    %scan3A_23 = arith.constant 1 : i32
    scf.for %scan3A_29 = %scan3A_20 to %scan3A_22 step %scan3A_23  : i32 {
      %mul3A_30 = arith.constant 640 : i32
      %mul3A_31 = arith.muli %arg1, %mul3A_30 : i32
      %mul3A_32 = arith.constant 128 : i32
      %mul3A_33 = arith.muli %scan3A_29, %mul3A_32 : i32
      %add3A = arith.addi %mul3A_31, %mul3A_33 : i32
      "tpu.region"() ({
        %run_scoped3A = tpu.sem_alloc : memref<!tpu.dma_semaphore, #tpu.memory_space<semaphore_mem>>
        %dma_start3A = arith.constant 0 : i32
        %dma_start3A_34 = tpu.memref_slice %arg15[%add3A, %dma_start3A] : memref<10240x128xf32, #tpu.memory_space<vmem_shared>> -> memref<128x128xf32, #tpu.memory_space<vmem_shared>>
        %dma_start3A_35 = arith.constant 0 : i32
        %dma_start3A_36 = tpu.memref_slice %arg15[%add3A, %dma_start3A_35] : memref<10240x128xf32, #tpu.memory_space<vmem_shared>> -> memref<128x128xf32, #tpu.memory_space<vmem_shared>>
        tpu.enqueue_dma source(%dma_start3A_36 : memref<128x128xf32, #tpu.memory_space<vmem_shared>>) target(%arg13 : memref<128x128xf32, #tpu.memory_space<vmem>>) target_semaphore(%run_scoped3A : memref<!tpu.dma_semaphore, #tpu.memory_space<semaphore_mem>>)
        %dma_wait3A = arith.constant 0 : i32
        %dma_wait3A_37 = tpu.memref_slice %arg15[%add3A, %dma_wait3A] : memref<10240x128xf32, #tpu.memory_space<vmem_shared>> -> memref<128x128xf32, #tpu.memory_space<vmem_shared>>
        %dma_wait3A_38 = arith.constant 0 : i32
        %dma_wait3A_39 = tpu.memref_slice %arg15[%add3A, %dma_wait3A_38] : memref<10240x128xf32, #tpu.memory_space<vmem_shared>> -> memref<128x128xf32, #tpu.memory_space<vmem_shared>>
        tpu.wait_dma2 semaphore(%run_scoped3A : memref<!tpu.dma_semaphore, #tpu.memory_space<semaphore_mem>>) src(%dma_wait3A_39 : memref<128x128xf32, #tpu.memory_space<vmem_shared>>) dst(%arg13 : memref<128x128xf32, #tpu.memory_space<vmem>>)
        tpu.yield
      }) : () -> ()
      "tpu.region"() ({
        %run_scoped3A = tpu.sem_alloc : memref<!tpu.dma_semaphore, #tpu.memory_space<semaphore_mem>>
        %dma_start3A = arith.constant 0 : i32
        %dma_start3A_34 = tpu.memref_slice %arg9[%arg0, %add3A, %dma_start3A] : memref<2x10240x128xf32, #tpu.memory_space<hbm>> -> memref<1x128x128xf32, #tpu.memory_space<hbm>>
        %dma_start3A_35 = tpu.memref_squeeze %dma_start3A_34 : memref<1x128x128xf32, #tpu.memory_space<hbm>> -> memref<128x128xf32, #tpu.memory_space<hbm>>
        %dma_start3A_36 = arith.constant 0 : i32
        %dma_start3A_37 = tpu.memref_slice %arg9[%arg0, %add3A, %dma_start3A_36] : memref<2x10240x128xf32, #tpu.memory_space<hbm>> -> memref<1x128x128xf32, #tpu.memory_space<hbm>>
        %dma_start3A_38 = tpu.memref_squeeze %dma_start3A_37 : memref<1x128x128xf32, #tpu.memory_space<hbm>> -> memref<128x128xf32, #tpu.memory_space<hbm>>
        tpu.enqueue_dma source(%arg13 : memref<128x128xf32, #tpu.memory_space<vmem>>) target(%dma_start3A_38 : memref<128x128xf32, #tpu.memory_space<hbm>>) target_semaphore(%run_scoped3A : memref<!tpu.dma_semaphore, #tpu.memory_space<semaphore_mem>>)
        %dma_wait3A = arith.constant 0 : i32
        %dma_wait3A_39 = tpu.memref_slice %arg9[%arg0, %add3A, %dma_wait3A] : memref<2x10240x128xf32, #tpu.memory_space<hbm>> -> memref<1x128x128xf32, #tpu.memory_space<hbm>>
        %dma_wait3A_40 = tpu.memref_squeeze %dma_wait3A_39 : memref<1x128x128xf32, #tpu.memory_space<hbm>> -> memref<128x128xf32, #tpu.memory_space<hbm>>
        %dma_wait3A_41 = arith.constant 0 : i32
        %dma_wait3A_42 = tpu.memref_slice %arg9[%arg0, %add3A, %dma_wait3A_41] : memref<2x10240x128xf32, #tpu.memory_space<hbm>> -> memref<1x128x128xf32, #tpu.memory_space<hbm>>
        %dma_wait3A_43 = tpu.memref_squeeze %dma_wait3A_42 : memref<1x128x128xf32, #tpu.memory_space<hbm>> -> memref<128x128xf32, #tpu.memory_space<hbm>>
        tpu.wait_dma2 semaphore(%run_scoped3A : memref<!tpu.dma_semaphore, #tpu.memory_space<semaphore_mem>>) src(%arg13 : memref<128x128xf32, #tpu.memory_space<vmem>>) dst(%dma_wait3A_43 : memref<128x128xf32, #tpu.memory_space<hbm>>)
        tpu.yield
      }) : () -> ()
    }
    %scan3A_24 = arith.constant 5 : i32
    %mul3A_25 = arith.constant 40 : i32
    %mul3A_26 = arith.muli %arg1, %mul3A_25 : i32
    "tpu.region"() ({
      %run_scoped3A = tpu.sem_alloc : memref<!tpu.dma_semaphore, #tpu.memory_space<semaphore_mem>>
      %dma_start3A = arith.constant 0 : i32
      %dma_start3A_29 = arith.constant 0 : i32
      %dma_start3A_30 = tpu.memref_slice %arg13[%dma_start3A, %dma_start3A_29] : memref<128x128xf32, #tpu.memory_space<vmem>> -> memref<40x128xf32, #tpu.memory_space<vmem>>
      %dma_start3A_31 = arith.constant 0 : i32
      %dma_start3A_32 = tpu.memref_slice %arg16[%mul3A_26, %dma_start3A_31] : memref<640x128xf32, #tpu.memory_space<vmem_shared>> -> memref<40x128xf32, #tpu.memory_space<vmem_shared>>
      %dma_start3A_33 = arith.constant 0 : i32
      %dma_start3A_34 = arith.constant 0 : i32
      %dma_start3A_35 = tpu.memref_slice %arg13[%dma_start3A_33, %dma_start3A_34] : memref<128x128xf32, #tpu.memory_space<vmem>> -> memref<40x128xf32, #tpu.memory_space<vmem>>
      %dma_start3A_36 = arith.constant 0 : i32
      %dma_start3A_37 = tpu.memref_slice %arg16[%mul3A_26, %dma_start3A_36] : memref<640x128xf32, #tpu.memory_space<vmem_shared>> -> memref<40x128xf32, #tpu.memory_space<vmem_shared>>
      tpu.enqueue_dma source(%dma_start3A_37 : memref<40x128xf32, #tpu.memory_space<vmem_shared>>) target(%dma_start3A_35 : memref<40x128xf32, #tpu.memory_space<vmem>>) target_semaphore(%run_scoped3A : memref<!tpu.dma_semaphore, #tpu.memory_space<semaphore_mem>>)
      %dma_wait3A = arith.constant 0 : i32
      %dma_wait3A_38 = arith.constant 0 : i32
      %dma_wait3A_39 = tpu.memref_slice %arg13[%dma_wait3A, %dma_wait3A_38] : memref<128x128xf32, #tpu.memory_space<vmem>> -> memref<40x128xf32, #tpu.memory_space<vmem>>
      %dma_wait3A_40 = arith.constant 0 : i32
      %dma_wait3A_41 = tpu.memref_slice %arg16[%mul3A_26, %dma_wait3A_40] : memref<640x128xf32, #tpu.memory_space<vmem_shared>> -> memref<40x128xf32, #tpu.memory_space<vmem_shared>>
      %dma_wait3A_42 = arith.constant 0 : i32
      %dma_wait3A_43 = arith.constant 0 : i32
      %dma_wait3A_44 = tpu.memref_slice %arg13[%dma_wait3A_42, %dma_wait3A_43] : memref<128x128xf32, #tpu.memory_space<vmem>> -> memref<40x128xf32, #tpu.memory_space<vmem>>
      %dma_wait3A_45 = arith.constant 0 : i32
      %dma_wait3A_46 = tpu.memref_slice %arg16[%mul3A_26, %dma_wait3A_45] : memref<640x128xf32, #tpu.memory_space<vmem_shared>> -> memref<40x128xf32, #tpu.memory_space<vmem_shared>>
      tpu.wait_dma2 semaphore(%run_scoped3A : memref<!tpu.dma_semaphore, #tpu.memory_space<semaphore_mem>>) src(%dma_wait3A_46 : memref<40x128xf32, #tpu.memory_space<vmem_shared>>) dst(%dma_wait3A_44 : memref<40x128xf32, #tpu.memory_space<vmem>>)
      tpu.yield
    }) : () -> ()
    %mul3A_27 = arith.constant 40 : i32
    %mul3A_28 = arith.muli %arg1, %mul3A_27 : i32
    "tpu.region"() ({
      %run_scoped3A = tpu.sem_alloc : memref<!tpu.dma_semaphore, #tpu.memory_space<semaphore_mem>>
      %dma_start3A = arith.constant 0 : i32
      %dma_start3A_29 = arith.constant 0 : i32
      %dma_start3A_30 = tpu.memref_slice %arg13[%dma_start3A, %dma_start3A_29] : memref<128x128xf32, #tpu.memory_space<vmem>> -> memref<40x128xf32, #tpu.memory_space<vmem>>
      %dma_start3A_31 = arith.constant 0 : i32
      %dma_start3A_32 = tpu.memref_slice %arg10[%arg0, %mul3A_28, %dma_start3A_31] : memref<2x640x128xf32, #tpu.memory_space<hbm>> -> memref<1x40x128xf32, #tpu.memory_space<hbm>>
      %dma_start3A_33 = tpu.memref_squeeze %dma_start3A_32 : memref<1x40x128xf32, #tpu.memory_space<hbm>> -> memref<40x128xf32, #tpu.memory_space<hbm>>
      %dma_start3A_34 = arith.constant 0 : i32
      %dma_start3A_35 = tpu.memref_slice %arg10[%arg0, %mul3A_28, %dma_start3A_34] : memref<2x640x128xf32, #tpu.memory_space<hbm>> -> memref<1x40x128xf32, #tpu.memory_space<hbm>>
      %dma_start3A_36 = tpu.memref_squeeze %dma_start3A_35 : memref<1x40x128xf32, #tpu.memory_space<hbm>> -> memref<40x128xf32, #tpu.memory_space<hbm>>
      %dma_start3A_37 = arith.constant 0 : i32
      %dma_start3A_38 = arith.constant 0 : i32
      %dma_start3A_39 = tpu.memref_slice %arg13[%dma_start3A_37, %dma_start3A_38] : memref<128x128xf32, #tpu.memory_space<vmem>> -> memref<40x128xf32, #tpu.memory_space<vmem>>
      tpu.enqueue_dma source(%dma_start3A_39 : memref<40x128xf32, #tpu.memory_space<vmem>>) target(%dma_start3A_36 : memref<40x128xf32, #tpu.memory_space<hbm>>) target_semaphore(%run_scoped3A : memref<!tpu.dma_semaphore, #tpu.memory_space<semaphore_mem>>)
      %dma_wait3A = arith.constant 0 : i32
      %dma_wait3A_40 = arith.constant 0 : i32
      %dma_wait3A_41 = tpu.memref_slice %arg13[%dma_wait3A, %dma_wait3A_40] : memref<128x128xf32, #tpu.memory_space<vmem>> -> memref<40x128xf32, #tpu.memory_space<vmem>>
      %dma_wait3A_42 = arith.constant 0 : i32
      %dma_wait3A_43 = tpu.memref_slice %arg10[%arg0, %mul3A_28, %dma_wait3A_42] : memref<2x640x128xf32, #tpu.memory_space<hbm>> -> memref<1x40x128xf32, #tpu.memory_space<hbm>>
      %dma_wait3A_44 = tpu.memref_squeeze %dma_wait3A_43 : memref<1x40x128xf32, #tpu.memory_space<hbm>> -> memref<40x128xf32, #tpu.memory_space<hbm>>
      %dma_wait3A_45 = arith.constant 0 : i32
      %dma_wait3A_46 = tpu.memref_slice %arg10[%arg0, %mul3A_28, %dma_wait3A_45] : memref<2x640x128xf32, #tpu.memory_space<hbm>> -> memref<1x40x128xf32, #tpu.memory_space<hbm>>
      %dma_wait3A_47 = tpu.memref_squeeze %dma_wait3A_46 : memref<1x40x128xf32, #tpu.memory_space<hbm>> -> memref<40x128xf32, #tpu.memory_space<hbm>>
      %dma_wait3A_48 = arith.constant 0 : i32
      %dma_wait3A_49 = arith.constant 0 : i32
      %dma_wait3A_50 = tpu.memref_slice %arg13[%dma_wait3A_48, %dma_wait3A_49] : memref<128x128xf32, #tpu.memory_space<vmem>> -> memref<40x128xf32, #tpu.memory_space<vmem>>
      tpu.wait_dma2 semaphore(%run_scoped3A : memref<!tpu.dma_semaphore, #tpu.memory_space<semaphore_mem>>) src(%dma_wait3A_50 : memref<40x128xf32, #tpu.memory_space<vmem>>) dst(%dma_wait3A_47 : memref<40x128xf32, #tpu.memory_space<hbm>>)
      tpu.yield
    }) : () -> ()
    return
  }
}

module attributes {stable_mosaic.version = 14 : i64} {
  func.func @_tc_tail_body(%arg0: i32, %arg1: memref<1x1000x128xf32, #tpu.memory_space<vmem>>, %arg2: memref<1x1000x128xf32, #tpu.memory_space<vmem>>, %arg3: memref<1x1000x8xf32, #tpu.memory_space<vmem>>, %arg4: memref<1x1000x8xf32, #tpu.memory_space<vmem>>, %arg5: memref<1000x256xf32, #tpu.memory_space<vmem>>, %arg6: memref<256x256xf32, #tpu.memory_space<vmem>>, %arg7: memref<1x256xf32, #tpu.memory_space<vmem>>, %arg8: memref<256x256xf32, #tpu.memory_space<vmem>>, %arg9: memref<1x256xf32, #tpu.memory_space<vmem>>, %arg10: memref<1x256xf32, #tpu.memory_space<vmem>>, %arg11: memref<1000x256xf32, #tpu.memory_space<vmem>>) attributes {dimension_semantics = [#tpu.dimension_semantics<arbitrary>], iteration_bounds = array<i64: 10>, scalar_prefetch = 0 : i64, scratch_operands = 0 : i64, tpu.core_type = #tpu.core_type<tc>, window_params = [{transform_indices = @transform_0, window_bounds = array<i64: 1, 1000, 128>}, {transform_indices = @transform_1, window_bounds = array<i64: 1, 1000, 128>}, {transform_indices = @transform_2, window_bounds = array<i64: 1, 1000, 8>}, {transform_indices = @transform_3, window_bounds = array<i64: 1, 1000, 8>}, {transform_indices = @transform_4, window_bounds = array<i64: 1000, 256>}, {pipeline_mode = #tpu.pipeline_mode<synchronous>, transform_indices = @transform_5, window_bounds = array<i64: 256, 256>}, {pipeline_mode = #tpu.pipeline_mode<synchronous>, transform_indices = @transform_6, window_bounds = array<i64: 1, 256>}, {pipeline_mode = #tpu.pipeline_mode<synchronous>, transform_indices = @transform_7, window_bounds = array<i64: 256, 256>}, {pipeline_mode = #tpu.pipeline_mode<synchronous>, transform_indices = @transform_8, window_bounds = array<i64: 1, 256>}, {pipeline_mode = #tpu.pipeline_mode<synchronous>, transform_indices = @transform_9, window_bounds = array<i64: 1, 256>}, {transform_indices = @transform_10, window_bounds = array<i64: 1000, 256>}]} {
    %get3A = arith.constant 0 : index
    %get3A_0 = arith.constant 0 : index
    %get3A_1 = arith.constant 0 : index
    %get3A_2 = vector.load %arg3[%get3A, %get3A_0, %get3A_1] : memref<1x1000x8xf32, #tpu.memory_space<vmem>>, vector<1x1000x1xf32>
    %get3A_3 = vector.shape_cast %get3A_2 : vector<1x1000x1xf32> to vector<1000x1xf32>
    %get3A_4 = arith.constant 0 : index
    %get3A_5 = arith.constant 0 : index
    %get3A_6 = arith.constant 0 : index
    %get3A_7 = vector.load %arg4[%get3A_4, %get3A_5, %get3A_6] : memref<1x1000x8xf32, #tpu.memory_space<vmem>>, vector<1x1000x1xf32>
    %get3A_8 = vector.shape_cast %get3A_7 : vector<1x1000x1xf32> to vector<1000x1xf32>
    %add3A = arith.addf %get3A_3, %get3A_8 : vector<1000x1xf32>
    %max3A = arith.constant 1.000000e+00 : f32
    %max3A_9 = vector.broadcast %max3A : f32 to vector<1000x1xf32>
    %max3A_10 = arith.maximumf %add3A, %max3A_9 : vector<1000x1xf32>
    %div3A = arith.constant 1.000000e+00 : f32
    %div3A_11 = vector.broadcast %div3A : f32 to vector<1000x1xf32>
    %div3A_12 = arith.divf %div3A_11, %max3A_10 : vector<1000x1xf32>
    %get3A_13 = arith.constant 0 : index
    %get3A_14 = arith.constant 0 : index
    %get3A_15 = arith.constant 0 : index
    %get3A_16 = vector.load %arg1[%get3A_13, %get3A_14, %get3A_15] : memref<1x1000x128xf32, #tpu.memory_space<vmem>>, vector<1x1000x128xf32>
    %get3A_17 = vector.shape_cast %get3A_16 : vector<1x1000x128xf32> to vector<1000x128xf32>
    %mul3A = vector.broadcast %div3A_12 : vector<1000x1xf32> to vector<1000x128xf32>
    %mul3A_18 = arith.mulf %get3A_17, %mul3A : vector<1000x128xf32>
    %get3A_19 = arith.constant 0 : index
    %get3A_20 = arith.constant 0 : index
    %get3A_21 = arith.constant 0 : index
    %get3A_22 = vector.load %arg2[%get3A_19, %get3A_20, %get3A_21] : memref<1x1000x128xf32, #tpu.memory_space<vmem>>, vector<1x1000x128xf32>
    %get3A_23 = vector.shape_cast %get3A_22 : vector<1x1000x128xf32> to vector<1000x128xf32>
    %mul3A_24 = vector.broadcast %div3A_12 : vector<1000x1xf32> to vector<1000x128xf32>
    %mul3A_25 = arith.mulf %get3A_23, %mul3A_24 : vector<1000x128xf32>
    %get3A_26 = arith.constant 0 : index
    %get3A_27 = arith.constant 0 : index
    %get3A_28 = vector.load %arg6[%get3A_26, %get3A_27] : memref<256x256xf32, #tpu.memory_space<vmem>>, vector<128x256xf32>
    %dot_general3A = arith.constant dense<0.000000e+00> : vector<1000x256xf32>
    %dot_general3A_29 = tpu.matmul %mul3A_18, %get3A_28, %dot_general3A {dimension_numbers = #tpu.dot_dimension_numbers<[1], [0], [0], [1], [0, 0, 1, 1], [], []>, transpose_lhs_hint = false} : vector<1000x128xf32>, vector<128x256xf32>, vector<1000x256xf32> -> vector<1000x256xf32>
    %get3A_30 = arith.constant 128 : index
    %get3A_31 = arith.constant 0 : index
    %get3A_32 = vector.load %arg6[%get3A_30, %get3A_31] : memref<256x256xf32, #tpu.memory_space<vmem>>, vector<128x256xf32>
    %dot_general3A_33 = arith.constant dense<0.000000e+00> : vector<1000x256xf32>
    %dot_general3A_34 = tpu.matmul %mul3A_25, %get3A_32, %dot_general3A_33 {dimension_numbers = #tpu.dot_dimension_numbers<[1], [0], [0], [1], [0, 0, 1, 1], [], []>, transpose_lhs_hint = false} : vector<1000x128xf32>, vector<128x256xf32>, vector<1000x256xf32> -> vector<1000x256xf32>
    %add3A_35 = arith.addf %dot_general3A_29, %dot_general3A_34 : vector<1000x256xf32>
    %get3A_36 = arith.constant 0 : index
    %get3A_37 = arith.constant 0 : index
    %get3A_38 = vector.load %arg5[%get3A_36, %get3A_37] : memref<1000x256xf32, #tpu.memory_space<vmem>>, vector<1000x256xf32>
    %get3A_39 = arith.constant 0 : index
    %get3A_40 = arith.constant 0 : index
    %get3A_41 = vector.load %arg8[%get3A_39, %get3A_40] : memref<256x256xf32, #tpu.memory_space<vmem>>, vector<256x256xf32>
    %dot_general3A_42 = arith.constant dense<0.000000e+00> : vector<1000x256xf32>
    %dot_general3A_43 = tpu.matmul %get3A_38, %get3A_41, %dot_general3A_42 {dimension_numbers = #tpu.dot_dimension_numbers<[1], [0], [0], [1], [0, 0, 1, 1], [], []>, transpose_lhs_hint = false} : vector<1000x256xf32>, vector<256x256xf32>, vector<1000x256xf32> -> vector<1000x256xf32>
    %add3A_44 = arith.addf %add3A_35, %dot_general3A_43 : vector<1000x256xf32>
    %get3A_45 = arith.constant 0 : index
    %get3A_46 = arith.constant 0 : index
    %get3A_47 = vector.load %arg7[%get3A_45, %get3A_46] : memref<1x256xf32, #tpu.memory_space<vmem>>, vector<1x256xf32>
    %add3A_48 = vector.broadcast %get3A_47 : vector<1x256xf32> to vector<1000x256xf32>
    %add3A_49 = arith.addf %add3A_44, %add3A_48 : vector<1000x256xf32>
    %mul3A_50 = arith.mulf %add3A_49, %add3A_49 : vector<1000x256xf32>
    %reduce_sum3A = arith.constant dense<0.000000e+00> : vector<1000xf32>
    %reduce_sum3A_51 = vector.multi_reduction <add>, %mul3A_50, %reduce_sum3A [1] : vector<1000x256xf32> to vector<1000xf32>
    %broadcast_in_dim3A = vector.shape_cast %reduce_sum3A_51 : vector<1000xf32> to vector<1000x1xf32>
    %sqrt3A = math.sqrt %broadcast_in_dim3A : vector<1000x1xf32>
    %max3A_52 = arith.constant 9.99999996E-13 : f32
    %max3A_53 = vector.broadcast %max3A_52 : f32 to vector<1000x1xf32>
    %max3A_54 = arith.maximumf %sqrt3A, %max3A_53 : vector<1000x1xf32>
    %div3A_55 = vector.broadcast %max3A_54 : vector<1000x1xf32> to vector<1000x256xf32>
    %div3A_56 = arith.divf %add3A_49, %div3A_55 : vector<1000x256xf32>
    %max3A_57 = arith.constant 0.000000e+00 : f32
    %max3A_58 = vector.broadcast %max3A_57 : f32 to vector<1000x256xf32>
    %max3A_59 = arith.maximumf %div3A_56, %max3A_58 : vector<1000x256xf32>
    %get3A_60 = arith.constant 0 : index
    %get3A_61 = arith.constant 0 : index
    %get3A_62 = vector.load %arg5[%get3A_60, %get3A_61] : memref<1000x256xf32, #tpu.memory_space<vmem>>, vector<1000x256xf32>
    %add3A_63 = arith.addf %max3A_59, %get3A_62 : vector<1000x256xf32>
    %reduce_sum3A_64 = arith.constant dense<0.000000e+00> : vector<1000xf32>
    %reduce_sum3A_65 = vector.multi_reduction <add>, %add3A_63, %reduce_sum3A_64 [1] : vector<1000x256xf32> to vector<1000xf32>
    %broadcast_in_dim3A_66 = vector.shape_cast %reduce_sum3A_65 : vector<1000xf32> to vector<1000x1xf32>
    %div3A_67 = arith.constant 2.560000e+02 : f32
    %div3A_68 = vector.broadcast %div3A_67 : f32 to vector<1000x1xf32>
    %div3A_69 = arith.divf %broadcast_in_dim3A_66, %div3A_68 : vector<1000x1xf32>
    %sub3A = vector.broadcast %div3A_69 : vector<1000x1xf32> to vector<1000x256xf32>
    %sub3A_70 = arith.subf %add3A_63, %sub3A : vector<1000x256xf32>
    %mul3A_71 = arith.mulf %sub3A_70, %sub3A_70 : vector<1000x256xf32>
    %reduce_sum3A_72 = arith.constant dense<0.000000e+00> : vector<1000xf32>
    %reduce_sum3A_73 = vector.multi_reduction <add>, %mul3A_71, %reduce_sum3A_72 [1] : vector<1000x256xf32> to vector<1000xf32>
    %broadcast_in_dim3A_74 = vector.shape_cast %reduce_sum3A_73 : vector<1000xf32> to vector<1000x1xf32>
    %div3A_75 = arith.constant 2.560000e+02 : f32
    %div3A_76 = vector.broadcast %div3A_75 : f32 to vector<1000x1xf32>
    %div3A_77 = arith.divf %broadcast_in_dim3A_74, %div3A_76 : vector<1000x1xf32>
    %add3A_78 = arith.constant 9.99999974E-6 : f32
    %add3A_79 = vector.broadcast %add3A_78 : f32 to vector<1000x1xf32>
    %add3A_80 = arith.addf %div3A_77, %add3A_79 : vector<1000x1xf32>
    %rsqrt3A = math.rsqrt %add3A_80 : vector<1000x1xf32>
    %mul3A_81 = vector.broadcast %rsqrt3A : vector<1000x1xf32> to vector<1000x256xf32>
    %mul3A_82 = arith.mulf %sub3A_70, %mul3A_81 : vector<1000x256xf32>
    %get3A_83 = arith.constant 0 : index
    %get3A_84 = arith.constant 0 : index
    %get3A_85 = vector.load %arg9[%get3A_83, %get3A_84] : memref<1x256xf32, #tpu.memory_space<vmem>>, vector<1x256xf32>
    %mul3A_86 = vector.broadcast %get3A_85 : vector<1x256xf32> to vector<1000x256xf32>
    %mul3A_87 = arith.mulf %mul3A_82, %mul3A_86 : vector<1000x256xf32>
    %get3A_88 = arith.constant 0 : index
    %get3A_89 = arith.constant 0 : index
    %get3A_90 = vector.load %arg10[%get3A_88, %get3A_89] : memref<1x256xf32, #tpu.memory_space<vmem>>, vector<1x256xf32>
    %add3A_91 = vector.broadcast %get3A_90 : vector<1x256xf32> to vector<1000x256xf32>
    %add3A_92 = arith.addf %mul3A_87, %add3A_91 : vector<1000x256xf32>
    %swap3A = arith.constant 0 : index
    %swap3A_93 = arith.constant 0 : index
    %swap3A_94 = vector.load %arg11[%swap3A, %swap3A_93] : memref<1000x256xf32, #tpu.memory_space<vmem>>, vector<1000x256xf32>
    tpu.vector_store %arg11[%swap3A, %swap3A_93], %add3A_92 {strides = array<i32>} : memref<1000x256xf32, #tpu.memory_space<vmem>>, vector<1000x256xf32>,
    return
  }
  func.func @transform_0(%arg0: i32) -> (i32, i32, i32) {
    %c0_i32 = arith.constant 0 : i32
    %c0_i32_0 = arith.constant 0 : i32
    %c0_i32_1 = arith.constant 0 : i32
    return %c0_i32, %arg0, %c0_i32_0 : i32, i32, i32
  }
  func.func @transform_1(%arg0: i32) -> (i32, i32, i32) {
    %c1_i32 = arith.constant 1 : i32
    %c0_i32 = arith.constant 0 : i32
    %c0_i32_0 = arith.constant 0 : i32
    return %c1_i32, %arg0, %c0_i32 : i32, i32, i32
  }
  func.func @transform_2(%arg0: i32) -> (i32, i32, i32) {
    %c0_i32 = arith.constant 0 : i32
    %c0_i32_0 = arith.constant 0 : i32
    %c0_i32_1 = arith.constant 0 : i32
    return %c0_i32, %arg0, %c0_i32_0 : i32, i32, i32
  }
  func.func @transform_3(%arg0: i32) -> (i32, i32, i32) {
    %c1_i32 = arith.constant 1 : i32
    %c0_i32 = arith.constant 0 : i32
    %c0_i32_0 = arith.constant 0 : i32
    return %c1_i32, %arg0, %c0_i32 : i32, i32, i32
  }
  func.func @transform_4(%arg0: i32) -> (i32, i32) {
    %c0_i32 = arith.constant 0 : i32
    %c0_i32_0 = arith.constant 0 : i32
    return %arg0, %c0_i32 : i32, i32
  }
  func.func @transform_5(%arg0: i32) -> (i32, i32) {
    %c0_i32 = arith.constant 0 : i32
    %c0_i32_0 = arith.constant 0 : i32
    %c0_i32_1 = arith.constant 0 : i32
    return %c0_i32, %c0_i32_0 : i32, i32
  }
  func.func @transform_6(%arg0: i32) -> (i32, i32) {
    %c0_i32 = arith.constant 0 : i32
    %c0_i32_0 = arith.constant 0 : i32
    %c0_i32_1 = arith.constant 0 : i32
    return %c0_i32, %c0_i32_0 : i32, i32
  }
  func.func @transform_7(%arg0: i32) -> (i32, i32) {
    %c0_i32 = arith.constant 0 : i32
    %c0_i32_0 = arith.constant 0 : i32
    %c0_i32_1 = arith.constant 0 : i32
    return %c0_i32, %c0_i32_0 : i32, i32
  }
  func.func @transform_8(%arg0: i32) -> (i32, i32) {
    %c0_i32 = arith.constant 0 : i32
    %c0_i32_0 = arith.constant 0 : i32
    %c0_i32_1 = arith.constant 0 : i32
    return %c0_i32, %c0_i32_0 : i32, i32
  }
  func.func @transform_9(%arg0: i32) -> (i32, i32) {
    %c0_i32 = arith.constant 0 : i32
    %c0_i32_0 = arith.constant 0 : i32
    %c0_i32_1 = arith.constant 0 : i32
    return %c0_i32, %c0_i32_0 : i32, i32
  }
  func.func @transform_10(%arg0: i32) -> (i32, i32) {
    %c0_i32 = arith.constant 0 : i32
    %c0_i32_0 = arith.constant 0 : i32
    return %arg0, %c0_i32 : i32, i32
  }
}

</mosaic_0001>

<sc_bundles>
// kernel: kernel.4.cloned.1.call-start
scs
__scs_entry_jumppad:
0x0: {  	(pc) =	sbr.rel $0x88, $3  }
0x1: {  	(tag) =	ssettag $0x0;
	lr =	simm.s32 $0x1  }
0x2: {  	[smem:$0x3F9A] =	sst lr;
	_ =	strace $0xD0000000  }
0x3: {  	_ = 	snop  }
0x4: {  	_ = 	snop  }
0x5: {  	_ = 	snop  }
0x6: {  	_ = 	snop  }
0x7: {  	_ = 	snop  }
__scs_overlays_trampoline_lowered:
0x8: {  	[smem:$0x3FA9] =	sst s0  }
0x9: {  	[smem:$0x3FAA] =	sst s1  }
0xa: {  	[smem:$0x3FAB] =	sst s2  }
0xb: {  	[smem:$0x3FAC] =	sst s3  }
0xc: {  	[smem:$0x3FAD] =	sst s4  }
0xd: {  	[smem:$0x3FAE] =	sst s5  }
0xe: {  	[smem:$0x3FAF] =	sst s6  }
0xf: {  	[smem:$0x3FB0] =	sst s7  }
0x10: {  	[smem:$0x3FB1] =	sst s8  }
0x11: {  	[smem:$0x3FB2] =	sst s9;
	s0 =	simm.s32 @!p0 $0x0  }
0x12: {  	s1 =	sld [smem:$0x3F98];
	s0 =	simm.s32 @p0 $0x1  }
0x13: {  	[smem:$0x3FB3] =	sst s0;
	s0 =	simm.s32 @!p1 $0x0  }
0x14: {  	s2 =	sld [smem:$0x3F97];
	s0 =	simm.s32 @p1 $0x1  }
0x15: {  	[smem:$0x3FB4] =	sst s0;
	s0 =	simm.s32 @!p2 $0x0  }
0x16: {  	s3 =	sld [smem:$0x3FDB];
	s0 =	simm.s32 @p2 $0x1  }
0x17: {  	s4 =	simm.s32 $0x1BF5;
	[smem:$0x3FB6] =	sst s0  }
0x18: {  	s0 =	sld [smem:$0x3F99];
	_ =	swait.ge [sflag:s4], $0x0  }
0x19: {  	s7 =	sld [smem:$0x3F9A]  }
0x1a: {  	s8 =	sadd.s32 $0xFFFFE003, lr  }
0x1b: {  	s9 =	sadd.s32 $0xFFFFFEF7, lr;
	s5 =	simm.s32 $0xFFFFFFFF;
	p2 =	slt.u32 s8, $0xFFFFF086  }
0x1c: {  	p1 =	slt.u32 s9, $0xF7A;
	s5 =	simm.s32 @!p2 $0x0  }
0x1d: {  	s5 =	simm.s32 @p1 $0x1;
	p0 =	seq.s32 s7, s2  }
0x1e: {  	s7 =	smul.u32 @!p0 $0xF7A, s2;
	p2 =	seq.s32 @!p0 s5, $0x0  }
0x1f: {  	s9 =	smul.u32 $0xF7A, s1;
	s8 =	simm.s32 @!p0 $0x1BF5;
	p2 =	por !p2, p0  }
0x20: {  	[sflag:s8] =	ssyncset.s32 @!p0 $0xFFFFF086;
	s6 =	sadd.s32 @!p0 s3, s7;
	s7 =	simm.s32 @!p0 $0x108  }
0x21: {  	s3 =	sadd.s32 s3, s9;
	s6 =	sadd.s32 @!p0 $0x88, s6;
	s7 =	simm.s32 @p2 $0x1082  }
0x22: {  	[simem:s7], [sflag:s8] =	dma.local @!p0 [hbm:s6], $0xF7A  }
0x23: {  	s9 =	sor.u32 $0xD0000000, s2;
	s6 =	simm.s32 $0x108;
	_ =	swait.ge @!p0 [sflag:s8], $0x0  }
0x24: {  	s3 =	sadd.s32 $0x88, s3;
	s6 =	simm.s32 @!p1 $0x1082;
	[sflag:s4] =	ssyncset.s32 $0xFFFFF086  }
0x25: {  	[simem:s6], [sflag:s4] =	dma.local [hbm:s3], $0xF7A  }
0x26: {  	[smem:$0x3F9A] =	sst s1;
	(tag) =	ssettag s2;
	_ =	strace s9  }
0x27: {  	s1 =	sld [smem:$0x3FAA]  }
0x28: {  	s2 =	sld [smem:$0x3FAB]  }
0x29: {  	s4 =	sld [smem:$0x3FAD]  }
0x2a: {  	p0 =	seq.s32 s5, $0x0;
	s5 =	sld [smem:$0x3FAE]  }
0x2b: {  	s6 =	sld [smem:$0x3FAF]  }
0x2c: {  	s7 =	sld [smem:$0x3FB0]  }
0x2d: {  	s3 =	simm.s32 $0x108;
	s8 =	sld [smem:$0x3FB1]  }
0x2e: {  	s3 =	simm.s32 @!p0 $0x1082;
	s9 =	sld [smem:$0x3FB2]  }
0x2f: {  	lr =	sadd.s32 s0, s3;
	s0 =	sld [smem:$0x3FA9]  }
0x30: {  	s3 =	sld [smem:$0x3FAC]  }
0x31: {  	[smem:$0x3FB5] =	sst s10  }
0x32: {  	s10 =	sld [smem:$0x3FB3];
	_ =	sdelay $0x3  }
0x33: {  	p0 =	seq.s32 s10, $0x1;
	s10 =	sld [smem:$0x3FB5];
	_ =	sdelay $0x3  }
0x34: {  	[smem:$0x3FB5] =	sst s10  }
0x35: {  	s10 =	sld [smem:$0x3FB4];
	_ =	sdelay $0x3  }
0x36: {  	p1 =	seq.s32 s10, $0x1;
	s10 =	sld [smem:$0x3FB5];
	_ =	sdelay $0x3  }
0x37: {  	[smem:$0x3FB5] =	sst s10  }
0x38: {  	s10 =	sld [smem:$0x3FB6]  }
0x39: {  	_ = 	snop;
	(pc) =	sbr.ind lr, $3  }
0x3a: {  	_ = 	snop  }
0x3b: {  	_ = 	snop  }
0x3c: {  	p2 =	seq.s32 s10, $0x1;
	s10 =	sld [smem:$0x3FB5]  }
0x3d: {  	_ =	shalt  }
0x3e: {  	_ =	shalt  }
0x3f: {  	_ =	shalt  }
0x40: {  	_ =	shalt  }
0x41: {  	_ =	shalt  }
0x42: {  	_ =	shalt  }
0x43: {  	_ =	shalt  }
0x44: {  	_ =	shalt  }
0x45: {  	_ =	shalt  }
0x46: {  	_ =	shalt  }
0x47: {  	_ =	shalt  }
0x48: {  	_ =	shalt  }
0x49: {  	_ =	shalt  }
0x4a: {  	_ =	shalt  }
0x4b: {  	_ =	shalt  }
0x4c: {  	_ =	shalt  }
0x4d: {  	_ =	shalt  }
0x4e: {  	_ =	shalt  }
0x4f: {  	_ =	shalt  }
0x50: {  	_ =	shalt  }
0x51: {  	_ =	shalt  }
0x52: {  	_ =	shalt  }
0x53: {  	_ =	shalt  }
0x54: {  	_ =	shalt  }
0x55: {  	_ =	shalt  }
0x56: {  	_ =	shalt  }
0x57: {  	_ =	shalt  }
0x58: {  	_ =	shalt  }
0x59: {  	_ =	shalt  }
0x5a: {  	_ =	shalt  }
0x5b: {  	_ =	shalt  }
0x5c: {  	_ =	shalt  }
0x5d: {  	_ =	shalt  }
0x5e: {  	_ =	shalt  }
0x5f: {  	_ =	shalt  }
0x60: {  	_ =	shalt  }
0x61: {  	_ =	shalt  }
0x62: {  	_ =	shalt  }
0x63: {  	_ =	shalt  }
0x64: {  	_ =	shalt  }
0x65: {  	_ =	shalt  }
0x66: {  	_ =	shalt  }
0x67: {  	_ =	shalt  }
0x68: {  	_ =	shalt  }
0x69: {  	_ =	shalt  }
0x6a: {  	_ =	shalt  }
0x6b: {  	_ =	shalt  }
0x6c: {  	_ =	shalt  }
0x6d: {  	_ =	shalt  }
0x6e: {  	_ =	shalt  }
0x6f: {  	_ =	shalt  }
0x70: {  	_ =	shalt  }
0x71: {  	_ =	shalt  }
0x72: {  	_ =	shalt  }
0x73: {  	_ =	shalt  }
0x74: {  	_ =	shalt  }
0x75: {  	_ =	shalt  }
0x76: {  	_ =	shalt  }
0x77: {  	_ =	shalt  }
0x78: {  	_ =	shalt  }
0x79: {  	_ =	shalt  }
0x7a: {  	_ =	shalt  }
0x7b: {  	_ =	shalt  }
0x7c: {  	_ =	shalt  }
0x7d: {  	_ =	shalt  }
0x7e: {  	_ =	shalt  }
0x7f: {  	_ =	shalt  }
0x80: {  	_ =	shalt  }
0x81: {  	_ =	shalt  }
0x82: {  	_ =	shalt  }
0x83: {  	_ =	shalt  }
0x84: {  	_ =	shalt  }
0x85: {  	_ =	shalt  }
0x86: {  	_ =	shalt  }
0x87: {  	_ =	shalt  }
.Lfunc_end0:
.L_simem_size_0:
called_computation_lowered:
.L_overlay_start_0:
0x88: {  	s2 =	sld [smem:$0x3FD9]  }
0x89: {  	s3 =	sld [smem:$0x3FFE];
	_ =	sdelay $0x1  }
0x8a: {  	s1 =	srdreg.scid  }
0x8b: {  	s0 =	sand.u32 $0x1, s1  }
0x8c: {  	s17 =	sshll.u32 s0, $0xA;
	s2 =	sadd.s32 s3, s2  }
0x8d: {  	s2 =	sadd.s32 s2, s17  }
0x8e: {  	[smem:$0x3FC1] =	sst s2  }
0x8f: {  	_ = 	snop  }
0x90: {  	s2 =	sld [smem:$0x3FD0];
	(tm) =	ssettm $0x1  }
0x91: {  	s18 =	sld [smem:$0x3FFB];
	_ =	sdelay $0x3  }
0x92: {  	_ =	strace s18  }
0x93: {  	s3 =	sld [smem:$0x3FFC];
	_ =	sdelay $0x3  }
0x94: {  	_ =	strace s3  }
0x95: {  	s3 =	sld [smem:$0x3FFD];
	_ =	sdelay $0x3  }
0x96: {  	_ =	strace s3  }
0x97: {  	_ =	strace $0x8FFFFFFF  }
0x98: {  	s19 =	sld [smem:$0x3FDB];
	_ =	sdelay $0x1  }
0x99: {  	s4 =	simm.s32 $_scs_section_size  }
0x9a: {  	s5 =	simm.s32 $_size__tile_overlayer_lowered;
	s6 =	simm.s32 $_tile_overlayer_lowered  }
0x9b: {  	s22 =	simm.s32 $0x1BFF;
	s21 =	sshll.u32 s6, $0x1;
	s3 =	sadd.s32 s4, s19  }
0x9c: {  	s7 =	simm.s32 $0x0;
	s20 =	sshll.u32 s5, $0x1;
	s5 =	sadd.s32 s21, s3  }
0x9d: {  	[timem:s7], [sflag:s22] =	dma.local [hbm:s5], s20  }
0x9e: {  	_ =	swait.ge [sflag:s22], s20  }
0x9f: {  	s4 =	ssub.s32 $0x0, s20;
	[sflag:s22] =	ssyncset.done $0x0  }
0xa0: {  	[sflag:s22] =	ssyncadd.s32 s4;
	_ =	sdelay $0x1  }
0xa1: {  	s23 =	simm.s32 $0x1B8B  }
0xa2: {  	_ =	swait.ge [sflag:s23], $0x1  }
0xa3: {  	[sflag:s23] =	ssyncset.done $0x0  }
0xa4: {  	s25 =	simm.s32 $0x1B8E;
	s24 =	sld [smem:$0x3FFE];
	[sflag:s23] =	ssyncadd.s32 $0xFFFFFFFF  }
0xa5: {  	s26 =	simm.s32 $execute0_lowered;
	[smem:$0x3FD2] =	sst s25  }
0xa6: {  	s5 =	sshll.u32 s26, $0x1;
	_ =	strace $0x80000046;
	[dreg:$0x1] =	wrdreg $0xFFFFFFFF  }
0xa7: {  	s28 =	simm.s32 $_size_execute0_lowered;
	s3 =	sadd.s32 s3, s5;
	[dreg:$0x0] =	wrdreg $0x0  }
0xa8: {  	s5 =	sshll.u32 s28, $0x1;
	[dreg:$0x2] =	wrdreg s3  }
0xa9: {  	[dreg:$0x3] =	wrdreg s5  }
0xaa: {  	[dreg:$0x4] =	wrdreg $0xC0  }
0xab: {  	_ =	task [dreg:s7], $0x5FFFF  }
0xac: {  	[dreg:$0x1] =	wrdreg $0xFFFFFFFF  }
0xad: {  	[dreg:$0x0] =	wrdreg $0x60  }
0xae: {  	[dreg:$0x2] =	wrdreg s2  }
0xaf: {  	[dreg:$0x3] =	wrdreg s24  }
0xb0: {  	[dreg:$0x4] =	wrdreg $0x90000  }
0xb1: {  	[dreg:$0x5] =	wrdreg $0x1D0000  }
0xb2: {  	[dreg:$0x6] =	wrdreg $0x9  }
0xb3: {  	_ =	task.clear_ibuf [dreg:s7], $0x7FFFF;
	_ =	strace $0x90000046  }
0xb4: {  	s29 =	simm.s32 $0x9;
	_ =	strace $0x80000048  }
0xb5: {  	_ =	swait.ge [sflag:s29], $0x1  }
0xb6: {  	[sflag:s29] =	ssyncadd.s32 $0xFFFFFFFF  }
0xb7: {  	_ =	strace $0x90000048  }
0xb8: {  	_ =	sfence  }
0xb9: {  	s30 =	sld [smem:$0x0];
	_ =	sdelay $0x2  }
0xba: {  	s31 =	sshll.u32 s1, $0xD;
	s1 =	sshrl.u32 s1, $0x2  }
0xbb: {  	s3 =	sand.u32 $0x4000, s31;
	s1 =	sadd.s32 s1, s30  }
0xbc: {  	s0 =	sor.u32 s3, s0;
	s1 =	sshll.u32 s1, $0x11  }
0xbd: {  	s0 =	sor.u32 s1, s0  }
0xbe: {  	s0 =	sadd.s32 $0x8F2B, s0  }
0xbf: {  	[sflag:s0] =	ssyncadd.remote.s32 $0x1  }
0xc0: {  	_ =	sfence.sel $0xFFFF  }
0xc1: {  	[dreg:$0x0] =	wrdreg $0xFFFFFFFF;
	(pc) =	sbr.abs _section_cstart, $3  }
0xc2: {  	[dreg:$0x1] =	wrdreg $0xFFFFFFFF  }
0xc3: {  	_ =	task.clear_ibuf [dreg:s7], $0x2FFFF;
	_ =	strace $0x9FFFFFFF  }
0xc4: {  	(tm) =	ssettm $0x7FFFFFFF  }
0xc5: {  	_ =	shalt  }
tec
execute0_lowered:
.L_overlay_start_1:
0x0: {  	(tag) =	ssettag $0x1  }
0x1: {  	s14 =	stileid.u32  }
0x2: {  	s0 =	rddreg [dreg:$0x0];
	s6 =	smul.u32 $0x2800, s14  }
0x3: {  	s2 =	rddreg [dreg:$0x1];
	s9 =	smul.u32 $0x1400, s14  }
0x4: {  	s1 =	srdreg.scid;
	s10 =	smul.u32 $0x500, s14  }
0x5: {  	s3 =	rddreg [dreg:$0x2];
	s15 =	smul.u32 $0x50000, s14  }
0x6: {  	s4 =	rddreg [dreg:$0x3];
	s5 =	simm.s32 $0x0;
	s17 =	smul.u32 $0x5000, s14  }
0x7: {  	s28 =	simm.s32 $0x5;
	s7 =	sand.u32 $0x1, s1;
	s14 =	smul.u32 $0x14000, s14  }
0x8: {  	s29 =	simm.s32 $0x800;
	s30 =	simm.s32 $0x80;
	s1 =	smul.u32 $0x28000, s7  }
0x9: {  	[smem:$0x7FF] =	sst s5;
	s16 =	sadd.s32 $0x1A600, s2;
	s8 =	smul.u32 $0x14000, s7  }
0xa: {  	_ =	strace $0x80000047;
	[dreg:$0x17] =	wrdreg s16;
	s12 =	ssub.s32 $0x2, s7  }
0xb: {  	s7 =	smul.u32 $0x140000, s7;
	s16 =	simm.s32 $0x480;
	s18 =	sshrl.u32 s17, $0x2  }
0xc: {  	[dreg:$0x9] =	wrdreg s16;
	s16 =	simm.s32 $0xE80;
	s13 =	sadd.s32 s9, s8  }
0xd: {  	s9 =	sshrl.u32 s15, $0x2;
	s15 =	simm.s32 $0xC00;
	[dreg:$0x12] =	wrdreg s16  }
0xe: {  	s25 =	sadd.s32 s18, s4;
	s18 =	simm.s32 $0xC80;
	[dreg:$0x8] =	wrdreg s15  }
0xf: {  	s8 =	sadd.s32 s10, s2;
	s20 =	sadd.s32 s7, s14;
	[dreg:$0xa] =	wrdreg s18  }
0x10: {  	s23 =	sadd.s32 s9, s3;
	s8 =	sadd.s32 $0x1600, s8;
	[dreg:$0x19] =	wrdreg s25  }
0x11: {  	s9 =	sshrl.u32 s20, $0x3;
	s20 =	simm.s32 $0xD00;
	[dreg:$0x6] =	wrdreg s8  }
0x12: {  	s31 =	simm.s32 $0x1;
	s15 =	simm.s32 $0x680;
	[dreg:$0xc] =	wrdreg s20  }
0x13: {  	s1 =	sadd.s32 s1, s6;
	s18 =	simm.s32 $0xF00;
	[dreg:$0x11] =	wrdreg s15  }
0x14: {  	s6 =	sadd.s32 $0x1400, s2;
	s10 =	sadd.s32 $0x4000, s14;
	[dreg:$0x14] =	wrdreg s18  }
0x15: {  	s1 =	sshrl.u32 s1, $0x3;
	s22 =	sadd.s32 $0x4000, s23;
	[dreg:$0x18] =	wrdreg s23  }
0x16: {  	s11 =	sadd.s32 s1, s2;
	s24 =	sadd.s32 $0x8000, s23;
	[dreg:$0x1c] =	wrdreg s22  }
0x17: {  	s1 =	sshrl.u32 s13, $0x3;
	s20 =	sadd.s32 $0x10000, s23;
	[dreg:$0x1d] =	wrdreg s24  }
0x18: {  	s13 =	sshrl.u32 s12, $0x1;
	s26 =	sadd.s32 $0x10600, s11;
	[smem:$0x7F9] =	sst s20  }
0x19: {  	s12 =	ssub.s32 s12, s13;
	s13 =	simm.s32 $0x400;
	[dreg:$0x5] =	wrdreg s26  }
0x1a: {  	s1 =	sadd.s32 s1, s2;
	s24 =	simm.s32 $0xD80;
	[dreg:$0x7] =	wrdreg s13  }
0x1b: {  	s16 =	simm.s32 $0x200;
	s19 =	sadd.s32 $0x1AE00, s1;
	[dreg:$0xe] =	wrdreg s24  }
0x1c: {  	s2 =	sadd.s32 $0x1FE00, s2;
	s21 =	smax.u32 s12, $0x1;
	[dreg:$0x1a] =	wrdreg s19  }
0x1d: {  	s15 =	simm.s32 $0x980;
	s9 =	sadd.s32 s2, s9;
	[dreg:$0x1b] =	wrdreg s21  }
0x1e: {  	s18 =	simm.s32 $0x280;
	s12 =	sadd.s32 $0x6600, s1;
	[dreg:$0x1e] =	wrdreg s9  }
0x1f: {  	s11 =	sadd.s32 s7, s10;
	s26 =	simm.s32 $0x600;
	[dreg:$0x15] =	wrdreg s12  }
0x20: {  	s20 =	simm.s32 $0x300;
	s13 =	simm.s32 $0xE00;
	[dreg:$0xf] =	wrdreg s26  }
0x21: {  	s1 =	sadd.s32 $0xB600, s1;
	s9 =	sshrl.u32 s11, $0x3;
	[dreg:$0x10] =	wrdreg s13  }
0x22: {  	s19 =	simm.s32 $0x500;
	s21 =	simm.s32 $0x580;
	[dreg:$0x16] =	wrdreg s1  }
0x23: {  	s1 =	simm.s32 $0x2;
	s13 =	simm.s32 $0x4;
	[dreg:$0xb] =	wrdreg s19  }
0x24: {  	s9 =	sadd.s32 s2, s9;
	[dreg:$0xd] =	wrdreg s21;
	s19 =	sadd.s32 $0xC000, s23  }
0x25: {  	s21 =	sadd.s32 s10, s3;
	[dreg:$0x1f] =	wrdreg s9;
	s9 =	sadd.s32 $0x8000, s14  }
0x26: {  	s10 =	simm.s32 $0x3;
	[smem:$0x7F8] =	sst s19;
	s17 =	sadd.s32 s7, s9  }
0x27: {  	[smem:$0x7FA] =	sst s21;
	s11 =	sshrl.u32 s17, $0x3;
	s17 =	simm.s32 $0x700  }
0x28: {  	s19 =	simm.s32 $0xA80;
	s11 =	sadd.s32 s2, s11;
	[dreg:$0x13] =	wrdreg s17  }
0x29: {  	s21 =	simm.s32 $0xB00;
	[smem:$0x7F5] =	sst s11;
	s11 =	sadd.s32 $0xC000, s14  }
0x2a: {  	s17 =	simm.s32 $0xA00;
	s14 =	sadd.s32 $0x10000, s14;
	s22 =	sadd.s32 s7, s11  }
0x2b: {  	s7 =	sadd.s32 s7, s14;
	s24 =	sadd.s32 s11, s3;
	s26 =	sadd.s32 s14, s3  }
0x2c: {  	s11 =	simm.s32 $0x100;
	s14 =	simm.s32 $0x180;
	s12 =	sshrl.u32 s22, $0x3  }
0x2d: {  	s7 =	sshrl.u32 s7, $0x3;
	s22 =	sadd.s32 s9, s3;
	[smem:$0x7FC] =	sst s24  }
0x2e: {  	[smem:$0x7FD] =	sst s26;
	s26 =	simm.s32 $0x1000;
	s9 =	simm.s32 $0x880  }
0x2f: {  	s24 =	simm.s32 $0x0;
	s12 =	sadd.s32 s2, s12;
	[smem:$0x7FB] =	sst s22  }
0x30: {  	s2 =	sadd.s32 s2, s7;
	s22 =	simm.s32 $0x380;
	[smem:$0x7F6] =	sst s12  }
0x31: {  	[smem:$0x7F7] =	sst s2;
	s2 =	simm.s32 $0x5000;
	s12 =	simm.s32 $0x900  }
.LBB2_1:
0x32: {  	[smem:$0x7F4] =	sst s24  }
0x33: {  	s7 =	rddreg [dreg:$0x17]  }
0x34: {  	[tilespmem:s26], [sflag:$0x5] =	stream.linear.gather [hbm4b:s7+s5], $0x4000, $0x38;
	[tilespmem:$0x1E400] =	vst v63  }
0x35: {  	_ =	swait.ge [sflag:s28], $0x4000  }
0x36: {  	[sflag:s28] =	ssyncset.done $0x0  }
0x37: {  	[sflag:s28] =	ssyncadd.s32 $0xFFFFC000  }
0x38: {  	[spmem:s23] =	stream.linear.scatter [tilespmem:s26], [sflag:$0x5], $0x4000, $0x38;
	[tilespmem:$0x1E400] =	vst v63  }
0x39: {  	_ =	swait.ge [sflag:s28], $0x4000  }
0x3a: {  	[sflag:s28] =	ssyncset.done $0x0  }
0x3b: {  	s8 =	rddreg [dreg:$0x1c];
	[sflag:s28] =	ssyncadd.s32 $0xFFFFC000  }
0x3c: {  	[spmem:s8] =	stream.linear.scatter [tilespmem:s26], [sflag:$0x5], $0x4000, $0x38;
	[tilespmem:$0x1E400] =	vst v63  }
0x3d: {  	_ =	swait.ge [sflag:s28], $0x4000  }
0x3e: {  	[sflag:s28] =	ssyncset.done $0x0  }
0x3f: {  	s23 =	rddreg [dreg:$0x1d];
	[sflag:s28] =	ssyncadd.s32 $0xFFFFC000  }
0x40: {  	[spmem:s23] =	stream.linear.scatter [tilespmem:s26], [sflag:$0x5], $0x4000, $0x38;
	[tilespmem:$0x1E400] =	vst v63  }
0x41: {  	_ =	swait.ge [sflag:s28], $0x4000  }
0x42: {  	s8 =	sld [smem:$0x7F8]  }
0x43: {  	[sflag:s28] =	ssyncset.done $0x0  }
0x44: {  	[sflag:s28] =	ssyncadd.s32 $0xFFFFC000  }
0x45: {  	[spmem:s8] =	stream.linear.scatter [tilespmem:s26], [sflag:$0x5], $0x4000, $0x38;
	[tilespmem:$0x1E400] =	vst v63  }
0x46: {  	_ =	swait.ge [sflag:s28], $0x4000  }
0x47: {  	s23 =	sld [smem:$0x7F9]  }
0x48: {  	[sflag:s28] =	ssyncset.done $0x0  }
0x49: {  	[sflag:s28] =	ssyncadd.s32 $0xFFFFC000  }
0x4a: {  	[spmem:s23] =	stream.linear.scatter [tilespmem:s26], [sflag:$0x5], $0x4000, $0x38;
	[tilespmem:$0x1E400] =	vst v63  }
0x4b: {  	_ =	swait.ge [sflag:s28], $0x4000  }
0x4c: {  	[sflag:s28] =	ssyncset.done $0x0  }
0x4d: {  	[sflag:s28] =	ssyncadd.s32 $0xFFFFC000  }
0x4e: {  	[spmem:s25] =	stream.linear.scatter [tilespmem:s26], [sflag:$0x5], $0x1400, $0x38;
	[tilespmem:$0x1E400] =	vst v63  }
0x4f: {  	_ =	swait.ge [sflag:s28], $0x1400  }
0x50: {  	[sflag:s28] =	ssyncset.done $0x0  }
0x51: {  	[sflag:s28] =	ssyncadd.s32 $0xFFFFEC00  }
0x52: {  	[bflag:$0x0] =	sbarrier.arrive $0xFFFF  }
0x53: {  	s8 =	rddreg [dreg:$0x5]  }
0x54: {  	s8 =	sadd.s32 $0x0, s8  }
0x55: {  	[tilespmem:s5], [sflag:$0x5] =	stream.linear.gather [hbm4b:s8+s5], $0x800, $0x38;
	[tilespmem:$0x1E400] =	vst v63  }
0x56: {  	_ =	swait.ge [sflag:s28], $0x800  }
0x57: {  	s25 =	rddreg [dreg:$0x6];
	[sflag:s28] =	ssyncset.done $0x0  }
0x58: {  	[sflag:s28] =	ssyncadd.s32 $0xFFFFF800;
	s8 =	sadd.s32 $0x0, s25  }
0x59: {  	[tilespmem:s29], [sflag:$0x5] =	stream.linear.gather [hbm4b:s8+s5], $0x800, $0x38;
	[tilespmem:$0x1E400] =	vst v63  }
0x5a: {  	_ =	swait.ge [sflag:s28], $0x800  }
0x5b: {  	[sflag:s28] =	ssyncset.done $0x0  }
0x5c: {  	[sflag:s28] =	ssyncadd.s32 $0xFFFFF800  }
0x5d: {  	[tilespmem:s26], [sflag:$0x1] =	stream.indirect.gather [hbm4b:s0+s30], $0x80, s5, s30, $0xb8;
	[tilespmem:$0x1E400] =	vst v63  }
0x5e: {  	_ =	swait.ge [sflag:s31], $0x4000  }
0x5f: {  	[sflag:s31] =	ssyncset.done $0x0  }
0x60: {  	[sflag:s31] =	ssyncadd.s32 $0xFFFFC000  }
0x61: {  	[spmem:s3] =	stream.indirect.scatter.add.f32 [tilespmem:s26], [sflag:$0x3], $0x80, s29, s30, $0xb8;
	[tilespmem:$0x1E400] =	vst v63  }
0x62: {  	_ = 	snop  }
0x63: {  	[tilespmem:s2], [sflag:$0x2] =	stream.indirect.gather [hbm4b:s0+s30], $0x80, s30, s30, $0xb8;
	[tilespmem:$0x1E400] =	vst v63  }
0x64: {  	_ =	swait.ge [sflag:s1], $0x4000  }
0x65: {  	[sflag:s1] =	ssyncset.done $0x0  }
0x66: {  	[sflag:s1] =	ssyncadd.s32 $0xFFFFC000  }
0x67: {  	[spmem:s3] =	stream.indirect.scatter.add.f32 [tilespmem:s2], [sflag:$0x4], $0x80, s9, s30, $0xb8;
	[tilespmem:$0x1E400] =	vst v63  }
0x68: {  	_ =	swait.ge [sflag:s10], $0x4000  }
0x69: {  	[sflag:s10] =	ssyncset.done $0x0  }
0x6a: {  	[sflag:s10] =	ssyncadd.s32 $0xFFFFC000  }
0x6b: {  	[tilespmem:s26], [sflag:$0x1] =	stream.indirect.gather [hbm4b:s0+s30], $0x80, s11, s30, $0xb8;
	[tilespmem:$0x1E400] =	vst v63  }
0x6c: {  	_ =	swait.ge [sflag:s31], $0x4000  }
0x6d: {  	[sflag:s31] =	ssyncset.done $0x0  }
0x6e: {  	[sflag:s31] =	ssyncadd.s32 $0xFFFFC000  }
0x6f: {  	[spmem:s3] =	stream.indirect.scatter.add.f32 [tilespmem:s26], [sflag:$0x3], $0x80, s12, s30, $0xb8;
	[tilespmem:$0x1E400] =	vst v63  }
0x70: {  	_ =	swait.ge [sflag:s13], $0x4000  }
0x71: {  	[sflag:s13] =	ssyncset.done $0x0  }
0x72: {  	[sflag:s13] =	ssyncadd.s32 $0xFFFFC000  }
0x73: {  	[tilespmem:s2], [sflag:$0x2] =	stream.indirect.gather [hbm4b:s0+s30], $0x80, s14, s30, $0xb8;
	[tilespmem:$0x1E400] =	vst v63  }
0x74: {  	_ =	swait.ge [sflag:s1], $0x4000  }
0x75: {  	[sflag:s1] =	ssyncset.done $0x0  }
0x76: {  	[sflag:s1] =	ssyncadd.s32 $0xFFFFC000  }
0x77: {  	[spmem:s3] =	stream.indirect.scatter.add.f32 [tilespmem:s2], [sflag:$0x4], $0x80, s15, s30, $0xb8;
	[tilespmem:$0x1E400] =	vst v63  }
0x78: {  	_ =	swait.ge [sflag:s10], $0x4000  }
0x79: {  	[sflag:s10] =	ssyncset.done $0x0  }
0x7a: {  	[sflag:s10] =	ssyncadd.s32 $0xFFFFC000  }
0x7b: {  	[tilespmem:s26], [sflag:$0x1] =	stream.indirect.gather [hbm4b:s0+s30], $0x80, s16, s30, $0xb8;
	[tilespmem:$0x1E400] =	vst v63  }
0x7c: {  	_ =	swait.ge [sflag:s31], $0x4000  }
0x7d: {  	[sflag:s31] =	ssyncset.done $0x0  }
0x7e: {  	[sflag:s31] =	ssyncadd.s32 $0xFFFFC000  }
0x7f: {  	[spmem:s3] =	stream.indirect.scatter.add.f32 [tilespmem:s26], [sflag:$0x3], $0x80, s17, s30, $0xb8;
	[tilespmem:$0x1E400] =	vst v63  }
0x80: {  	_ =	swait.ge [sflag:s13], $0x4000  }
0x81: {  	[sflag:s13] =	ssyncset.done $0x0  }
0x82: {  	[sflag:s13] =	ssyncadd.s32 $0xFFFFC000  }
0x83: {  	[tilespmem:s2], [sflag:$0x2] =	stream.indirect.gather [hbm4b:s0+s30], $0x80, s18, s30, $0xb8;
	[tilespmem:$0x1E400] =	vst v63  }
0x84: {  	_ =	swait.ge [sflag:s1], $0x4000  }
0x85: {  	[sflag:s1] =	ssyncset.done $0x0  }
0x86: {  	[sflag:s1] =	ssyncadd.s32 $0xFFFFC000  }
0x87: {  	[spmem:s3] =	stream.indirect.scatter.add.f32 [tilespmem:s2], [sflag:$0x4], $0x80, s19, s30, $0xb8;
	[tilespmem:$0x1E400] =	vst v63  }
0x88: {  	_ =	swait.ge [sflag:s10], $0x4000  }
0x89: {  	[sflag:s10] =	ssyncset.done $0x0  }
0x8a: {  	[sflag:s10] =	ssyncadd.s32 $0xFFFFC000  }
0x8b: {  	[tilespmem:s26], [sflag:$0x1] =	stream.indirect.gather [hbm4b:s0+s30], $0x80, s20, s30, $0xb8;
	[tilespmem:$0x1E400] =	vst v63  }
0x8c: {  	_ =	swait.ge [sflag:s31], $0x4000  }
0x8d: {  	[sflag:s31] =	ssyncset.done $0x0  }
0x8e: {  	[sflag:s31] =	ssyncadd.s32 $0xFFFFC000  }
0x8f: {  	[spmem:s3] =	stream.indirect.scatter.add.f32 [tilespmem:s26], [sflag:$0x3], $0x80, s21, s30, $0xb8;
	[tilespmem:$0x1E400] =	vst v63  }
0x90: {  	_ =	swait.ge [sflag:s13], $0x4000  }
0x91: {  	[sflag:s13] =	ssyncset.done $0x0  }
0x92: {  	[sflag:s13] =	ssyncadd.s32 $0xFFFFC000  }
0x93: {  	[tilespmem:s2], [sflag:$0x2] =	stream.indirect.gather [hbm4b:s0+s30], $0x80, s22, s30, $0xb8;
	[tilespmem:$0x1E400] =	vst v63  }
0x94: {  	_ =	swait.ge [sflag:s1], $0x4000  }
0x95: {  	[sflag:s1] =	ssyncset.done $0x0  }
0x96: {  	s24 =	simm.s32 $0xB80;
	[sflag:s1] =	ssyncadd.s32 $0xFFFFC000  }
0x97: {  	[spmem:s3] =	stream.indirect.scatter.add.f32 [tilespmem:s2], [sflag:$0x4], $0x80, s24, s30, $0xb8;
	[tilespmem:$0x1E400] =	vst v63  }
0x98: {  	_ =	swait.ge [sflag:s10], $0x4000  }
0x99: {  	[sflag:s10] =	ssyncset.done $0x0  }
0x9a: {  	s7 =	rddreg [dreg:$0x7];
	[sflag:s10] =	ssyncadd.s32 $0xFFFFC000  }
0x9b: {  	[tilespmem:s26], [sflag:$0x1] =	stream.indirect.gather [hbm4b:s0+s30], $0x80, s7, s30, $0xb8;
	[tilespmem:$0x1E400] =	vst v63  }
0x9c: {  	_ =	swait.ge [sflag:s31], $0x4000  }
0x9d: {  	[sflag:s31] =	ssyncset.done $0x0  }
0x9e: {  	s9 =	rddreg [dreg:$0x8];
	[sflag:s31] =	ssyncadd.s32 $0xFFFFC000  }
0x9f: {  	[spmem:s3] =	stream.indirect.scatter.add.f32 [tilespmem:s26], [sflag:$0x3], $0x80, s9, s30, $0xb8;
	[tilespmem:$0x1E400] =	vst v63  }
0xa0: {  	_ =	swait.ge [sflag:s13], $0x4000  }
0xa1: {  	[sflag:s13] =	ssyncset.done $0x0  }
0xa2: {  	s11 =	rddreg [dreg:$0x9];
	[sflag:s13] =	ssyncadd.s32 $0xFFFFC000  }
0xa3: {  	[tilespmem:s2], [sflag:$0x2] =	stream.indirect.gather [hbm4b:s0+s30], $0x80, s11, s30, $0xb8;
	[tilespmem:$0x1E400] =	vst v63  }
0xa4: {  	_ =	swait.ge [sflag:s1], $0x4000  }
0xa5: {  	[sflag:s1] =	ssyncset.done $0x0  }
0xa6: {  	s12 =	rddreg [dreg:$0xa];
	[sflag:s1] =	ssyncadd.s32 $0xFFFFC000  }
0xa7: {  	[spmem:s3] =	stream.indirect.scatter.add.f32 [tilespmem:s2], [sflag:$0x4], $0x80, s12, s30, $0xb8;
	[tilespmem:$0x1E400] =	vst v63  }
0xa8: {  	_ =	swait.ge [sflag:s10], $0x4000  }
0xa9: {  	[sflag:s10] =	ssyncset.done $0x0  }
0xaa: {  	s14 =	rddreg [dreg:$0xb];
	[sflag:s10] =	ssyncadd.s32 $0xFFFFC000  }
0xab: {  	[tilespmem:s26], [sflag:$0x1] =	stream.indirect.gather [hbm4b:s0+s30], $0x80, s14, s30, $0xb8;
	[tilespmem:$0x1E400] =	vst v63  }
0xac: {  	_ =	swait.ge [sflag:s31], $0x4000  }
0xad: {  	[sflag:s31] =	ssyncset.done $0x0  }
0xae: {  	s15 =	rddreg [dreg:$0xc];
	[sflag:s31] =	ssyncadd.s32 $0xFFFFC000  }
0xaf: {  	[spmem:s3] =	stream.indirect.scatter.add.f32 [tilespmem:s26], [sflag:$0x3], $0x80, s15, s30, $0xb8;
	[tilespmem:$0x1E400] =	vst v63  }
0xb0: {  	_ =	swait.ge [sflag:s13], $0x4000  }
0xb1: {  	[sflag:s13] =	ssyncset.done $0x0  }
0xb2: {  	s16 =	rddreg [dreg:$0xd];
	[sflag:s13] =	ssyncadd.s32 $0xFFFFC000  }
0xb3: {  	[tilespmem:s2], [sflag:$0x2] =	stream.indirect.gather [hbm4b:s0+s30], $0x80, s16, s30, $0xb8;
	[tilespmem:$0x1E400] =	vst v63  }
0xb4: {  	_ =	swait.ge [sflag:s1], $0x4000  }
0xb5: {  	[sflag:s1] =	ssyncset.done $0x0  }
0xb6: {  	s17 =	rddreg [dreg:$0xe];
	[sflag:s1] =	ssyncadd.s32 $0xFFFFC000  }
0xb7: {  	[spmem:s3] =	stream.indirect.scatter.add.f32 [tilespmem:s2], [sflag:$0x4], $0x80, s17, s30, $0xb8;
	[tilespmem:$0x1E400] =	vst v63  }
0xb8: {  	_ =	swait.ge [sflag:s10], $0x4000  }
0xb9: {  	[sflag:s10] =	ssyncset.done $0x0  }
0xba: {  	s18 =	rddreg [dreg:$0xf];
	[sflag:s10] =	ssyncadd.s32 $0xFFFFC000  }
0xbb: {  	[tilespmem:s26], [sflag:$0x1] =	stream.indirect.gather [hbm4b:s0+s30], $0x80, s18, s30, $0xb8;
	[tilespmem:$0x1E400] =	vst v63  }
0xbc: {  	_ =	swait.ge [sflag:s31], $0x4000  }
0xbd: {  	[sflag:s31] =	ssyncset.done $0x0  }
0xbe: {  	s19 =	rddreg [dreg:$0x10];
	[sflag:s31] =	ssyncadd.s32 $0xFFFFC000  }
0xbf: {  	[spmem:s3] =	stream.indirect.scatter.add.f32 [tilespmem:s26], [sflag:$0x3], $0x80, s19, s30, $0xb8;
	[tilespmem:$0x1E400] =	vst v63  }
0xc0: {  	_ =	swait.ge [sflag:s13], $0x4000  }
0xc1: {  	[sflag:s13] =	ssyncset.done $0x0  }
0xc2: {  	s20 =	rddreg [dreg:$0x11];
	[sflag:s13] =	ssyncadd.s32 $0xFFFFC000  }
0xc3: {  	[tilespmem:s2], [sflag:$0x2] =	stream.indirect.gather [hbm4b:s0+s30], $0x80, s20, s30, $0xb8;
	[tilespmem:$0x1E400] =	vst v63  }
0xc4: {  	_ =	swait.ge [sflag:s1], $0x4000  }
0xc5: {  	[sflag:s1] =	ssyncset.done $0x0  }
0xc6: {  	s21 =	rddreg [dreg:$0x12];
	[sflag:s1] =	ssyncadd.s32 $0xFFFFC000  }
0xc7: {  	[spmem:s3] =	stream.indirect.scatter.add.f32 [tilespmem:s2], [sflag:$0x4], $0x80, s21, s30, $0xb8;
	[tilespmem:$0x1E400] =	vst v63  }
0xc8: {  	_ =	swait.ge [sflag:s10], $0x4000  }
0xc9: {  	[sflag:s10] =	ssyncset.done $0x0  }
0xca: {  	s22 =	rddreg [dreg:$0x13];
	[sflag:s10] =	ssyncadd.s32 $0xFFFFC000  }
0xcb: {  	[tilespmem:s26], [sflag:$0x1] =	stream.indirect.gather [hbm4b:s0+s30], $0x80, s22, s30, $0xb8;
	[tilespmem:$0x1E400] =	vst v63  }
0xcc: {  	_ =	swait.ge [sflag:s31], $0x4000  }
0xcd: {  	[sflag:s31] =	ssyncset.done $0x0  }
0xce: {  	s23 =	rddreg [dreg:$0x14];
	[sflag:s31] =	ssyncadd.s32 $0xFFFFC000  }
0xcf: {  	[spmem:s3] =	stream.indirect.scatter.add.f32 [tilespmem:s26], [sflag:$0x3], $0x80, s23, s30, $0xb8;
	[tilespmem:$0x1E400] =	vst v63  }
0xd0: {  	_ =	swait.ge [sflag:s13], $0x4000  }
0xd1: {  	[sflag:s13] =	ssyncset.done $0x0  }
0xd2: {  	s24 =	simm.s32 $0x780;
	[sflag:s13] =	ssyncadd.s32 $0xFFFFC000  }
0xd3: {  	[tilespmem:s2], [sflag:$0x2] =	stream.indirect.gather [hbm4b:s0+s30], $0x80, s24, s30, $0xb8;
	[tilespmem:$0x1E400] =	vst v63  }
0xd4: {  	s25 =	simm.s32 $0xF80;
	s9 =	simm.s32 $0x200;
	_ =	swait.ge [sflag:s1], $0x4000  }
0xd5: {  	s11 =	simm.s32 $0x880;
	s12 =	simm.s32 $0x100;
	[sflag:s1] =	ssyncset.done $0x0  }
0xd6: {  	s14 =	simm.s32 $0x900;
	s15 =	simm.s32 $0x180;
	[sflag:s1] =	ssyncadd.s32 $0xFFFFC000  }
0xd7: {  	[spmem:s3] =	stream.indirect.scatter.add.f32 [tilespmem:s2], [sflag:$0x4], $0x80, s25, s30, $0xb8;
	[tilespmem:$0x1E400] =	vst v63  }
0xd8: {  	s16 =	simm.s32 $0x980;
	s17 =	simm.s32 $0x200;
	_ =	swait.ge [sflag:s10], $0x4000  }
0xd9: {  	s18 =	simm.s32 $0xA00;
	s19 =	simm.s32 $0x280;
	[sflag:s10] =	ssyncset.done $0x0  }
0xda: {  	s20 =	simm.s32 $0xA80;
	s21 =	simm.s32 $0x300;
	[sflag:s10] =	ssyncadd.s32 $0xFFFFC000  }
0xdb: {  	s22 =	simm.s32 $0xB00;
	s23 =	simm.s32 $0x380;
	_ =	swait.ge [sflag:s13], $0x4000  }
0xdc: {  	s24 =	simm.s32 $0x100;
	s25 =	rddreg [dreg:$0x5];
	[sflag:s13] =	ssyncset.done $0x0  }
.LBB2_2:
0xdd: {  	[sflag:s13] =	ssyncadd.s32 $0xFFFFC000;
	s25 =	sadd.s32 s24, s25;
	s8 =	simm.s32 $0x0  }
0xde: {  	[tilespmem:s8], [sflag:$0x5] =	stream.linear.gather [hbm4b:s25+s8], $0x800, $0x38;
	[tilespmem:$0x1E400] =	vst v63  }
0xdf: {  	_ =	swait.ge [sflag:s28], $0x800  }
0xe0: {  	s25 =	rddreg [dreg:$0x6];
	[sflag:s28] =	ssyncset.done $0x0  }
0xe1: {  	[sflag:s28] =	ssyncadd.s32 $0xFFFFF800;
	s25 =	sadd.s32 s24, s25  }
0xe2: {  	[tilespmem:s29], [sflag:$0x5] =	stream.linear.gather [hbm4b:s25+s8], $0x800, $0x38;
	[tilespmem:$0x1E400] =	vst v63  }
0xe3: {  	_ =	swait.ge [sflag:s28], $0x800  }
0xe4: {  	[sflag:s28] =	ssyncset.done $0x0  }
0xe5: {  	[sflag:s28] =	ssyncadd.s32 $0xFFFFF800  }
0xe6: {  	[tilespmem:s26], [sflag:$0x1] =	stream.indirect.gather [hbm4b:s0+s30], $0x80, s8, s30, $0xb8;
	[tilespmem:$0x1E400] =	vst v63  }
0xe7: {  	_ =	swait.ge [sflag:s31], $0x4000  }
0xe8: {  	[sflag:s31] =	ssyncset.done $0x0  }
0xe9: {  	[sflag:s31] =	ssyncadd.s32 $0xFFFFC000  }
0xea: {  	[spmem:s3] =	stream.indirect.scatter.add.f32 [tilespmem:s26], [sflag:$0x3], $0x80, s29, s30, $0xb8;
	[tilespmem:$0x1E400] =	vst v63  }
0xeb: {  	_ = 	snop  }
0xec: {  	[tilespmem:s2], [sflag:$0x2] =	stream.indirect.gather [hbm4b:s0+s30], $0x80, s30, s30, $0xb8;
	[tilespmem:$0x1E400] =	vst v63  }
0xed: {  	_ =	swait.ge [sflag:s1], $0x4000  }
0xee: {  	[sflag:s1] =	ssyncset.done $0x0  }
0xef: {  	[sflag:s1] =	ssyncadd.s32 $0xFFFFC000  }
0xf0: {  	[spmem:s3] =	stream.indirect.scatter.add.f32 [tilespmem:s2], [sflag:$0x4], $0x80, s11, s30, $0xb8;
	[tilespmem:$0x1E400] =	vst v63  }
0xf1: {  	_ =	swait.ge [sflag:s10], $0x4000  }
0xf2: {  	[sflag:s10] =	ssyncset.done $0x0  }
0xf3: {  	[sflag:s10] =	ssyncadd.s32 $0xFFFFC000  }
0xf4: {  	[tilespmem:s26], [sflag:$0x1] =	stream.indirect.gather [hbm4b:s0+s30], $0x80, s12, s30, $0xb8;
	[tilespmem:$0x1E400] =	vst v63  }
0xf5: {  	_ =	swait.ge [sflag:s31], $0x4000  }
0xf6: {  	[sflag:s31] =	ssyncset.done $0x0  }
0xf7: {  	[sflag:s31] =	ssyncadd.s32 $0xFFFFC000  }
0xf8: {  	[spmem:s3] =	stream.indirect.scatter.add.f32 [tilespmem:s26], [sflag:$0x3], $0x80, s14, s30, $0xb8;
	[tilespmem:$0x1E400] =	vst v63  }
0xf9: {  	_ =	swait.ge [sflag:s13], $0x4000  }
0xfa: {  	[sflag:s13] =	ssyncset.done $0x0  }
0xfb: {  	[sflag:s13] =	ssyncadd.s32 $0xFFFFC000  }
0xfc: {  	[tilespmem:s2], [sflag:$0x2] =	stream.indirect.gather [hbm4b:s0+s30], $0x80, s15, s30, $0xb8;
	[tilespmem:$0x1E400] =	vst v63  }
0xfd: {  	_ =	swait.ge [sflag:s1], $0x4000  }
0xfe: {  	[sflag:s1] =	ssyncset.done $0x0  }
0xff: {  	[sflag:s1] =	ssyncadd.s32 $0xFFFFC000  }
0x100: {  	[spmem:s3] =	stream.indirect.scatter.add.f32 [tilespmem:s2], [sflag:$0x4], $0x80, s16, s30, $0xb8;
	[tilespmem:$0x1E400] =	vst v63  }
0x101: {  	_ =	swait.ge [sflag:s10], $0x4000  }
0x102: {  	[sflag:s10] =	ssyncset.done $0x0  }
0x103: {  	[sflag:s10] =	ssyncadd.s32 $0xFFFFC000  }
0x104: {  	[tilespmem:s26], [sflag:$0x1] =	stream.indirect.gather [hbm4b:s0+s30], $0x80, s17, s30, $0xb8;
	[tilespmem:$0x1E400] =	vst v63  }
0x105: {  	_ =	swait.ge [sflag:s31], $0x4000  }
0x106: {  	[sflag:s31] =	ssyncset.done $0x0  }
0x107: {  	[sflag:s31] =	ssyncadd.s32 $0xFFFFC000  }
0x108: {  	[spmem:s3] =	stream.indirect.scatter.add.f32 [tilespmem:s26], [sflag:$0x3], $0x80, s18, s30, $0xb8;
	[tilespmem:$0x1E400] =	vst v63  }
0x109: {  	_ =	swait.ge [sflag:s13], $0x4000  }
0x10a: {  	[sflag:s13] =	ssyncset.done $0x0  }
0x10b: {  	[sflag:s13] =	ssyncadd.s32 $0xFFFFC000  }
0x10c: {  	[tilespmem:s2], [sflag:$0x2] =	stream.indirect.gather [hbm4b:s0+s30], $0x80, s19, s30, $0xb8;
	[tilespmem:$0x1E400] =	vst v63  }
0x10d: {  	_ =	swait.ge [sflag:s1], $0x4000  }
0x10e: {  	[sflag:s1] =	ssyncset.done $0x0  }
0x10f: {  	[sflag:s1] =	ssyncadd.s32 $0xFFFFC000  }
0x110: {  	[spmem:s3] =	stream.indirect.scatter.add.f32 [tilespmem:s2], [sflag:$0x4], $0x80, s20, s30, $0xb8;
	[tilespmem:$0x1E400] =	vst v63  }
0x111: {  	_ =	swait.ge [sflag:s10], $0x4000  }
0x112: {  	[sflag:s10] =	ssyncset.done $0x0  }
0x113: {  	[sflag:s10] =	ssyncadd.s32 $0xFFFFC000  }
0x114: {  	[tilespmem:s26], [sflag:$0x1] =	stream.indirect.gather [hbm4b:s0+s30], $0x80, s21, s30, $0xb8;
	[tilespmem:$0x1E400] =	vst v63  }
0x115: {  	_ =	swait.ge [sflag:s31], $0x4000  }
0x116: {  	[sflag:s31] =	ssyncset.done $0x0  }
0x117: {  	[sflag:s31] =	ssyncadd.s32 $0xFFFFC000  }
0x118: {  	[spmem:s3] =	stream.indirect.scatter.add.f32 [tilespmem:s26], [sflag:$0x3], $0x80, s22, s30, $0xb8;
	[tilespmem:$0x1E400] =	vst v63  }
0x119: {  	_ =	swait.ge [sflag:s13], $0x4000  }
0x11a: {  	[sflag:s13] =	ssyncset.done $0x0  }
0x11b: {  	[sflag:s13] =	ssyncadd.s32 $0xFFFFC000  }
0x11c: {  	[tilespmem:s2], [sflag:$0x2] =	stream.indirect.gather [hbm4b:s0+s30], $0x80, s23, s30, $0xb8;
	[tilespmem:$0x1E400] =	vst v63  }
0x11d: {  	_ =	swait.ge [sflag:s1], $0x4000  }
0x11e: {  	[sflag:s1] =	ssyncset.done $0x0  }
0x11f: {  	s25 =	simm.s32 $0xB80;
	[sflag:s1] =	ssyncadd.s32 $0xFFFFC000  }
0x120: {  	[spmem:s3] =	stream.indirect.scatter.add.f32 [tilespmem:s2], [sflag:$0x4], $0x80, s25, s30, $0xb8;
	[tilespmem:$0x1E400] =	vst v63  }
0x121: {  	_ =	swait.ge [sflag:s10], $0x4000  }
0x122: {  	[sflag:s10] =	ssyncset.done $0x0  }
0x123: {  	s25 =	rddreg [dreg:$0x7];
	[sflag:s10] =	ssyncadd.s32 $0xFFFFC000  }
0x124: {  	[tilespmem:s26], [sflag:$0x1] =	stream.indirect.gather [hbm4b:s0+s30], $0x80, s25, s30, $0xb8;
	[tilespmem:$0x1E400] =	vst v63  }
0x125: {  	_ =	swait.ge [sflag:s31], $0x4000  }
0x126: {  	[sflag:s31] =	ssyncset.done $0x0  }
0x127: {  	s25 =	rddreg [dreg:$0x8];
	[sflag:s31] =	ssyncadd.s32 $0xFFFFC000  }
0x128: {  	[spmem:s3] =	stream.indirect.scatter.add.f32 [tilespmem:s26], [sflag:$0x3], $0x80, s25, s30, $0xb8;
	[tilespmem:$0x1E400] =	vst v63  }
0x129: {  	_ =	swait.ge [sflag:s13], $0x4000  }
0x12a: {  	[sflag:s13] =	ssyncset.done $0x0  }
0x12b: {  	s25 =	rddreg [dreg:$0x9];
	[sflag:s13] =	ssyncadd.s32 $0xFFFFC000  }
0x12c: {  	[tilespmem:s2], [sflag:$0x2] =	stream.indirect.gather [hbm4b:s0+s30], $0x80, s25, s30, $0xb8;
	[tilespmem:$0x1E400] =	vst v63  }
0x12d: {  	_ =	swait.ge [sflag:s1], $0x4000  }
0x12e: {  	[sflag:s1] =	ssyncset.done $0x0  }
0x12f: {  	s25 =	rddreg [dreg:$0xa];
	[sflag:s1] =	ssyncadd.s32 $0xFFFFC000  }
0x130: {  	[spmem:s3] =	stream.indirect.scatter.add.f32 [tilespmem:s2], [sflag:$0x4], $0x80, s25, s30, $0xb8;
	[tilespmem:$0x1E400] =	vst v63  }
0x131: {  	_ =	swait.ge [sflag:s10], $0x4000  }
0x132: {  	[sflag:s10] =	ssyncset.done $0x0  }
0x133: {  	s25 =	rddreg [dreg:$0xb];
	[sflag:s10] =	ssyncadd.s32 $0xFFFFC000  }
0x134: {  	[tilespmem:s26], [sflag:$0x1] =	stream.indirect.gather [hbm4b:s0+s30], $0x80, s25, s30, $0xb8;
	[tilespmem:$0x1E400] =	vst v63  }
0x135: {  	_ =	swait.ge [sflag:s31], $0x4000  }
0x136: {  	[sflag:s31] =	ssyncset.done $0x0  }
0x137: {  	s25 =	rddreg [dreg:$0xc];
	[sflag:s31] =	ssyncadd.s32 $0xFFFFC000  }
0x138: {  	[spmem:s3] =	stream.indirect.scatter.add.f32 [tilespmem:s26], [sflag:$0x3], $0x80, s25, s30, $0xb8;
	[tilespmem:$0x1E400] =	vst v63  }
0x139: {  	_ =	swait.ge [sflag:s13], $0x4000  }
0x13a: {  	[sflag:s13] =	ssyncset.done $0x0  }
0x13b: {  	s25 =	rddreg [dreg:$0xd];
	[sflag:s13] =	ssyncadd.s32 $0xFFFFC000  }
0x13c: {  	[tilespmem:s2], [sflag:$0x2] =	stream.indirect.gather [hbm4b:s0+s30], $0x80, s25, s30, $0xb8;
	[tilespmem:$0x1E400] =	vst v63  }
0x13d: {  	_ =	swait.ge [sflag:s1], $0x4000  }
0x13e: {  	[sflag:s1] =	ssyncset.done $0x0  }
0x13f: {  	s25 =	rddreg [dreg:$0xe];
	[sflag:s1] =	ssyncadd.s32 $0xFFFFC000  }
0x140: {  	[spmem:s3] =	stream.indirect.scatter.add.f32 [tilespmem:s2], [sflag:$0x4], $0x80, s25, s30, $0xb8;
	[tilespmem:$0x1E400] =	vst v63  }
0x141: {  	_ =	swait.ge [sflag:s10], $0x4000  }
0x142: {  	[sflag:s10] =	ssyncset.done $0x0  }
0x143: {  	s25 =	rddreg [dreg:$0xf];
	[sflag:s10] =	ssyncadd.s32 $0xFFFFC000  }
0x144: {  	[tilespmem:s26], [sflag:$0x1] =	stream.indirect.gather [hbm4b:s0+s30], $0x80, s25, s30, $0xb8;
	[tilespmem:$0x1E400] =	vst v63  }
0x145: {  	_ =	swait.ge [sflag:s31], $0x4000  }
0x146: {  	[sflag:s31] =	ssyncset.done $0x0  }
0x147: {  	s25 =	rddreg [dreg:$0x10];
	[sflag:s31] =	ssyncadd.s32 $0xFFFFC000  }
0x148: {  	[spmem:s3] =	stream.indirect.scatter.add.f32 [tilespmem:s26], [sflag:$0x3], $0x80, s25, s30, $0xb8;
	[tilespmem:$0x1E400] =	vst v63  }
0x149: {  	_ =	swait.ge [sflag:s13], $0x4000  }
0x14a: {  	[sflag:s13] =	ssyncset.done $0x0  }
0x14b: {  	s25 =	rddreg [dreg:$0x11];
	[sflag:s13] =	ssyncadd.s32 $0xFFFFC000  }
0x14c: {  	[tilespmem:s2], [sflag:$0x2] =	stream.indirect.gather [hbm4b:s0+s30], $0x80, s25, s30, $0xb8;
	[tilespmem:$0x1E400] =	vst v63  }
0x14d: {  	_ =	swait.ge [sflag:s1], $0x4000  }
0x14e: {  	[sflag:s1] =	ssyncset.done $0x0  }
0x14f: {  	s25 =	rddreg [dreg:$0x12];
	[sflag:s1] =	ssyncadd.s32 $0xFFFFC000  }
0x150: {  	[spmem:s3] =	stream.indirect.scatter.add.f32 [tilespmem:s2], [sflag:$0x4], $0x80, s25, s30, $0xb8;
	[tilespmem:$0x1E400] =	vst v63  }
0x151: {  	_ =	swait.ge [sflag:s10], $0x4000  }
0x152: {  	[sflag:s10] =	ssyncset.done $0x0  }
0x153: {  	s25 =	rddreg [dreg:$0x13];
	[sflag:s10] =	ssyncadd.s32 $0xFFFFC000  }
0x154: {  	[tilespmem:s26], [sflag:$0x1] =	stream.indirect.gather [hbm4b:s0+s30], $0x80, s25, s30, $0xb8;
	[tilespmem:$0x1E400] =	vst v63  }
0x155: {  	_ =	swait.ge [sflag:s31], $0x4000  }
0x156: {  	[sflag:s31] =	ssyncset.done $0x0  }
0x157: {  	s25 =	rddreg [dreg:$0x14];
	[sflag:s31] =	ssyncadd.s32 $0xFFFFC000  }
0x158: {  	[spmem:s3] =	stream.indirect.scatter.add.f32 [tilespmem:s26], [sflag:$0x3], $0x80, s25, s30, $0xb8;
	[tilespmem:$0x1E400] =	vst v63  }
0x159: {  	_ =	swait.ge [sflag:s13], $0x4000  }
0x15a: {  	[sflag:s13] =	ssyncset.done $0x0  }
0x15b: {  	s25 =	simm.s32 $0x780;
	[sflag:s13] =	ssyncadd.s32 $0xFFFFC000  }
0x15c: {  	[tilespmem:s2], [sflag:$0x2] =	stream.indirect.gather [hbm4b:s0+s30], $0x80, s25, s30, $0xb8;
	[tilespmem:$0x1E400] =	vst v63  }
0x15d: {  	_ =	swait.ge [sflag:s1], $0x4000  }
0x15e: {  	[sflag:s1] =	ssyncset.done $0x0  }
0x15f: {  	p0 =	sne.s32 s9, $0x400;
	s25 =	simm.s32 $0xF80;
	[sflag:s1] =	ssyncadd.s32 $0xFFFFC000  }
0x160: {  	[spmem:s3] =	stream.indirect.scatter.add.f32 [tilespmem:s2], [sflag:$0x4], $0x80, s25, s30, $0xb8;
	[tilespmem:$0x1E400] =	vst v63  }
.Ltmp0:
0x161: {  	_ =	swait.ge [sflag:s10], $0x4000;
	(pc) =	sbr.rel @p0 .LBB2_2-.Ltmp0, $4  }
0x162: {  	[sflag:s10] =	ssyncset.done $0x0  }
0x163: {  	[sflag:s10] =	ssyncadd.s32 $0xFFFFC000  }
0x164: {  	s7 =	smov.u32 s9;
	s9 =	sadd.s32 $0x100, s9;
	_ =	swait.ge [sflag:s13], $0x4000  }
0x165: {  	s24 =	smov.u32 s7;
	s25 =	rddreg [dreg:$0x5];
	[sflag:s13] =	ssyncset.done $0x0  }
0x166: {  	[sflag:s13] =	ssyncadd.s32 $0xFFFFC000;
	s7 =	sadd.s32 s24, s25  }
0x167: {  	[tilespmem:s8], [sflag:$0x5] =	stream.linear.gather [hbm4b:s7+s8], $0x800, $0x38;
	[tilespmem:$0x1E400] =	vst v63  }
0x168: {  	_ =	swait.ge [sflag:s28], $0x800  }
0x169: {  	s9 =	rddreg [dreg:$0x6];
	[sflag:s28] =	ssyncset.done $0x0  }
0x16a: {  	s7 =	sadd.s32 s24, s9;
	[sflag:s28] =	ssyncadd.s32 $0xFFFFF800  }
0x16b: {  	[tilespmem:s29], [sflag:$0x5] =	stream.linear.gather [hbm4b:s7+s8], $0x800, $0x38;
	[tilespmem:$0x1E400] =	vst v63  }
0x16c: {  	_ =	swait.ge [sflag:s28], $0x800  }
0x16d: {  	[sflag:s28] =	ssyncset.done $0x0  }
0x16e: {  	[sflag:s28] =	ssyncadd.s32 $0xFFFFF800  }
0x16f: {  	[tilespmem:s26], [sflag:$0x1] =	stream.indirect.gather [hbm4b:s0+s30], $0x80, s8, s30, $0xb8;
	[tilespmem:$0x1E400] =	vst v63  }
0x170: {  	_ =	swait.ge [sflag:s31], $0x4000  }
0x171: {  	[sflag:s31] =	ssyncset.done $0x0  }
0x172: {  	[sflag:s31] =	ssyncadd.s32 $0xFFFFC000  }
0x173: {  	[spmem:s3] =	stream.indirect.scatter.add.f32 [tilespmem:s26], [sflag:$0x3], $0x80, s29, s30, $0xb8;
	[tilespmem:$0x1E400] =	vst v63  }
0x174: {  	_ = 	snop  }
0x175: {  	[tilespmem:s2], [sflag:$0x2] =	stream.indirect.gather [hbm4b:s0+s30], $0x80, s30, s30, $0xb8;
	[tilespmem:$0x1E400] =	vst v63  }
0x176: {  	_ =	swait.ge [sflag:s1], $0x4000  }
0x177: {  	[sflag:s1] =	ssyncset.done $0x0  }
0x178: {  	[sflag:s1] =	ssyncadd.s32 $0xFFFFC000  }
0x179: {  	[spmem:s3] =	stream.indirect.scatter.add.f32 [tilespmem:s2], [sflag:$0x4], $0x80, s11, s30, $0xb8;
	[tilespmem:$0x1E400] =	vst v63  }
0x17a: {  	_ =	swait.ge [sflag:s10], $0x4000  }
0x17b: {  	[sflag:s10] =	ssyncset.done $0x0  }
0x17c: {  	[sflag:s10] =	ssyncadd.s32 $0xFFFFC000  }
0x17d: {  	[tilespmem:s26], [sflag:$0x1] =	stream.indirect.gather [hbm4b:s0+s30], $0x80, s12, s30, $0xb8;
	[tilespmem:$0x1E400] =	vst v63  }
0x17e: {  	_ =	swait.ge [sflag:s31], $0x4000  }
0x17f: {  	[sflag:s31] =	ssyncset.done $0x0  }
0x180: {  	[sflag:s31] =	ssyncadd.s32 $0xFFFFC000  }
0x181: {  	[spmem:s3] =	stream.indirect.scatter.add.f32 [tilespmem:s26], [sflag:$0x3], $0x80, s14, s30, $0xb8;
	[tilespmem:$0x1E400] =	vst v63  }
0x182: {  	_ =	swait.ge [sflag:s13], $0x4000  }
0x183: {  	[sflag:s13] =	ssyncset.done $0x0  }
0x184: {  	[sflag:s13] =	ssyncadd.s32 $0xFFFFC000  }
0x185: {  	[tilespmem:s2], [sflag:$0x2] =	stream.indirect.gather [hbm4b:s0+s30], $0x80, s15, s30, $0xb8;
	[tilespmem:$0x1E400] =	vst v63  }
0x186: {  	_ =	swait.ge [sflag:s1], $0x4000  }
0x187: {  	[sflag:s1] =	ssyncset.done $0x0  }
0x188: {  	[sflag:s1] =	ssyncadd.s32 $0xFFFFC000  }
0x189: {  	[spmem:s3] =	stream.indirect.scatter.add.f32 [tilespmem:s2], [sflag:$0x4], $0x80, s16, s30, $0xb8;
	[tilespmem:$0x1E400] =	vst v63  }
0x18a: {  	_ =	swait.ge [sflag:s10], $0x4000  }
0x18b: {  	[sflag:s10] =	ssyncset.done $0x0  }
0x18c: {  	[sflag:s10] =	ssyncadd.s32 $0xFFFFC000  }
0x18d: {  	[tilespmem:s26], [sflag:$0x1] =	stream.indirect.gather [hbm4b:s0+s30], $0x80, s17, s30, $0xb8;
	[tilespmem:$0x1E400] =	vst v63  }
0x18e: {  	_ =	swait.ge [sflag:s31], $0x4000  }
0x18f: {  	[sflag:s31] =	ssyncset.done $0x0  }
0x190: {  	[sflag:s31] =	ssyncadd.s32 $0xFFFFC000  }
0x191: {  	[spmem:s3] =	stream.indirect.scatter.add.f32 [tilespmem:s26], [sflag:$0x3], $0x80, s18, s30, $0xb8;
	[tilespmem:$0x1E400] =	vst v63  }
0x192: {  	_ =	swait.ge [sflag:s13], $0x4000  }
0x193: {  	[sflag:s13] =	ssyncset.done $0x0  }
0x194: {  	[sflag:s13] =	ssyncadd.s32 $0xFFFFC000  }
0x195: {  	[tilespmem:s2], [sflag:$0x2] =	stream.indirect.gather [hbm4b:s0+s30], $0x80, s19, s30, $0xb8;
	[tilespmem:$0x1E400] =	vst v63  }
0x196: {  	_ =	swait.ge [sflag:s1], $0x4000  }
0x197: {  	[sflag:s1] =	ssyncset.done $0x0  }
0x198: {  	[sflag:s1] =	ssyncadd.s32 $0xFFFFC000  }
0x199: {  	[spmem:s3] =	stream.indirect.scatter.add.f32 [tilespmem:s2], [sflag:$0x4], $0x80, s20, s30, $0xb8;
	[tilespmem:$0x1E400] =	vst v63  }
0x19a: {  	_ =	swait.ge [sflag:s10], $0x4000  }
0x19b: {  	[sflag:s10] =	ssyncset.done $0x0  }
0x19c: {  	[sflag:s10] =	ssyncadd.s32 $0xFFFFC000  }
0x19d: {  	[tilespmem:s26], [sflag:$0x1] =	stream.indirect.gather [hbm4b:s0+s30], $0x80, s21, s30, $0xb8;
	[tilespmem:$0x1E400] =	vst v63  }
0x19e: {  	_ =	swait.ge [sflag:s31], $0x4000  }
0x19f: {  	[sflag:s31] =	ssyncset.done $0x0  }
0x1a0: {  	[sflag:s31] =	ssyncadd.s32 $0xFFFFC000  }
0x1a1: {  	[spmem:s3] =	stream.indirect.scatter.add.f32 [tilespmem:s26], [sflag:$0x3], $0x80, s22, s30, $0xb8;
	[tilespmem:$0x1E400] =	vst v63  }
0x1a2: {  	_ =	swait.ge [sflag:s13], $0x4000  }
0x1a3: {  	[sflag:s13] =	ssyncset.done $0x0  }
0x1a4: {  	[sflag:s13] =	ssyncadd.s32 $0xFFFFC000  }
0x1a5: {  	[tilespmem:s2], [sflag:$0x2] =	stream.indirect.gather [hbm4b:s0+s30], $0x80, s23, s30, $0xb8;
	[tilespmem:$0x1E400] =	vst v63  }
0x1a6: {  	_ =	swait.ge [sflag:s1], $0x4000  }
0x1a7: {  	[sflag:s1] =	ssyncset.done $0x0  }
0x1a8: {  	s24 =	simm.s32 $0xB80;
	[sflag:s1] =	ssyncadd.s32 $0xFFFFC000  }
0x1a9: {  	[spmem:s3] =	stream.indirect.scatter.add.f32 [tilespmem:s2], [sflag:$0x4], $0x80, s24, s30, $0xb8;
	[tilespmem:$0x1E400] =	vst v63  }
0x1aa: {  	_ =	swait.ge [sflag:s10], $0x4000  }
0x1ab: {  	[sflag:s10] =	ssyncset.done $0x0  }
0x1ac: {  	s25 =	rddreg [dreg:$0x7];
	[sflag:s10] =	ssyncadd.s32 $0xFFFFC000  }
0x1ad: {  	[tilespmem:s26], [sflag:$0x1] =	stream.indirect.gather [hbm4b:s0+s30], $0x80, s25, s30, $0xb8;
	[tilespmem:$0x1E400] =	vst v63  }
0x1ae: {  	_ =	swait.ge [sflag:s31], $0x4000  }
0x1af: {  	[sflag:s31] =	ssyncset.done $0x0  }
0x1b0: {  	s9 =	rddreg [dreg:$0x8];
	[sflag:s31] =	ssyncadd.s32 $0xFFFFC000  }
0x1b1: {  	[spmem:s3] =	stream.indirect.scatter.add.f32 [tilespmem:s26], [sflag:$0x3], $0x80, s9, s30, $0xb8;
	[tilespmem:$0x1E400] =	vst v63  }
0x1b2: {  	_ =	swait.ge [sflag:s13], $0x4000  }
0x1b3: {  	[sflag:s13] =	ssyncset.done $0x0  }
0x1b4: {  	s24 =	rddreg [dreg:$0x9];
	[sflag:s13] =	ssyncadd.s32 $0xFFFFC000  }
0x1b5: {  	[tilespmem:s2], [sflag:$0x2] =	stream.indirect.gather [hbm4b:s0+s30], $0x80, s24, s30, $0xb8;
	[tilespmem:$0x1E400] =	vst v63  }
0x1b6: {  	_ =	swait.ge [sflag:s1], $0x4000  }
0x1b7: {  	[sflag:s1] =	ssyncset.done $0x0  }
0x1b8: {  	s25 =	rddreg [dreg:$0xa];
	[sflag:s1] =	ssyncadd.s32 $0xFFFFC000  }
0x1b9: {  	[spmem:s3] =	stream.indirect.scatter.add.f32 [tilespmem:s2], [sflag:$0x4], $0x80, s25, s30, $0xb8;
	[tilespmem:$0x1E400] =	vst v63  }
0x1ba: {  	_ =	swait.ge [sflag:s10], $0x4000  }
0x1bb: {  	[sflag:s10] =	ssyncset.done $0x0  }
0x1bc: {  	s9 =	rddreg [dreg:$0xb];
	[sflag:s10] =	ssyncadd.s32 $0xFFFFC000  }
0x1bd: {  	[tilespmem:s26], [sflag:$0x1] =	stream.indirect.gather [hbm4b:s0+s30], $0x80, s9, s30, $0xb8;
	[tilespmem:$0x1E400] =	vst v63  }
0x1be: {  	_ =	swait.ge [sflag:s31], $0x4000  }
0x1bf: {  	[sflag:s31] =	ssyncset.done $0x0  }
0x1c0: {  	s24 =	rddreg [dreg:$0xc];
	[sflag:s31] =	ssyncadd.s32 $0xFFFFC000  }
0x1c1: {  	[spmem:s3] =	stream.indirect.scatter.add.f32 [tilespmem:s26], [sflag:$0x3], $0x80, s24, s30, $0xb8;
	[tilespmem:$0x1E400] =	vst v63  }
0x1c2: {  	_ =	swait.ge [sflag:s13], $0x4000  }
0x1c3: {  	[sflag:s13] =	ssyncset.done $0x0  }
0x1c4: {  	s25 =	rddreg [dreg:$0xd];
	[sflag:s13] =	ssyncadd.s32 $0xFFFFC000  }
0x1c5: {  	[tilespmem:s2], [sflag:$0x2] =	stream.indirect.gather [hbm4b:s0+s30], $0x80, s25, s30, $0xb8;
	[tilespmem:$0x1E400] =	vst v63  }
0x1c6: {  	_ =	swait.ge [sflag:s1], $0x4000  }
0x1c7: {  	[sflag:s1] =	ssyncset.done $0x0  }
0x1c8: {  	s9 =	rddreg [dreg:$0xe];
	[sflag:s1] =	ssyncadd.s32 $0xFFFFC000  }
0x1c9: {  	[spmem:s3] =	stream.indirect.scatter.add.f32 [tilespmem:s2], [sflag:$0x4], $0x80, s9, s30, $0xb8;
	[tilespmem:$0x1E400] =	vst v63  }
0x1ca: {  	_ =	swait.ge [sflag:s10], $0x4000  }
0x1cb: {  	[sflag:s10] =	ssyncset.done $0x0  }
0x1cc: {  	s24 =	rddreg [dreg:$0xf];
	[sflag:s10] =	ssyncadd.s32 $0xFFFFC000  }
0x1cd: {  	[tilespmem:s26], [sflag:$0x1] =	stream.indirect.gather [hbm4b:s0+s30], $0x80, s24, s30, $0xb8;
	[tilespmem:$0x1E400] =	vst v63  }
0x1ce: {  	_ =	swait.ge [sflag:s31], $0x4000  }
0x1cf: {  	[sflag:s31] =	ssyncset.done $0x0  }
0x1d0: {  	s25 =	rddreg [dreg:$0x10];
	[sflag:s31] =	ssyncadd.s32 $0xFFFFC000  }
0x1d1: {  	[spmem:s3] =	stream.indirect.scatter.add.f32 [tilespmem:s26], [sflag:$0x3], $0x80, s25, s30, $0xb8;
	[tilespmem:$0x1E400] =	vst v63  }
0x1d2: {  	_ =	swait.ge [sflag:s13], $0x4000  }
0x1d3: {  	[sflag:s13] =	ssyncset.done $0x0  }
0x1d4: {  	s9 =	rddreg [dreg:$0x11];
	[sflag:s13] =	ssyncadd.s32 $0xFFFFC000  }
0x1d5: {  	[tilespmem:s2], [sflag:$0x2] =	stream.indirect.gather [hbm4b:s0+s30], $0x80, s9, s30, $0xb8;
	[tilespmem:$0x1E400] =	vst v63  }
0x1d6: {  	_ =	swait.ge [sflag:s1], $0x4000  }
0x1d7: {  	[sflag:s1] =	ssyncset.done $0x0  }
0x1d8: {  	s24 =	rddreg [dreg:$0x12];
	[sflag:s1] =	ssyncadd.s32 $0xFFFFC000  }
0x1d9: {  	[spmem:s3] =	stream.indirect.scatter.add.f32 [tilespmem:s2], [sflag:$0x4], $0x80, s24, s30, $0xb8;
	[tilespmem:$0x1E400] =	vst v63  }
0x1da: {  	_ =	swait.ge [sflag:s10], $0x4000  }
0x1db: {  	[sflag:s10] =	ssyncset.done $0x0  }
0x1dc: {  	s25 =	rddreg [dreg:$0x13];
	[sflag:s10] =	ssyncadd.s32 $0xFFFFC000  }
0x1dd: {  	[tilespmem:s26], [sflag:$0x1] =	stream.indirect.gather [hbm4b:s0+s30], $0x80, s25, s30, $0xb8;
	[tilespmem:$0x1E400] =	vst v63  }
0x1de: {  	_ =	swait.ge [sflag:s31], $0x4000  }
0x1df: {  	[sflag:s31] =	ssyncset.done $0x0  }
0x1e0: {  	s9 =	rddreg [dreg:$0x14];
	[sflag:s31] =	ssyncadd.s32 $0xFFFFC000  }
0x1e1: {  	[spmem:s3] =	stream.indirect.scatter.add.f32 [tilespmem:s26], [sflag:$0x3], $0x80, s9, s30, $0xb8;
	[tilespmem:$0x1E400] =	vst v63  }
0x1e2: {  	_ =	swait.ge [sflag:s13], $0x4000  }
0x1e3: {  	[sflag:s13] =	ssyncset.done $0x0  }
0x1e4: {  	s24 =	simm.s32 $0x780;
	[sflag:s13] =	ssyncadd.s32 $0xFFFFC000  }
0x1e5: {  	[tilespmem:s2], [sflag:$0x2] =	stream.indirect.gather [hbm4b:s0+s30], $0x80, s24, s30, $0xb8;
	[tilespmem:$0x1E400] =	vst v63  }
0x1e6: {  	_ =	swait.ge [sflag:s1], $0x4000  }
0x1e7: {  	[sflag:s1] =	ssyncset.done $0x0  }
0x1e8: {  	s25 =	simm.s32 $0xF80;
	[sflag:s1] =	ssyncadd.s32 $0xFFFFC000  }
0x1e9: {  	[spmem:s3] =	stream.indirect.scatter.add.f32 [tilespmem:s2], [sflag:$0x4], $0x80, s25, s30, $0xb8;
	[tilespmem:$0x1E400] =	vst v63  }
0x1ea: {  	p1 =	por $0x1, $0x1;
	_ =	swait.ge [sflag:s10], $0x4000  }
.Ltmp1:
0x1eb: {  	[sflag:s10] =	ssyncset.done $0x0;
	(pc) =	sbr.rel @!p1 .LBB2_8-.Ltmp1, $4  }
0x1ec: {  	[sflag:s10] =	ssyncadd.s32 $0xFFFFC000  }
0x1ed: {  	_ =	swait.ge [sflag:s13], $0x4000  }
0x1ee: {  	p0 =	por $0x0, $0x0;
	[sflag:s13] =	ssyncset.done $0x0;
	s25 =	rddreg [dreg:$0x16]  }
0x1ef: {  	s9 =	simm.s32 $0x80;
	s24 =	sld [smem:$0x7F4];
	[sflag:s13] =	ssyncadd.s32 $0xFFFFC000  }
0x1f0: {  	s7 =	sadd.s32 $0x0, s25  }
0x1f1: {  	[tilespmem:s5], [sflag:$0x5] =	stream.linear.gather [hbm4b:s7+s5], $0x400, $0x38;
	[tilespmem:$0x1E400] =	vst v63  }
0x1f2: {  	_ =	swait.ge [sflag:s28], $0x400  }
0x1f3: {  	s8 =	rddreg [dreg:$0x15];
	[sflag:s28] =	ssyncset.done $0x0  }
0x1f4: {  	[sflag:s28] =	ssyncadd.s32 $0xFFFFFC00;
	s7 =	sadd.s32 $0x0, s8  }
0x1f5: {  	[tilespmem:s29], [sflag:$0x5] =	stream.linear.gather [hbm4b:s7+s5], $0x400, $0x38;
	[tilespmem:$0x1E400] =	vst v63  }
0x1f6: {  	_ =	swait.ge [sflag:s28], $0x400  }
0x1f7: {  	[sflag:s28] =	ssyncset.done $0x0  }
0x1f8: {  	[sflag:s28] =	ssyncadd.s32 $0xFFFFFC00  }
0x1f9: {  	[tilespmem:s26], [sflag:$0x1] =	stream.indirect.gather [hbm4b:s6+s30], $0x80, s5, s30, $0xb8;
	[tilespmem:$0x1E400] =	vst v63  }
0x1fa: {  	_ =	swait.ge [sflag:s31], $0x4000  }
0x1fb: {  	[sflag:s31] =	ssyncset.done $0x0  }
0x1fc: {  	[sflag:s31] =	ssyncadd.s32 $0xFFFFC000  }
0x1fd: {  	[spmem:s4] =	stream.indirect.scatter.add.f32 [tilespmem:s26], [sflag:$0x3], $0x80, s29, s30, $0xb8;
	[tilespmem:$0x1E400] =	vst v63  }
0x1fe: {  	_ = 	snop  }
0x1ff: {  	[tilespmem:s2], [sflag:$0x2] =	stream.indirect.gather [hbm4b:s6+s30], $0x80, s30, s30, $0xb8;
	[tilespmem:$0x1E400] =	vst v63  }
0x200: {  	_ =	swait.ge [sflag:s1], $0x4000  }
0x201: {  	[sflag:s1] =	ssyncset.done $0x0  }
0x202: {  	[sflag:s1] =	ssyncadd.s32 $0xFFFFC000  }
0x203: {  	[spmem:s4] =	stream.indirect.scatter.add.f32 [tilespmem:s2], [sflag:$0x4], $0x80, s11, s30, $0xb8;
	[tilespmem:$0x1E400] =	vst v63  }
0x204: {  	_ =	swait.ge [sflag:s10], $0x4000  }
0x205: {  	[sflag:s10] =	ssyncset.done $0x0  }
0x206: {  	[sflag:s10] =	ssyncadd.s32 $0xFFFFC000  }
0x207: {  	[tilespmem:s26], [sflag:$0x1] =	stream.indirect.gather [hbm4b:s6+s30], $0x80, s12, s30, $0xb8;
	[tilespmem:$0x1E400] =	vst v63  }
0x208: {  	_ =	swait.ge [sflag:s31], $0x4000  }
0x209: {  	[sflag:s31] =	ssyncset.done $0x0  }
0x20a: {  	[sflag:s31] =	ssyncadd.s32 $0xFFFFC000  }
0x20b: {  	[spmem:s4] =	stream.indirect.scatter.add.f32 [tilespmem:s26], [sflag:$0x3], $0x80, s14, s30, $0xb8;
	[tilespmem:$0x1E400] =	vst v63  }
0x20c: {  	_ =	swait.ge [sflag:s13], $0x4000  }
0x20d: {  	[sflag:s13] =	ssyncset.done $0x0  }
0x20e: {  	[sflag:s13] =	ssyncadd.s32 $0xFFFFC000  }
0x20f: {  	[tilespmem:s2], [sflag:$0x2] =	stream.indirect.gather [hbm4b:s6+s30], $0x80, s15, s30, $0xb8;
	[tilespmem:$0x1E400] =	vst v63  }
0x210: {  	_ =	swait.ge [sflag:s1], $0x4000  }
0x211: {  	[sflag:s1] =	ssyncset.done $0x0  }
0x212: {  	[sflag:s1] =	ssyncadd.s32 $0xFFFFC000  }
0x213: {  	[spmem:s4] =	stream.indirect.scatter.add.f32 [tilespmem:s2], [sflag:$0x4], $0x80, s16, s30, $0xb8;
	[tilespmem:$0x1E400] =	vst v63  }
0x214: {  	_ =	swait.ge [sflag:s10], $0x4000  }
0x215: {  	[sflag:s10] =	ssyncset.done $0x0  }
0x216: {  	[sflag:s10] =	ssyncadd.s32 $0xFFFFC000  }
0x217: {  	[tilespmem:s26], [sflag:$0x1] =	stream.indirect.gather [hbm4b:s6+s30], $0x80, s17, s30, $0xb8;
	[tilespmem:$0x1E400] =	vst v63  }
0x218: {  	_ =	swait.ge [sflag:s31], $0x4000  }
0x219: {  	[sflag:s31] =	ssyncset.done $0x0  }
0x21a: {  	[sflag:s31] =	ssyncadd.s32 $0xFFFFC000  }
0x21b: {  	[spmem:s4] =	stream.indirect.scatter.add.f32 [tilespmem:s26], [sflag:$0x3], $0x80, s18, s30, $0xb8;
	[tilespmem:$0x1E400] =	vst v63  }
0x21c: {  	_ =	swait.ge [sflag:s13], $0x4000  }
0x21d: {  	[sflag:s13] =	ssyncset.done $0x0  }
0x21e: {  	[sflag:s13] =	ssyncadd.s32 $0xFFFFC000  }
0x21f: {  	[tilespmem:s2], [sflag:$0x2] =	stream.indirect.gather [hbm4b:s6+s30], $0x80, s19, s30, $0xb8;
	[tilespmem:$0x1E400] =	vst v63  }
0x220: {  	_ =	swait.ge [sflag:s1], $0x4000  }
0x221: {  	[sflag:s1] =	ssyncset.done $0x0  }
0x222: {  	[sflag:s1] =	ssyncadd.s32 $0xFFFFC000  }
0x223: {  	[spmem:s4] =	stream.indirect.scatter.add.f32 [tilespmem:s2], [sflag:$0x4], $0x80, s20, s30, $0xb8;
	[tilespmem:$0x1E400] =	vst v63  }
0x224: {  	_ =	swait.ge [sflag:s10], $0x4000  }
0x225: {  	[sflag:s10] =	ssyncset.done $0x0  }
0x226: {  	[sflag:s10] =	ssyncadd.s32 $0xFFFFC000  }
0x227: {  	[tilespmem:s26], [sflag:$0x1] =	stream.indirect.gather [hbm4b:s6+s30], $0x80, s21, s30, $0xb8;
	[tilespmem:$0x1E400] =	vst v63  }
0x228: {  	_ =	swait.ge [sflag:s31], $0x4000  }
0x229: {  	[sflag:s31] =	ssyncset.done $0x0  }
0x22a: {  	[sflag:s31] =	ssyncadd.s32 $0xFFFFC000  }
0x22b: {  	[spmem:s4] =	stream.indirect.scatter.add.f32 [tilespmem:s26], [sflag:$0x3], $0x80, s22, s30, $0xb8;
	[tilespmem:$0x1E400] =	vst v63  }
0x22c: {  	_ =	swait.ge [sflag:s13], $0x4000  }
0x22d: {  	[sflag:s13] =	ssyncset.done $0x0  }
0x22e: {  	[sflag:s13] =	ssyncadd.s32 $0xFFFFC000  }
0x22f: {  	[tilespmem:s2], [sflag:$0x2] =	stream.indirect.gather [hbm4b:s6+s30], $0x80, s23, s30, $0xb8;
	[tilespmem:$0x1E400] =	vst v63  }
0x230: {  	_ =	swait.ge [sflag:s1], $0x4000  }
0x231: {  	[sflag:s1] =	ssyncset.done $0x0  }
0x232: {  	s24 =	simm.s32 $0xB80;
	p1 =	por $0x1, $0x1;
	[sflag:s1] =	ssyncadd.s32 $0xFFFFC000  }
0x233: {  	[spmem:s4] =	stream.indirect.scatter.add.f32 [tilespmem:s2], [sflag:$0x4], $0x80, s24, s30, $0xb8;
	[tilespmem:$0x1E400] =	vst v63  }
.Ltmp2:
0x234: {  	_ =	swait.ge [sflag:s10], $0x4000;
	(pc) =	sbr.rel @!p1 .LBB2_5-.Ltmp2, $4  }
0x235: {  	[sflag:s10] =	ssyncset.done $0x0  }
0x236: {  	[sflag:s10] =	ssyncadd.s32 $0xFFFFC000  }
0x237: {  	_ =	swait.ge [sflag:s13], $0x4000  }
0x238: {  	p0 =	por $0x1, $0x1;
	s24 =	simm.s32 $0x100;
	[sflag:s13] =	ssyncset.done $0x0  }
.LBB2_6:
0x239: {  	s7 =	sadd.s32 s9, s25;
	[sflag:s13] =	ssyncadd.s32 $0xFFFFC000  }
0x23a: {  	[tilespmem:s5], [sflag:$0x5] =	stream.linear.gather [hbm4b:s7+s5], $0x400, $0x38;
	[tilespmem:$0x1E400] =	vst v63  }
0x23b: {  	s25 =	smov.u32 s24;
	s8 =	sadd.s32 $0x80, s24;
	_ =	swait.ge [sflag:s28], $0x400  }
0x23c: {  	p1 =	sne.s32 s24, $0x200;
	s24 =	rddreg [dreg:$0x15];
	[sflag:s28] =	ssyncset.done $0x0  }
0x23d: {  	[sflag:s28] =	ssyncadd.s32 $0xFFFFFC00;
	s7 =	sadd.s32 s9, s24  }
0x23e: {  	[tilespmem:s29], [sflag:$0x5] =	stream.linear.gather [hbm4b:s7+s5], $0x400, $0x38;
	[tilespmem:$0x1E400] =	vst v63  }
0x23f: {  	s9 =	smov.u32 s25;
	s25 =	rddreg [dreg:$0x16];
	_ =	swait.ge [sflag:s28], $0x400  }
0x240: {  	[sflag:s28] =	ssyncset.done $0x0  }
0x241: {  	[sflag:s28] =	ssyncadd.s32 $0xFFFFFC00  }
0x242: {  	[tilespmem:s26], [sflag:$0x1] =	stream.indirect.gather [hbm4b:s6+s30], $0x80, s5, s30, $0xb8;
	[tilespmem:$0x1E400] =	vst v63  }
0x243: {  	_ =	swait.ge [sflag:s31], $0x4000  }
0x244: {  	[sflag:s31] =	ssyncset.done $0x0  }
0x245: {  	[sflag:s31] =	ssyncadd.s32 $0xFFFFC000  }
0x246: {  	[spmem:s4] =	stream.indirect.scatter.add.f32 [tilespmem:s26], [sflag:$0x3], $0x80, s29, s30, $0xb8;
	[tilespmem:$0x1E400] =	vst v63  }
0x247: {  	_ = 	snop  }
0x248: {  	[tilespmem:s2], [sflag:$0x2] =	stream.indirect.gather [hbm4b:s6+s30], $0x80, s30, s30, $0xb8;
	[tilespmem:$0x1E400] =	vst v63  }
0x249: {  	_ =	swait.ge [sflag:s1], $0x4000  }
0x24a: {  	[sflag:s1] =	ssyncset.done $0x0  }
0x24b: {  	[sflag:s1] =	ssyncadd.s32 $0xFFFFC000  }
0x24c: {  	[spmem:s4] =	stream.indirect.scatter.add.f32 [tilespmem:s2], [sflag:$0x4], $0x80, s11, s30, $0xb8;
	[tilespmem:$0x1E400] =	vst v63  }
0x24d: {  	_ =	swait.ge [sflag:s10], $0x4000  }
0x24e: {  	[sflag:s10] =	ssyncset.done $0x0  }
0x24f: {  	[sflag:s10] =	ssyncadd.s32 $0xFFFFC000  }
0x250: {  	[tilespmem:s26], [sflag:$0x1] =	stream.indirect.gather [hbm4b:s6+s30], $0x80, s12, s30, $0xb8;
	[tilespmem:$0x1E400] =	vst v63  }
0x251: {  	_ =	swait.ge [sflag:s31], $0x4000  }
0x252: {  	[sflag:s31] =	ssyncset.done $0x0  }
0x253: {  	[sflag:s31] =	ssyncadd.s32 $0xFFFFC000  }
0x254: {  	[spmem:s4] =	stream.indirect.scatter.add.f32 [tilespmem:s26], [sflag:$0x3], $0x80, s14, s30, $0xb8;
	[tilespmem:$0x1E400] =	vst v63  }
0x255: {  	_ =	swait.ge [sflag:s13], $0x4000  }
0x256: {  	[sflag:s13] =	ssyncset.done $0x0  }
0x257: {  	[sflag:s13] =	ssyncadd.s32 $0xFFFFC000  }
0x258: {  	[tilespmem:s2], [sflag:$0x2] =	stream.indirect.gather [hbm4b:s6+s30], $0x80, s15, s30, $0xb8;
	[tilespmem:$0x1E400] =	vst v63  }
0x259: {  	_ =	swait.ge [sflag:s1], $0x4000  }
0x25a: {  	[sflag:s1] =	ssyncset.done $0x0  }
0x25b: {  	[sflag:s1] =	ssyncadd.s32 $0xFFFFC000  }
0x25c: {  	[spmem:s4] =	stream.indirect.scatter.add.f32 [tilespmem:s2], [sflag:$0x4], $0x80, s16, s30, $0xb8;
	[tilespmem:$0x1E400] =	vst v63  }
0x25d: {  	_ =	swait.ge [sflag:s10], $0x4000  }
0x25e: {  	[sflag:s10] =	ssyncset.done $0x0  }
0x25f: {  	[sflag:s10] =	ssyncadd.s32 $0xFFFFC000  }
0x260: {  	[tilespmem:s26], [sflag:$0x1] =	stream.indirect.gather [hbm4b:s6+s30], $0x80, s17, s30, $0xb8;
	[tilespmem:$0x1E400] =	vst v63  }
0x261: {  	_ =	swait.ge [sflag:s31], $0x4000  }
0x262: {  	[sflag:s31] =	ssyncset.done $0x0  }
0x263: {  	[sflag:s31] =	ssyncadd.s32 $0xFFFFC000  }
0x264: {  	[spmem:s4] =	stream.indirect.scatter.add.f32 [tilespmem:s26], [sflag:$0x3], $0x80, s18, s30, $0xb8;
	[tilespmem:$0x1E400] =	vst v63  }
0x265: {  	_ =	swait.ge [sflag:s13], $0x4000  }
0x266: {  	[sflag:s13] =	ssyncset.done $0x0  }
0x267: {  	[sflag:s13] =	ssyncadd.s32 $0xFFFFC000  }
0x268: {  	[tilespmem:s2], [sflag:$0x2] =	stream.indirect.gather [hbm4b:s6+s30], $0x80, s19, s30, $0xb8;
	[tilespmem:$0x1E400] =	vst v63  }
0x269: {  	_ =	swait.ge [sflag:s1], $0x4000  }
0x26a: {  	[sflag:s1] =	ssyncset.done $0x0  }
0x26b: {  	[sflag:s1] =	ssyncadd.s32 $0xFFFFC000  }
0x26c: {  	[spmem:s4] =	stream.indirect.scatter.add.f32 [tilespmem:s2], [sflag:$0x4], $0x80, s20, s30, $0xb8;
	[tilespmem:$0x1E400] =	vst v63  }
0x26d: {  	_ =	swait.ge [sflag:s10], $0x4000  }
0x26e: {  	[sflag:s10] =	ssyncset.done $0x0  }
0x26f: {  	[sflag:s10] =	ssyncadd.s32 $0xFFFFC000  }
0x270: {  	[tilespmem:s26], [sflag:$0x1] =	stream.indirect.gather [hbm4b:s6+s30], $0x80, s21, s30, $0xb8;
	[tilespmem:$0x1E400] =	vst v63  }
0x271: {  	_ =	swait.ge [sflag:s31], $0x4000  }
0x272: {  	[sflag:s31] =	ssyncset.done $0x0  }
0x273: {  	[sflag:s31] =	ssyncadd.s32 $0xFFFFC000  }
0x274: {  	[spmem:s4] =	stream.indirect.scatter.add.f32 [tilespmem:s26], [sflag:$0x3], $0x80, s22, s30, $0xb8;
	[tilespmem:$0x1E400] =	vst v63  }
0x275: {  	_ =	swait.ge [sflag:s13], $0x4000  }
0x276: {  	[sflag:s13] =	ssyncset.done $0x0  }
0x277: {  	[sflag:s13] =	ssyncadd.s32 $0xFFFFC000  }
0x278: {  	[tilespmem:s2], [sflag:$0x2] =	stream.indirect.gather [hbm4b:s6+s30], $0x80, s23, s30, $0xb8;
	[tilespmem:$0x1E400] =	vst v63  }
0x279: {  	_ =	swait.ge [sflag:s1], $0x4000  }
0x27a: {  	[sflag:s1] =	ssyncset.done $0x0  }
0x27b: {  	s24 =	simm.s32 $0xB80;
	[sflag:s1] =	ssyncadd.s32 $0xFFFFC000  }
0x27c: {  	[spmem:s4] =	stream.indirect.scatter.add.f32 [tilespmem:s2], [sflag:$0x4], $0x80, s24, s30, $0xb8;
	[tilespmem:$0x1E400] =	vst v63  }
.Ltmp3:
0x27d: {  	_ =	swait.ge [sflag:s10], $0x4000;
	(pc) =	sbr.rel @p1 .LBB2_6-.Ltmp3, $4  }
0x27e: {  	[sflag:s10] =	ssyncset.done $0x0  }
0x27f: {  	[sflag:s10] =	ssyncadd.s32 $0xFFFFC000  }
0x280: {  	_ =	swait.ge [sflag:s13], $0x4000  }
0x281: {  	s24 =	smov.u32 s8;
	[sflag:s13] =	ssyncset.done $0x0  }
0x282: {  	s8 =	smov.u32 s9;
	s24 =	sld [smem:$0x7F4]  }
.LBB2_8:
0x283: {  	s7 =	sadd.s32 s8, s25;
	[sflag:s13] =	ssyncadd.s32 @p0 $0xFFFFC000  }
0x284: {  	[tilespmem:s5], [sflag:$0x5] =	stream.linear.gather [hbm4b:s7+s5], $0x400, $0x38;
	[tilespmem:$0x1E400] =	vst v63  }
0x285: {  	_ =	swait.ge [sflag:s28], $0x400  }
0x286: {  	s25 =	rddreg [dreg:$0x15];
	[sflag:s28] =	ssyncset.done $0x0  }
0x287: {  	s7 =	sadd.s32 s8, s25;
	[sflag:s28] =	ssyncadd.s32 $0xFFFFFC00  }
0x288: {  	[tilespmem:s29], [sflag:$0x5] =	stream.linear.gather [hbm4b:s7+s5], $0x400, $0x38;
	[tilespmem:$0x1E400] =	vst v63  }
0x289: {  	_ =	swait.ge [sflag:s28], $0x400  }
0x28a: {  	[sflag:s28] =	ssyncset.done $0x0  }
0x28b: {  	[sflag:s28] =	ssyncadd.s32 $0xFFFFFC00  }
0x28c: {  	[tilespmem:s26], [sflag:$0x1] =	stream.indirect.gather [hbm4b:s6+s30], $0x80, s5, s30, $0xb8;
	[tilespmem:$0x1E400] =	vst v63  }
0x28d: {  	_ =	swait.ge [sflag:s31], $0x4000  }
0x28e: {  	[sflag:s31] =	ssyncset.done $0x0  }
0x28f: {  	[sflag:s31] =	ssyncadd.s32 $0xFFFFC000  }
0x290: {  	[spmem:s4] =	stream.indirect.scatter.add.f32 [tilespmem:s26], [sflag:$0x3], $0x80, s29, s30, $0xb8;
	[tilespmem:$0x1E400] =	vst v63  }
0x291: {  	_ = 	snop  }
0x292: {  	[tilespmem:s2], [sflag:$0x2] =	stream.indirect.gather [hbm4b:s6+s30], $0x80, s30, s30, $0xb8;
	[tilespmem:$0x1E400] =	vst v63  }
0x293: {  	_ =	swait.ge [sflag:s1], $0x4000  }
0x294: {  	[sflag:s1] =	ssyncset.done $0x0  }
0x295: {  	[sflag:s1] =	ssyncadd.s32 $0xFFFFC000  }
0x296: {  	[spmem:s4] =	stream.indirect.scatter.add.f32 [tilespmem:s2], [sflag:$0x4], $0x80, s11, s30, $0xb8;
	[tilespmem:$0x1E400] =	vst v63  }
0x297: {  	_ =	swait.ge [sflag:s10], $0x4000  }
0x298: {  	[sflag:s10] =	ssyncset.done $0x0  }
0x299: {  	[sflag:s10] =	ssyncadd.s32 $0xFFFFC000  }
0x29a: {  	[tilespmem:s26], [sflag:$0x1] =	stream.indirect.gather [hbm4b:s6+s30], $0x80, s12, s30, $0xb8;
	[tilespmem:$0x1E400] =	vst v63  }
0x29b: {  	_ =	swait.ge [sflag:s31], $0x4000  }
0x29c: {  	[sflag:s31] =	ssyncset.done $0x0  }
0x29d: {  	[sflag:s31] =	ssyncadd.s32 $0xFFFFC000  }
0x29e: {  	[spmem:s4] =	stream.indirect.scatter.add.f32 [tilespmem:s26], [sflag:$0x3], $0x80, s14, s30, $0xb8;
	[tilespmem:$0x1E400] =	vst v63  }
0x29f: {  	_ =	swait.ge [sflag:s13], $0x4000  }
0x2a0: {  	[sflag:s13] =	ssyncset.done $0x0  }
0x2a1: {  	[sflag:s13] =	ssyncadd.s32 $0xFFFFC000  }
0x2a2: {  	[tilespmem:s2], [sflag:$0x2] =	stream.indirect.gather [hbm4b:s6+s30], $0x80, s15, s30, $0xb8;
	[tilespmem:$0x1E400] =	vst v63  }
0x2a3: {  	_ =	swait.ge [sflag:s1], $0x4000  }
0x2a4: {  	[sflag:s1] =	ssyncset.done $0x0  }
0x2a5: {  	[sflag:s1] =	ssyncadd.s32 $0xFFFFC000  }
0x2a6: {  	[spmem:s4] =	stream.indirect.scatter.add.f32 [tilespmem:s2], [sflag:$0x4], $0x80, s16, s30, $0xb8;
	[tilespmem:$0x1E400] =	vst v63  }
0x2a7: {  	_ =	swait.ge [sflag:s10], $0x4000  }
0x2a8: {  	[sflag:s10] =	ssyncset.done $0x0  }
0x2a9: {  	[sflag:s10] =	ssyncadd.s32 $0xFFFFC000  }
0x2aa: {  	[tilespmem:s26], [sflag:$0x1] =	stream.indirect.gather [hbm4b:s6+s30], $0x80, s17, s30, $0xb8;
	[tilespmem:$0x1E400] =	vst v63  }
0x2ab: {  	_ =	swait.ge [sflag:s31], $0x4000  }
0x2ac: {  	[sflag:s31] =	ssyncset.done $0x0  }
0x2ad: {  	[sflag:s31] =	ssyncadd.s32 $0xFFFFC000  }
0x2ae: {  	[spmem:s4] =	stream.indirect.scatter.add.f32 [tilespmem:s26], [sflag:$0x3], $0x80, s18, s30, $0xb8;
	[tilespmem:$0x1E400] =	vst v63  }
0x2af: {  	_ =	swait.ge [sflag:s13], $0x4000  }
0x2b0: {  	[sflag:s13] =	ssyncset.done $0x0  }
0x2b1: {  	[sflag:s13] =	ssyncadd.s32 $0xFFFFC000  }
0x2b2: {  	[tilespmem:s2], [sflag:$0x2] =	stream.indirect.gather [hbm4b:s6+s30], $0x80, s19, s30, $0xb8;
	[tilespmem:$0x1E400] =	vst v63  }
0x2b3: {  	_ =	swait.ge [sflag:s1], $0x4000  }
0x2b4: {  	[sflag:s1] =	ssyncset.done $0x0  }
0x2b5: {  	[sflag:s1] =	ssyncadd.s32 $0xFFFFC000  }
0x2b6: {  	[spmem:s4] =	stream.indirect.scatter.add.f32 [tilespmem:s2], [sflag:$0x4], $0x80, s20, s30, $0xb8;
	[tilespmem:$0x1E400] =	vst v63  }
0x2b7: {  	_ =	swait.ge [sflag:s10], $0x4000  }
0x2b8: {  	[sflag:s10] =	ssyncset.done $0x0  }
0x2b9: {  	[sflag:s10] =	ssyncadd.s32 $0xFFFFC000  }
0x2ba: {  	[tilespmem:s26], [sflag:$0x1] =	stream.indirect.gather [hbm4b:s6+s30], $0x80, s21, s30, $0xb8;
	[tilespmem:$0x1E400] =	vst v63  }
0x2bb: {  	_ =	swait.ge [sflag:s31], $0x4000  }
0x2bc: {  	[sflag:s31] =	ssyncset.done $0x0  }
0x2bd: {  	[sflag:s31] =	ssyncadd.s32 $0xFFFFC000  }
0x2be: {  	[spmem:s4] =	stream.indirect.scatter.add.f32 [tilespmem:s26], [sflag:$0x3], $0x80, s22, s30, $0xb8;
	[tilespmem:$0x1E400] =	vst v63  }
0x2bf: {  	_ =	swait.ge [sflag:s13], $0x4000  }
0x2c0: {  	[sflag:s13] =	ssyncset.done $0x0  }
0x2c1: {  	[sflag:s13] =	ssyncadd.s32 $0xFFFFC000  }
0x2c2: {  	[tilespmem:s2], [sflag:$0x2] =	stream.indirect.gather [hbm4b:s6+s30], $0x80, s23, s30, $0xb8;
	[tilespmem:$0x1E400] =	vst v63  }
0x2c3: {  	_ =	swait.ge [sflag:s1], $0x4000  }
0x2c4: {  	[sflag:s1] =	ssyncset.done $0x0  }
0x2c5: {  	s9 =	simm.s32 $0xB80;
	[sflag:s1] =	ssyncadd.s32 $0xFFFFC000  }
0x2c6: {  	[spmem:s4] =	stream.indirect.scatter.add.f32 [tilespmem:s2], [sflag:$0x4], $0x80, s9, s30, $0xb8;
	[tilespmem:$0x1E400] =	vst v63  }
0x2c7: {  	_ =	swait.ge [sflag:s10], $0x4000  }
0x2c8: {  	[sflag:s10] =	ssyncset.done $0x0  }
0x2c9: {  	[sflag:s10] =	ssyncadd.s32 $0xFFFFC000  }
0x2ca: {  	_ =	swait.ge [sflag:s13], $0x4000  }
0x2cb: {  	[sflag:s13] =	ssyncset.done $0x0  }
0x2cc: {  	[sflag:s13] =	ssyncadd.s32 $0xFFFFC000  }
0x2cd: {  	[bflag:$0x0] =	sbarrier.arrive $0xFFFF  }
0x2ce: {  	s23 =	rddreg [dreg:$0x18]  }
0x2cf: {  	[tilespmem:s26], [sflag:$0x5] =	stream.linear.gather [spmem:s23], $0x4000, $0x38;
	[tilespmem:$0x1E400] =	vst v63  }
0x2d0: {  	_ =	swait.ge [sflag:s28], $0x4000  }
0x2d1: {  	[sflag:s28] =	ssyncset.done $0x0  }
0x2d2: {  	s11 =	rddreg [dreg:$0x1e];
	[sflag:s28] =	ssyncadd.s32 $0xFFFFC000  }
0x2d3: {  	[hbm4b:s11+s5] =	stream.linear.scatter [tilespmem:s26], [sflag:$0x5], $0x4000, $0x38;
	[tilespmem:$0x1E400] =	vst v63  }
0x2d4: {  	_ =	swait.ge [sflag:s28], $0x4000  }
0x2d5: {  	s12 =	sld [smem:$0x7FA]  }
0x2d6: {  	[sflag:s28] =	ssyncset.done $0x0  }
0x2d7: {  	[sflag:s28] =	ssyncadd.s32 $0xFFFFC000  }
0x2d8: {  	[tilespmem:s26], [sflag:$0x5] =	stream.linear.gather [spmem:s12], $0x4000, $0x38;
	[tilespmem:$0x1E400] =	vst v63  }
0x2d9: {  	_ =	swait.ge [sflag:s28], $0x4000  }
0x2da: {  	[sflag:s28] =	ssyncset.done $0x0  }
0x2db: {  	s14 =	rddreg [dreg:$0x1f];
	[sflag:s28] =	ssyncadd.s32 $0xFFFFC000  }
0x2dc: {  	[hbm4b:s14+s5] =	stream.linear.scatter [tilespmem:s26], [sflag:$0x5], $0x4000, $0x38;
	[tilespmem:$0x1E400] =	vst v63  }
0x2dd: {  	_ =	swait.ge [sflag:s28], $0x4000  }
0x2de: {  	s15 =	sld [smem:$0x7FB]  }
0x2df: {  	[sflag:s28] =	ssyncset.done $0x0  }
0x2e0: {  	[sflag:s28] =	ssyncadd.s32 $0xFFFFC000  }
0x2e1: {  	[tilespmem:s26], [sflag:$0x5] =	stream.linear.gather [spmem:s15], $0x4000, $0x38;
	[tilespmem:$0x1E400] =	vst v63  }
0x2e2: {  	_ =	swait.ge [sflag:s28], $0x4000  }
0x2e3: {  	s16 =	sld [smem:$0x7F5]  }
0x2e4: {  	[sflag:s28] =	ssyncset.done $0x0  }
0x2e5: {  	[sflag:s28] =	ssyncadd.s32 $0xFFFFC000  }
0x2e6: {  	[hbm4b:s16+s5] =	stream.linear.scatter [tilespmem:s26], [sflag:$0x5], $0x4000, $0x38;
	[tilespmem:$0x1E400] =	vst v63  }
0x2e7: {  	_ =	swait.ge [sflag:s28], $0x4000  }
0x2e8: {  	s17 =	sld [smem:$0x7FC]  }
0x2e9: {  	[sflag:s28] =	ssyncset.done $0x0  }
0x2ea: {  	[sflag:s28] =	ssyncadd.s32 $0xFFFFC000  }
0x2eb: {  	[tilespmem:s26], [sflag:$0x5] =	stream.linear.gather [spmem:s17], $0x4000, $0x38;
	[tilespmem:$0x1E400] =	vst v63  }
0x2ec: {  	_ =	swait.ge [sflag:s28], $0x4000  }
0x2ed: {  	s18 =	sld [smem:$0x7F6]  }
0x2ee: {  	[sflag:s28] =	ssyncset.done $0x0  }
0x2ef: {  	[sflag:s28] =	ssyncadd.s32 $0xFFFFC000  }
0x2f0: {  	[hbm4b:s18+s5] =	stream.linear.scatter [tilespmem:s26], [sflag:$0x5], $0x4000, $0x38;
	[tilespmem:$0x1E400] =	vst v63  }
0x2f1: {  	_ =	swait.ge [sflag:s28], $0x4000  }
0x2f2: {  	s19 =	sld [smem:$0x7FD]  }
0x2f3: {  	[sflag:s28] =	ssyncset.done $0x0  }
0x2f4: {  	[sflag:s28] =	ssyncadd.s32 $0xFFFFC000  }
0x2f5: {  	[tilespmem:s26], [sflag:$0x5] =	stream.linear.gather [spmem:s19], $0x4000, $0x38;
	[tilespmem:$0x1E400] =	vst v63  }
0x2f6: {  	_ =	swait.ge [sflag:s28], $0x4000  }
0x2f7: {  	s20 =	sld [smem:$0x7F7]  }
0x2f8: {  	[sflag:s28] =	ssyncset.done $0x0  }
0x2f9: {  	[sflag:s28] =	ssyncadd.s32 $0xFFFFC000  }
0x2fa: {  	[hbm4b:s20+s5] =	stream.linear.scatter [tilespmem:s26], [sflag:$0x5], $0x4000, $0x38;
	[tilespmem:$0x1E400] =	vst v63  }
0x2fb: {  	_ =	swait.ge [sflag:s28], $0x4000  }
0x2fc: {  	[sflag:s28] =	ssyncset.done $0x0  }
0x2fd: {  	s25 =	rddreg [dreg:$0x19];
	[sflag:s28] =	ssyncadd.s32 $0xFFFFC000  }
0x2fe: {  	[tilespmem:s26], [sflag:$0x5] =	stream.linear.gather [spmem:s25], $0x1400, $0x38;
	[tilespmem:$0x1E400] =	vst v63  }
0x2ff: {  	_ =	swait.ge [sflag:s28], $0x1400  }
0x300: {  	[sflag:s28] =	ssyncset.done $0x0  }
0x301: {  	s21 =	rddreg [dreg:$0x1a];
	[sflag:s28] =	ssyncadd.s32 $0xFFFFEC00  }
0x302: {  	[hbm4b:s21+s5] =	stream.linear.scatter [tilespmem:s26], [sflag:$0x5], $0x1400, $0x38;
	[tilespmem:$0x1E400] =	vst v63  }
0x303: {  	_ =	swait.ge [sflag:s28], $0x1400  }
0x304: {  	s24 =	sadd.s32 $0x1, s24;
	s22 =	rddreg [dreg:$0x1b]  }
0x305: {  	s9 =	simm.s32 $0x880;
	p0 =	sne.s32 s24, s22  }
.Ltmp4:
0x306: {  	s11 =	simm.s32 $0x100;
	s12 =	simm.s32 $0x900;
	(pc) =	sbr.rel @p0 .LBB2_1-.Ltmp4, $4  }
.Ltmp5:
0x307: {  	s14 =	simm.s32 $0x180;
	s15 =	simm.s32 $0x980;
	(pc) =	sbr.rel @!p0 .LBB2_9-.Ltmp5, $4  }
0x308: {  	s16 =	simm.s32 $0x200;
	s17 =	simm.s32 $0xA00;
	s18 =	simm.s32 $0x280  }
0x309: {  	s19 =	simm.s32 $0xA80;
	s20 =	simm.s32 $0x300;
	[sflag:s28] =	ssyncset.done $0x0  }
0x30a: {  	s21 =	simm.s32 $0xB00;
	[sflag:s28] =	ssyncadd.s32 $0xFFFFEC00;
	s22 =	simm.s32 $0x380  }
0x30b: {  	_ = 	snop  }
.LBB2_5:
.Ltmp6:
0x30c: {  	(pc) =	sbr.rel .LBB2_8-.Ltmp6, $2  }
0x30d: {  	_ =	sdelay $0x2  }
0x30e: {  	s8 =	simm.s32 $0x80;
	s24 =	sld [smem:$0x7F4]  }
.LBB2_9:
0x30f: {  	_ =	sfence.sel $0x180000  }
0x310: {  	[bflag:$0x0] =	sbarrier.arrive $0xFFFF  }
0x311: {  	_ =	strace $0x90000047  }
0x312: {  	s0 =	stileid.u32;
	[bflag:$0x2] =	sbarrier.arrive $0xFFFF  }
0x313: {  	p0 =	sne.s32 s0, $0x0;
	s0 =	rddreg [dreg:$0x4]  }
0x314: {  	s0 =	sadd.s32 @!p0 $0x100000, s0  }
0x315: {  	[sflag:s0] =	ssyncadd.tile.s32 @!p0 $0x1;
	_ =	shalt  }
.Lfunc_end2:
_tile_overlayer_lowered:
.L_overlay_start_2:
0x316: {  	(tag) =	ssettag $0x2  }
0x317: {  	s0 =	rddreg [dreg:$0x0];
	s2 =	stileid.u32  }
0x318: {  	s1 =	rddreg [dreg:$0x1];
	p0 =	sne.s32 s2, $0x0  }
0x319: {  	s3 =	rddreg [dreg:$0x2];
	[bflag:$0x3] =	sbarrier.arrive $0xFFFF;
	s2 =	simm.s32 @!p0 $0x1C05  }
0x31a: {  	[timem:s3], [sflag:s2] =	dma.local @!p0 [hbm:s0], s1  }
0x31b: {  	s0 =	simm.s32 @!p0 $0x5  }
0x31c: {  	_ =	swait.ge @!p0 [sflag:s0], s1  }
0x31d: {  	s1 =	ssub.s32 @!p0 $0x0, s1;
	[sflag:s0] =	ssyncset.done @!p0 $0x0  }
0x31e: {  	[sflag:s0] =	ssyncadd.s32 @!p0 s1  }
0x31f: {  	[bflag:$0x3] =	sbarrier.arrive $0xFFFF  }
0x320: {  	_ =	shalt  }

</sc_bundles>
